<compile_context>
chip_gen: v7x
topology: tpu7x:2x2x1
jax: 0.10.2.dev20260603
libtpu: 0.0.44.dev20260713+nightly
codegen_flags: <defaults>
</compile_context>

<pallas_src>
import functools

import jax
import jax.numpy as jnp
from jax import lax
from jax.experimental import pallas as pl
from jax.experimental.pallas import tpu as pltpu
from jax.experimental.pallas import tpu_sc as plsc

N = 10000
E = 320000
D = 128

NC = 2
NS = 16
NW = NC * NS

EPW = E // NW
CH = 128
NCHUNK = 80
EPW_PAD = NCHUNK * CH
PAD_PER_TILE = EPW_PAD - EPW

N_PAD = 10112
JUNK_ROW = N
ROWS_PER_TILE = N_PAD // NS

MESH = plsc.VectorSubcoreMesh(core_axis_name="c", subcore_axis_name="s",
                              num_cores=NC, num_subcores=NS)


@functools.partial(
    pl.kernel,
    out_type=jax.ShapeDtypeStruct((NW, N), jnp.float32),
    mesh=MESH,
    compiler_params=pltpu.CompilerParams(needs_layout_passes=False),
    scratch_types=[
        pltpu.VMEM((N,), jnp.float32),
        pltpu.VMEM((EPW,), jnp.int32),
    ],
)
def _deg_kernel(dst_hbm, out_hbm, counts_v, idx_v):
    c = lax.axis_index("c")
    s = lax.axis_index("s")
    wid = c * NS + s

    zeros16 = jnp.zeros((16,), jnp.float32)

    def zero_body(i, _):
        counts_v[pl.ds(i * 16, 16)] = zeros16
        return 0

    lax.fori_loop(0, N // 16, zero_body, 0)

    pltpu.sync_copy(dst_hbm.at[wid], idx_v)

    ones16 = jnp.ones((16,), jnp.float32)

    def acc_body(i, _):
        idx = idx_v[pl.ds(i * 16, 16)]
        plsc.addupdate_scatter(counts_v, [idx], ones16)
        return 0

    lax.fori_loop(0, EPW // 16, acc_body, 0)

    pltpu.sync_copy(counts_v, out_hbm.at[wid])


@functools.partial(
    pl.kernel,
    out_type=jax.ShapeDtypeStruct((NC, N_PAD, D), jnp.float32),
    mesh=MESH,
    compiler_params=pltpu.CompilerParams(needs_layout_passes=False),
    scratch_types=[
        pltpu.VMEM((4, 2, CH), jnp.int32),
        pltpu.VMEM((CH, D), jnp.float32),
        pltpu.VMEM((CH, D), jnp.float32),
        pltpu.SemaphoreType.DMA,
        pltpu.SemaphoreType.DMA,
        pltpu.SemaphoreType.DMA,
        pltpu.SemaphoreType.DMA,
        pltpu.SemaphoreType.DMA,
        pltpu.SemaphoreType.DMA,
        pltpu.SemaphoreType.DMA,
        pltpu.SemaphoreType.DMA,
        pltpu.VMEM_SHARED((N_PAD, D), jnp.float32),
    ],
)
def _edge_kernel(g_hbm, sd_hbm, out_hbm, idx_v, rows0, rows1,
                 sg0, sg1, ss0, ss1, si0, si1, si2, si3, acc_sh):
    c = lax.axis_index("c")
    s = lax.axis_index("s")
    wid = c * NS + s

    zeros16 = jnp.zeros((16,), jnp.float32)

    def zero_body(i, _):
        r = i // (D // 16)
        k = i % (D // 16)
        rows0[r, pl.ds(k * 16, 16)] = zeros16
        return 0

    lax.fori_loop(0, CH * (D // 16), zero_body, 0)

    def zero_acc(t, _):
        pltpu.sync_copy(rows0,
                        acc_sh.at[pl.ds(s * ROWS_PER_TILE + t * CH, CH)])
        return 0

    NZ = ROWS_PER_TILE // CH
    lax.fori_loop(0, NZ, zero_acc, 0)
    rem = ROWS_PER_TILE - NZ * CH
    pltpu.sync_copy(rows0.at[pl.ds(0, rem)],
                    acc_sh.at[pl.ds(s * ROWS_PER_TILE + NZ * CH, rem)])

    plsc.subcore_barrier()

    def load_idx(chunk, slot, sem):
        pltpu.async_copy(sd_hbm.at[wid, chunk], idx_v.at[slot], sem)

    def wait_idx(chunk, slot, sem):
        pltpu.make_async_copy(sd_hbm.at[wid, chunk], idx_v.at[slot],
                              sem).wait()

    def gather(chunk, slot, rows, sem):
        pltpu.async_copy(g_hbm.at[idx_v.at[slot, 0]], rows, sem)

    def wait_gather(slot, rows, sem):
        pltpu.make_async_copy(g_hbm.at[idx_v.at[slot, 0]], rows, sem).wait()

    def scatter(slot, rows, sem):
        pltpu.async_copy(rows, acc_sh.at[idx_v.at[slot, 1]], sem, add=True)

    def wait_scatter(slot, rows, sem):
        pltpu.make_async_copy(rows, acc_sh.at[idx_v.at[slot, 1]], sem).wait()

    load_idx(0, 0, si0)
    load_idx(1, 1, si1)
    load_idx(2, 2, si2)
    load_idx(3, 3, si3)
    wait_idx(0, 0, si0)
    gather(0, 0, rows0, sg0)
    wait_idx(1, 1, si1)
    gather(1, 1, rows1, sg1)

    def chunk_body(j4, _):
        j = 4 * j4
        wait_gather(0, rows0, sg0)
        scatter(0, rows0, ss0)
        wait_gather(1, rows1, sg1)
        scatter(1, rows1, ss1)

        @pl.when(j + 2 < NCHUNK)
        def _ahead0():
            wait_idx(j + 2, 2, si2)
            wait_scatter(0, rows0, ss0)
            gather(j + 2, 2, rows0, sg0)

            @pl.when(j + 4 < NCHUNK)
            def _():
                load_idx(j + 4, 0, si0)

        @pl.when(j + 3 < NCHUNK)
        def _ahead1():
            wait_idx(j + 3, 3, si3)
            wait_scatter(1, rows1, ss1)
            gather(j + 3, 3, rows1, sg1)

            @pl.when(j + 5 < NCHUNK)
            def _():
                load_idx(j + 5, 1, si1)

        @pl.when(j + 2 < NCHUNK)
        def _second_half():
            wait_gather(2, rows0, sg0)
            scatter(2, rows0, ss0)

            @pl.when(j + 3 < NCHUNK)
            def _():
                wait_gather(3, rows1, sg1)
                scatter(3, rows1, ss1)

            @pl.when(j + 4 < NCHUNK)
            def _ahead2():
                wait_idx(j + 4, 0, si0)
                wait_scatter(2, rows0, ss0)
                gather(j + 4, 0, rows0, sg0)

                @pl.when(j + 6 < NCHUNK)
                def _():
                    load_idx(j + 6, 2, si2)

            @pl.when(j + 5 < NCHUNK)
            def _ahead3():
                wait_idx(j + 5, 1, si1)
                wait_scatter(3, rows1, ss1)
                gather(j + 5, 1, rows1, sg1)

                @pl.when(j + 7 < NCHUNK)
                def _():
                    load_idx(j + 7, 3, si3)

        return 0

    lax.fori_loop(0, NCHUNK // 4, chunk_body, 0)
    wait_scatter(2, rows0, ss0)
    wait_scatter(3, rows1, ss1)

    plsc.subcore_barrier()

    pltpu.sync_copy(acc_sh.at[pl.ds(s * ROWS_PER_TILE, ROWS_PER_TILE)],
                    out_hbm.at[c, pl.ds(s * ROWS_PER_TILE, ROWS_PER_TILE)])


def _invs_body(degp_ref, invs_ref):
    deg = jnp.sum(degp_ref[...], axis=0) + 1.0
    invs_ref[...] = lax.rsqrt(deg)[None, :]


def _invs_kernel(degp):
    return pl.pallas_call(
        _invs_body,
        out_shape=jax.ShapeDtypeStruct((1, N), jnp.float32),
    )(degp)


BLK = 1000
GRID = N // BLK


def _mm1_body(x_ref, w_ref, invs_ref, h_ref, g_ref):
    h = jnp.dot(x_ref[...], w_ref[...], preferred_element_type=jnp.float32)
    h_ref[...] = h
    g_ref[...] = h * invs_ref[...]


def _mm1_kernel(x, w, invs_col):
    return pl.pallas_call(
        _mm1_body,
        grid=(GRID,),
        in_specs=[
            pl.BlockSpec((BLK, D), lambda i: (i, 0)),
            pl.BlockSpec((D, D), lambda i: (0, 0)),
            pl.BlockSpec((BLK, 1), lambda i: (i, 0)),
        ],
        out_specs=[
            pl.BlockSpec((BLK, D), lambda i: (i, 0)),
            pl.BlockSpec((BLK, D), lambda i: (i, 0)),
        ],
        out_shape=[
            jax.ShapeDtypeStruct((N, D), jnp.float32),
            jax.ShapeDtypeStruct((N, D), jnp.float32),
        ],
    )(x, w, invs_col)


def _mid_body(a0_ref, a1_ref, h_ref, invs_ref, b_ref, w_ref, h2_ref, g2_ref):
    invs = invs_ref[...]
    out1 = invs * (a0_ref[...] + a1_ref[...]) + (invs * invs) * h_ref[...] \
        + b_ref[...]
    h2 = jnp.dot(out1, w_ref[...], preferred_element_type=jnp.float32)
    h2_ref[...] = h2
    g2_ref[...] = h2 * invs


def _mid_kernel(a0, a1, h, invs_col, b_row, w):
    return pl.pallas_call(
        _mid_body,
        grid=(GRID,),
        in_specs=[
            pl.BlockSpec((BLK, D), lambda i: (i, 0)),
            pl.BlockSpec((BLK, D), lambda i: (i, 0)),
            pl.BlockSpec((BLK, D), lambda i: (i, 0)),
            pl.BlockSpec((BLK, 1), lambda i: (i, 0)),
            pl.BlockSpec((1, D), lambda i: (0, 0)),
            pl.BlockSpec((D, D), lambda i: (0, 0)),
        ],
        out_specs=[
            pl.BlockSpec((BLK, D), lambda i: (i, 0)),
            pl.BlockSpec((BLK, D), lambda i: (i, 0)),
        ],
        out_shape=[
            jax.ShapeDtypeStruct((N, D), jnp.float32),
            jax.ShapeDtypeStruct((N, D), jnp.float32),
        ],
    )(a0, a1, h, invs_col, b_row, w)


def _fin_body(a0_ref, a1_ref, h_ref, invs_ref, b_ref, out_ref):
    invs = invs_ref[...]
    out_ref[...] = invs * (a0_ref[...] + a1_ref[...]) \
        + (invs * invs) * h_ref[...] + b_ref[...]


def _fin_kernel(a0, a1, h, invs_col, b_row):
    return pl.pallas_call(
        _fin_body,
        grid=(GRID,),
        in_specs=[
            pl.BlockSpec((BLK, D), lambda i: (i, 0)),
            pl.BlockSpec((BLK, D), lambda i: (i, 0)),
            pl.BlockSpec((BLK, D), lambda i: (i, 0)),
            pl.BlockSpec((BLK, 1), lambda i: (i, 0)),
            pl.BlockSpec((1, D), lambda i: (0, 0)),
        ],
        out_specs=pl.BlockSpec((BLK, D), lambda i: (i, 0)),
        out_shape=jax.ShapeDtypeStruct((N, D), jnp.float32),
    )(a0, a1, h, invs_col, b_row)


@jax.jit
def kernel(x, edge_index, W1, b1, W2, b2):
    src = edge_index[0].astype(jnp.int32)
    dst = edge_index[1].astype(jnp.int32)

    src2 = src.reshape(NW, EPW)
    dst2 = dst.reshape(NW, EPW)
    src_p = jnp.concatenate(
        [src2, jnp.zeros((NW, PAD_PER_TILE), jnp.int32)], axis=1
    ).reshape(NW, NCHUNK, CH)
    dst_p = jnp.concatenate(
        [dst2, jnp.full((NW, PAD_PER_TILE), JUNK_ROW, jnp.int32)], axis=1
    ).reshape(NW, NCHUNK, CH)
    sd = jnp.stack([src_p, dst_p], axis=2)

    degp = _deg_kernel(dst2)
    invs_col = _invs_kernel(degp).reshape(N, 1)

    b1_row = b1.reshape(1, D)
    b2_row = b2.reshape(1, D)

    h1, g1 = _mm1_kernel(x, W1, invs_col)
    acc1 = _edge_kernel(g1, sd)
    h2, g2 = _mid_kernel(acc1[0], acc1[1], h1, invs_col, b1_row, W2)
    acc2 = _edge_kernel(g2, sd)
    out = _fin_kernel(acc2[0], acc2[1], h2, invs_col, b2_row)
    return out

# --- scband reference (transcript-rebuilt; emitter-appended) ---
"""Pipeline reference for scband-graph-space-68865505624665 (READ-ONLY COPY).

The authoritative reference and input builder live on the scoring server;
editing this copy changes nothing except your own understanding.
"""

import jax, jax.numpy as jnp
import numpy as np

N_NODES = 10000
N_EDGES = 320000
D_IN = 128
D_HID = 128
D_OUT = 128


def setup_inputs(seed: int = 0) -> dict:
    key = jax.random.key(seed)
    k1, k2, k3, k4, k5, k6 = jax.random.split(key, 6)
    x = jax.random.normal(k1, (N_NODES, D_IN), dtype=jnp.float32)
    edge_index = jax.random.randint(k2, (2, N_EDGES), 0, N_NODES, dtype=jnp.int64)
    # GCNConv layer 1 params (Glorot-like scale)
    W1 = jax.random.normal(k3, (D_IN, D_HID), dtype=jnp.float32) * (1.0 / np.sqrt(D_IN))
    b1 = jnp.zeros((D_HID,), dtype=jnp.float32)
    # GCNConv layer 2 params
    W2 = jax.random.normal(k4, (D_HID, D_OUT), dtype=jnp.float32) * (1.0 / np.sqrt(D_HID))
    b2 = jnp.zeros((D_OUT,), dtype=jnp.float32)
    return {"x": x, "edge_index": edge_index, "W1": W1, "b1": b1, "W2": W2, "b2": b2}


def _gcn_layer(x, edge_index, W, b):
    # GCNConv: x' = D^{-1/2} (A + I) D^{-1/2} X W + b
    N = x.shape[0]
    loop = jnp.arange(N, dtype=edge_index.dtype)
    src = jnp.concatenate([edge_index[0], loop])
    dst = jnp.concatenate([edge_index[1], loop])
    h = x @ W
    deg = jnp.zeros((N,), dtype=h.dtype).at[dst].add(1.0)
    inv_sqrt = 1.0 / jnp.sqrt(jnp.clip(deg, 1.0))
    norm = inv_sqrt[src] * inv_sqrt[dst]
    msg = h[src] * norm[:, None]
    out = jnp.zeros_like(h).at[dst].add(msg)
    return out + b


def reference(x, edge_index, W1, b1, W2, b2):
    # GraphSpace with both LayerChoice ops fixed to GCNConv
    h = _gcn_layer(x, edge_index, W1, b1)
    out = _gcn_layer(h, edge_index, W2, b2)
    return out

if __name__ == "__main__":
    import jax
    _d = setup_inputs()
    print(jax.jit(kernel)(*tuple(_d.values())))

</pallas_src>

<mosaic_0001>
#map = affine_map<(d0, d1) -> (0, 0)>
#map1 = affine_map<(d0, d1) -> (0, 0, 0, 0)>
#map2 = affine_map<(d0, d1) -> (0, 0, 0)>
module attributes {stable_mosaic.version = 14 : i64} {
  func.func @_edge_kernel(%arg0: i32, %arg1: i32, %arg2: memref<10000x128xf32, #tpu.memory_space<hbm>>, %arg3: memref<32x80x2x128xi32, #tpu.memory_space<hbm>>, %arg4: memref<2x10112x128xf32, #tpu.memory_space<hbm>>, %arg5: memref<4x2x128xi32, #tpu.memory_space<vmem>>, %arg6: memref<128x128xf32, #tpu.memory_space<vmem>>, %arg7: memref<128x128xf32, #tpu.memory_space<vmem>>, %arg8: memref<!tpu.dma_semaphore, #tpu.memory_space<semaphore_mem>>, %arg9: memref<!tpu.dma_semaphore, #tpu.memory_space<semaphore_mem>>, %arg10: memref<!tpu.dma_semaphore, #tpu.memory_space<semaphore_mem>>, %arg11: memref<!tpu.dma_semaphore, #tpu.memory_space<semaphore_mem>>, %arg12: memref<!tpu.dma_semaphore, #tpu.memory_space<semaphore_mem>>, %arg13: memref<!tpu.dma_semaphore, #tpu.memory_space<semaphore_mem>>, %arg14: memref<!tpu.dma_semaphore, #tpu.memory_space<semaphore_mem>>, %arg15: memref<!tpu.dma_semaphore, #tpu.memory_space<semaphore_mem>>, %arg16: memref<10112x128xf32, #tpu.memory_space<vmem_shared>>) attributes {dimension_semantics = [#tpu.dimension_semantics<core_parallel>, #tpu.dimension_semantics<subcore_parallel>], iteration_bounds = array<i64: 2, 16>, scalar_prefetch = 0 : i64, scratch_operands = 12 : i64, tpu.core_type = #tpu.core_type<sc_vector_subcore>, window_params = [{transform_indices = #map}, {transform_indices = #map1}, {transform_indices = #map2}]} {
    %mul3A = arith.constant 16 : i32
    %mul3A_0 = arith.muli %arg0, %mul3A : i32
    %add3A = arith.addi %mul3A_0, %arg1 : i32
    %broadcast_in_dim3A = arith.constant 0.000000e+00 : f32
    %broadcast_in_dim3A_1 = vector.broadcast %broadcast_in_dim3A : f32 to vector<16xf32>
    %scan3A = arith.constant 0 : i32
    %scan3A_2 = arith.constant 0 : i32
    %scan3A_3 = arith.constant 1024 : i32
    %scan3A_4 = arith.addi %scan3A_2, %scan3A_3 : i32
    %scan3A_5 = arith.constant 1 : i32
    %scan3A_6 = scf.for %scan3A_169 = %scan3A_2 to %scan3A_4 step %scan3A_5 iter_args(%scan3A_170 = %scan3A) -> (i32)  : i32 {
      %jit3A = arith.constant 8 : i32
      %div3A = arith.divsi %scan3A_169, %jit3A : i32
      %sign3A = arith.constant 0 : i32
      %sign3A_171 = arith.cmpi sgt, %scan3A_169, %sign3A : i32
      %sign3A_172 = arith.extui %sign3A_171 : i1 to i32
      %sign3A_173 = arith.constant 0 : i32
      %sign3A_174 = arith.cmpi slt, %scan3A_169, %sign3A_173 : i32
      %sign3A_175 = arith.extui %sign3A_174 : i1 to i32
      %sign3A_176 = arith.subi %sign3A_172, %sign3A_175 : i32
      %sign3A_177 = arith.constant 0 : i32
      %sign3A_178 = arith.cmpi sgt, %jit3A, %sign3A_177 : i32
      %sign3A_179 = arith.extui %sign3A_178 : i1 to i32
      %sign3A_180 = arith.constant 0 : i32
      %sign3A_181 = arith.cmpi slt, %jit3A, %sign3A_180 : i32
      %sign3A_182 = arith.extui %sign3A_181 : i1 to i32
      %sign3A_183 = arith.subi %sign3A_179, %sign3A_182 : i32
      %ne3A = arith.cmpi ne, %sign3A_176, %sign3A_183 : i32
      %rem3A = arith.remsi %scan3A_169, %jit3A : i32
      %ne3A_184 = arith.constant 0 : i32
      %ne3A_185 = arith.cmpi ne, %rem3A, %ne3A_184 : i32
      %and3A = arith.andi %ne3A, %ne3A_185 : i1
      %sub3A = arith.constant 1 : i32
      %sub3A_186 = arith.subi %div3A, %sub3A : i32
      %select_n3A = arith.select %and3A, %sub3A_186, %div3A : i32
      %jit3A_187 = arith.constant 8 : i32
      %eq3A = arith.constant 0 : i32
      %eq3A_188 = arith.cmpi eq, %jit3A_187, %eq3A : i32
      %jit3A_189 = arith.constant 1 : i32
      %select_n3A_190 = arith.select %eq3A_188, %jit3A_189, %jit3A_187 : i32
      %rem3A_191 = arith.remsi %scan3A_169, %select_n3A_190 : i32
      %ne3A_192 = arith.constant 0 : i32
      %ne3A_193 = arith.cmpi ne, %rem3A_191, %ne3A_192 : i32
      %lt3A = arith.constant 0 : i32
      %lt3A_194 = arith.cmpi slt, %rem3A_191, %lt3A : i32
      %lt3A_195 = arith.constant 0 : i32
      %lt3A_196 = arith.cmpi slt, %select_n3A_190, %lt3A_195 : i32
      %ne3A_197 = arith.xori %lt3A_194, %lt3A_196 : i1
      %and3A_198 = arith.andi %ne3A_197, %ne3A_193 : i1
      %add3A_199 = arith.addi %rem3A_191, %select_n3A_190 : i32
      %select_n3A_200 = arith.select %and3A_198, %add3A_199, %rem3A_191 : i32
      %mul3A_201 = arith.constant 16 : i32
      %mul3A_202 = arith.muli %select_n3A_200, %mul3A_201 : i32
      %swap3A = arith.index_cast %select_n3A : i32 to index
      %swap3A_203 = arith.index_cast %mul3A_202 : i32 to index
      %swap3A_204 = tpu.vector_load %arg6[%swap3A, %swap3A_203] {strides = array<i32>} : memref<128x128xf32, #tpu.memory_space<vmem>>, vector<16xf32>,
      tpu.vector_store %arg6[%swap3A, %swap3A_203], %broadcast_in_dim3A_1 {strides = array<i32>} : memref<128x128xf32, #tpu.memory_space<vmem>>, vector<16xf32>,
      %scan3A_205 = arith.constant 0 : i32
      scf.yield %scan3A_205 : i32
    }
    %scan3A_7 = arith.constant 1024 : i32
    %scan3A_8 = arith.constant 0 : i32
    %scan3A_9 = arith.constant 0 : i32
    %scan3A_10 = arith.constant 4 : i32
    %scan3A_11 = arith.addi %scan3A_9, %scan3A_10 : i32
    %scan3A_12 = arith.constant 1 : i32
    %scan3A_13 = scf.for %scan3A_169 = %scan3A_9 to %scan3A_11 step %scan3A_12 iter_args(%scan3A_170 = %scan3A_8) -> (i32)  : i32 {
      %mul3A_171 = arith.constant 632 : i32
      %mul3A_172 = arith.muli %arg1, %mul3A_171 : i32
      %mul3A_173 = arith.constant 128 : i32
      %mul3A_174 = arith.muli %scan3A_169, %mul3A_173 : i32
      %add3A_175 = arith.addi %mul3A_172, %mul3A_174 : i32
      "tpu.region"() ({
        %run_scoped3A = tpu.sem_alloc : memref<!tpu.dma_semaphore, #tpu.memory_space<semaphore_mem>>
        %dma_start3A_177 = arith.constant 0 : i32
        %dma_start3A_178 = tpu.memref_slice %arg16[%add3A_175, %dma_start3A_177] : memref<10112x128xf32, #tpu.memory_space<vmem_shared>> -> memref<128x128xf32, #tpu.memory_space<vmem_shared>>
        %dma_start3A_179 = arith.constant 0 : i32
        %dma_start3A_180 = tpu.memref_slice %arg16[%add3A_175, %dma_start3A_179] : memref<10112x128xf32, #tpu.memory_space<vmem_shared>> -> memref<128x128xf32, #tpu.memory_space<vmem_shared>>
        tpu.enqueue_dma source(%arg6 : memref<128x128xf32, #tpu.memory_space<vmem>>) target(%dma_start3A_180 : memref<128x128xf32, #tpu.memory_space<vmem_shared>>) target_semaphore(%run_scoped3A : memref<!tpu.dma_semaphore, #tpu.memory_space<semaphore_mem>>)
        %dma_wait3A_181 = arith.constant 0 : i32
        %dma_wait3A_182 = tpu.memref_slice %arg16[%add3A_175, %dma_wait3A_181] : memref<10112x128xf32, #tpu.memory_space<vmem_shared>> -> memref<128x128xf32, #tpu.memory_space<vmem_shared>>
        %dma_wait3A_183 = arith.constant 0 : i32
        %dma_wait3A_184 = tpu.memref_slice %arg16[%add3A_175, %dma_wait3A_183] : memref<10112x128xf32, #tpu.memory_space<vmem_shared>> -> memref<128x128xf32, #tpu.memory_space<vmem_shared>>
        tpu.wait_dma2 semaphore(%run_scoped3A : memref<!tpu.dma_semaphore, #tpu.memory_space<semaphore_mem>>) src(%arg6 : memref<128x128xf32, #tpu.memory_space<vmem>>) dst(%dma_wait3A_184 : memref<128x128xf32, #tpu.memory_space<vmem_shared>>)
        tpu.yield
      }) : () -> ()
      %scan3A_176 = arith.constant 0 : i32
      scf.yield %scan3A_176 : i32
    }
    %scan3A_14 = arith.constant 4 : i32
    %mul3A_15 = arith.constant 632 : i32
    %mul3A_16 = arith.muli %arg1, %mul3A_15 : i32
    %add3A_17 = arith.constant 512 : i32
    %add3A_18 = arith.addi %mul3A_16, %add3A_17 : i32
    "tpu.region"() ({
      %run_scoped3A = tpu.sem_alloc : memref<!tpu.dma_semaphore, #tpu.memory_space<semaphore_mem>>
      %dma_start3A_169 = arith.constant 0 : i32
      %dma_start3A_170 = arith.constant 0 : i32
      %dma_start3A_171 = tpu.memref_slice %arg6[%dma_start3A_169, %dma_start3A_170] : memref<128x128xf32, #tpu.memory_space<vmem>> -> memref<120x128xf32, #tpu.memory_space<vmem>>
      %dma_start3A_172 = arith.constant 0 : i32
      %dma_start3A_173 = tpu.memref_slice %arg16[%add3A_18, %dma_start3A_172] : memref<10112x128xf32, #tpu.memory_space<vmem_shared>> -> memref<120x128xf32, #tpu.memory_space<vmem_shared>>
      %dma_start3A_174 = arith.constant 0 : i32
      %dma_start3A_175 = tpu.memref_slice %arg16[%add3A_18, %dma_start3A_174] : memref<10112x128xf32, #tpu.memory_space<vmem_shared>> -> memref<120x128xf32, #tpu.memory_space<vmem_shared>>
      %dma_start3A_176 = arith.constant 0 : i32
      %dma_start3A_177 = arith.constant 0 : i32
      %dma_start3A_178 = tpu.memref_slice %arg6[%dma_start3A_176, %dma_start3A_177] : memref<128x128xf32, #tpu.memory_space<vmem>> -> memref<120x128xf32, #tpu.memory_space<vmem>>
      tpu.enqueue_dma source(%dma_start3A_178 : memref<120x128xf32, #tpu.memory_space<vmem>>) target(%dma_start3A_175 : memref<120x128xf32, #tpu.memory_space<vmem_shared>>) target_semaphore(%run_scoped3A : memref<!tpu.dma_semaphore, #tpu.memory_space<semaphore_mem>>)
      %dma_wait3A_179 = arith.constant 0 : i32
      %dma_wait3A_180 = arith.constant 0 : i32
      %dma_wait3A_181 = tpu.memref_slice %arg6[%dma_wait3A_179, %dma_wait3A_180] : memref<128x128xf32, #tpu.memory_space<vmem>> -> memref<120x128xf32, #tpu.memory_space<vmem>>
      %dma_wait3A_182 = arith.constant 0 : i32
      %dma_wait3A_183 = tpu.memref_slice %arg16[%add3A_18, %dma_wait3A_182] : memref<10112x128xf32, #tpu.memory_space<vmem_shared>> -> memref<120x128xf32, #tpu.memory_space<vmem_shared>>
      %dma_wait3A_184 = arith.constant 0 : i32
      %dma_wait3A_185 = tpu.memref_slice %arg16[%add3A_18, %dma_wait3A_184] : memref<10112x128xf32, #tpu.memory_space<vmem_shared>> -> memref<120x128xf32, #tpu.memory_space<vmem_shared>>
      %dma_wait3A_186 = arith.constant 0 : i32
      %dma_wait3A_187 = arith.constant 0 : i32
      %dma_wait3A_188 = tpu.memref_slice %arg6[%dma_wait3A_186, %dma_wait3A_187] : memref<128x128xf32, #tpu.memory_space<vmem>> -> memref<120x128xf32, #tpu.memory_space<vmem>>
      tpu.wait_dma2 semaphore(%run_scoped3A : memref<!tpu.dma_semaphore, #tpu.memory_space<semaphore_mem>>) src(%dma_wait3A_188 : memref<120x128xf32, #tpu.memory_space<vmem>>) dst(%dma_wait3A_185 : memref<120x128xf32, #tpu.memory_space<vmem_shared>>)
      tpu.yield
    }) : () -> ()
    %barrier3A = arith.constant 0 : index
    tpu.barrier barrier_id(%barrier3A)
    %dma_start3A = arith.constant 0 : i32
    %dma_start3A_19 = arith.constant 0 : i32
    %dma_start3A_20 = arith.constant 0 : i32
    %dma_start3A_21 = arith.constant 0 : i32
    %dma_start3A_22 = tpu.memref_slice %arg5[%dma_start3A_19, %dma_start3A_20, %dma_start3A_21] : memref<4x2x128xi32, #tpu.memory_space<vmem>> -> memref<1x2x128xi32, #tpu.memory_space<vmem>>
    %dma_start3A_23 = tpu.memref_squeeze %dma_start3A_22 : memref<1x2x128xi32, #tpu.memory_space<vmem>> -> memref<2x128xi32, #tpu.memory_space<vmem>>
    %dma_start3A_24 = arith.constant 0 : i32
    %dma_start3A_25 = arith.constant 0 : i32
    %dma_start3A_26 = tpu.memref_slice %arg3[%add3A, %dma_start3A, %dma_start3A_24, %dma_start3A_25] : memref<32x80x2x128xi32, #tpu.memory_space<hbm>> -> memref<1x1x2x128xi32, #tpu.memory_space<hbm>>
    %dma_start3A_27 = tpu.memref_squeeze %dma_start3A_26 : memref<1x1x2x128xi32, #tpu.memory_space<hbm>> -> memref<2x128xi32, #tpu.memory_space<hbm>>
    %dma_start3A_28 = arith.constant 0 : i32
    %dma_start3A_29 = arith.constant 0 : i32
    %dma_start3A_30 = tpu.memref_slice %arg5[%dma_start3A_19, %dma_start3A_28, %dma_start3A_29] : memref<4x2x128xi32, #tpu.memory_space<vmem>> -> memref<1x2x128xi32, #tpu.memory_space<vmem>>
    %dma_start3A_31 = tpu.memref_squeeze %dma_start3A_30 : memref<1x2x128xi32, #tpu.memory_space<vmem>> -> memref<2x128xi32, #tpu.memory_space<vmem>>
    %dma_start3A_32 = arith.constant 0 : i32
    %dma_start3A_33 = arith.constant 0 : i32
    %dma_start3A_34 = tpu.memref_slice %arg3[%add3A, %dma_start3A, %dma_start3A_32, %dma_start3A_33] : memref<32x80x2x128xi32, #tpu.memory_space<hbm>> -> memref<1x1x2x128xi32, #tpu.memory_space<hbm>>
    %dma_start3A_35 = tpu.memref_squeeze %dma_start3A_34 : memref<1x1x2x128xi32, #tpu.memory_space<hbm>> -> memref<2x128xi32, #tpu.memory_space<hbm>>
    tpu.enqueue_dma source(%dma_start3A_35 : memref<2x128xi32, #tpu.memory_space<hbm>>) target(%dma_start3A_31 : memref<2x128xi32, #tpu.memory_space<vmem>>) target_semaphore(%arg12 : memref<!tpu.dma_semaphore, #tpu.memory_space<semaphore_mem>>)
    %dma_start3A_36 = arith.constant 1 : i32
    %dma_start3A_37 = arith.constant 1 : i32
    %dma_start3A_38 = arith.constant 0 : i32
    %dma_start3A_39 = arith.constant 0 : i32
    %dma_start3A_40 = tpu.memref_slice %arg5[%dma_start3A_37, %dma_start3A_38, %dma_start3A_39] : memref<4x2x128xi32, #tpu.memory_space<vmem>> -> memref<1x2x128xi32, #tpu.memory_space<vmem>>
    %dma_start3A_41 = tpu.memref_squeeze %dma_start3A_40 : memref<1x2x128xi32, #tpu.memory_space<vmem>> -> memref<2x128xi32, #tpu.memory_space<vmem>>
    %dma_start3A_42 = arith.constant 0 : i32
    %dma_start3A_43 = arith.constant 0 : i32
    %dma_start3A_44 = tpu.memref_slice %arg3[%add3A, %dma_start3A_36, %dma_start3A_42, %dma_start3A_43] : memref<32x80x2x128xi32, #tpu.memory_space<hbm>> -> memref<1x1x2x128xi32, #tpu.memory_space<hbm>>
    %dma_start3A_45 = tpu.memref_squeeze %dma_start3A_44 : memref<1x1x2x128xi32, #tpu.memory_space<hbm>> -> memref<2x128xi32, #tpu.memory_space<hbm>>
    %dma_start3A_46 = arith.constant 0 : i32
    %dma_start3A_47 = arith.constant 0 : i32
    %dma_start3A_48 = tpu.memref_slice %arg5[%dma_start3A_37, %dma_start3A_46, %dma_start3A_47] : memref<4x2x128xi32, #tpu.memory_space<vmem>> -> memref<1x2x128xi32, #tpu.memory_space<vmem>>
    %dma_start3A_49 = tpu.memref_squeeze %dma_start3A_48 : memref<1x2x128xi32, #tpu.memory_space<vmem>> -> memref<2x128xi32, #tpu.memory_space<vmem>>
    %dma_start3A_50 = arith.constant 0 : i32
    %dma_start3A_51 = arith.constant 0 : i32
    %dma_start3A_52 = tpu.memref_slice %arg3[%add3A, %dma_start3A_36, %dma_start3A_50, %dma_start3A_51] : memref<32x80x2x128xi32, #tpu.memory_space<hbm>> -> memref<1x1x2x128xi32, #tpu.memory_space<hbm>>
    %dma_start3A_53 = tpu.memref_squeeze %dma_start3A_52 : memref<1x1x2x128xi32, #tpu.memory_space<hbm>> -> memref<2x128xi32, #tpu.memory_space<hbm>>
    tpu.enqueue_dma source(%dma_start3A_53 : memref<2x128xi32, #tpu.memory_space<hbm>>) target(%dma_start3A_49 : memref<2x128xi32, #tpu.memory_space<vmem>>) target_semaphore(%arg13 : memref<!tpu.dma_semaphore, #tpu.memory_space<semaphore_mem>>)
    %dma_start3A_54 = arith.constant 2 : i32
    %dma_start3A_55 = arith.constant 2 : i32
    %dma_start3A_56 = arith.constant 0 : i32
    %dma_start3A_57 = arith.constant 0 : i32
    %dma_start3A_58 = tpu.memref_slice %arg5[%dma_start3A_55, %dma_start3A_56, %dma_start3A_57] : memref<4x2x128xi32, #tpu.memory_space<vmem>> -> memref<1x2x128xi32, #tpu.memory_space<vmem>>
    %dma_start3A_59 = tpu.memref_squeeze %dma_start3A_58 : memref<1x2x128xi32, #tpu.memory_space<vmem>> -> memref<2x128xi32, #tpu.memory_space<vmem>>
    %dma_start3A_60 = arith.constant 0 : i32
    %dma_start3A_61 = arith.constant 0 : i32
    %dma_start3A_62 = tpu.memref_slice %arg3[%add3A, %dma_start3A_54, %dma_start3A_60, %dma_start3A_61] : memref<32x80x2x128xi32, #tpu.memory_space<hbm>> -> memref<1x1x2x128xi32, #tpu.memory_space<hbm>>
    %dma_start3A_63 = tpu.memref_squeeze %dma_start3A_62 : memref<1x1x2x128xi32, #tpu.memory_space<hbm>> -> memref<2x128xi32, #tpu.memory_space<hbm>>
    %dma_start3A_64 = arith.constant 0 : i32
    %dma_start3A_65 = arith.constant 0 : i32
    %dma_start3A_66 = tpu.memref_slice %arg5[%dma_start3A_55, %dma_start3A_64, %dma_start3A_65] : memref<4x2x128xi32, #tpu.memory_space<vmem>> -> memref<1x2x128xi32, #tpu.memory_space<vmem>>
    %dma_start3A_67 = tpu.memref_squeeze %dma_start3A_66 : memref<1x2x128xi32, #tpu.memory_space<vmem>> -> memref<2x128xi32, #tpu.memory_space<vmem>>
    %dma_start3A_68 = arith.constant 0 : i32
    %dma_start3A_69 = arith.constant 0 : i32
    %dma_start3A_70 = tpu.memref_slice %arg3[%add3A, %dma_start3A_54, %dma_start3A_68, %dma_start3A_69] : memref<32x80x2x128xi32, #tpu.memory_space<hbm>> -> memref<1x1x2x128xi32, #tpu.memory_space<hbm>>
    %dma_start3A_71 = tpu.memref_squeeze %dma_start3A_70 : memref<1x1x2x128xi32, #tpu.memory_space<hbm>> -> memref<2x128xi32, #tpu.memory_space<hbm>>
    tpu.enqueue_dma source(%dma_start3A_71 : memref<2x128xi32, #tpu.memory_space<hbm>>) target(%dma_start3A_67 : memref<2x128xi32, #tpu.memory_space<vmem>>) target_semaphore(%arg14 : memref<!tpu.dma_semaphore, #tpu.memory_space<semaphore_mem>>)
    %dma_start3A_72 = arith.constant 3 : i32
    %dma_start3A_73 = arith.constant 3 : i32
    %dma_start3A_74 = arith.constant 0 : i32
    %dma_start3A_75 = arith.constant 0 : i32
    %dma_start3A_76 = tpu.memref_slice %arg5[%dma_start3A_73, %dma_start3A_74, %dma_start3A_75] : memref<4x2x128xi32, #tpu.memory_space<vmem>> -> memref<1x2x128xi32, #tpu.memory_space<vmem>>
    %dma_start3A_77 = tpu.memref_squeeze %dma_start3A_76 : memref<1x2x128xi32, #tpu.memory_space<vmem>> -> memref<2x128xi32, #tpu.memory_space<vmem>>
    %dma_start3A_78 = arith.constant 0 : i32
    %dma_start3A_79 = arith.constant 0 : i32
    %dma_start3A_80 = tpu.memref_slice %arg3[%add3A, %dma_start3A_72, %dma_start3A_78, %dma_start3A_79] : memref<32x80x2x128xi32, #tpu.memory_space<hbm>> -> memref<1x1x2x128xi32, #tpu.memory_space<hbm>>
    %dma_start3A_81 = tpu.memref_squeeze %dma_start3A_80 : memref<1x1x2x128xi32, #tpu.memory_space<hbm>> -> memref<2x128xi32, #tpu.memory_space<hbm>>
    %dma_start3A_82 = arith.constant 0 : i32
    %dma_start3A_83 = arith.constant 0 : i32
    %dma_start3A_84 = tpu.memref_slice %arg5[%dma_start3A_73, %dma_start3A_82, %dma_start3A_83] : memref<4x2x128xi32, #tpu.memory_space<vmem>> -> memref<1x2x128xi32, #tpu.memory_space<vmem>>
    %dma_start3A_85 = tpu.memref_squeeze %dma_start3A_84 : memref<1x2x128xi32, #tpu.memory_space<vmem>> -> memref<2x128xi32, #tpu.memory_space<vmem>>
    %dma_start3A_86 = arith.constant 0 : i32
    %dma_start3A_87 = arith.constant 0 : i32
    %dma_start3A_88 = tpu.memref_slice %arg3[%add3A, %dma_start3A_72, %dma_start3A_86, %dma_start3A_87] : memref<32x80x2x128xi32, #tpu.memory_space<hbm>> -> memref<1x1x2x128xi32, #tpu.memory_space<hbm>>
    %dma_start3A_89 = tpu.memref_squeeze %dma_start3A_88 : memref<1x1x2x128xi32, #tpu.memory_space<hbm>> -> memref<2x128xi32, #tpu.memory_space<hbm>>
    tpu.enqueue_dma source(%dma_start3A_89 : memref<2x128xi32, #tpu.memory_space<hbm>>) target(%dma_start3A_85 : memref<2x128xi32, #tpu.memory_space<vmem>>) target_semaphore(%arg15 : memref<!tpu.dma_semaphore, #tpu.memory_space<semaphore_mem>>)
    %dma_wait3A = arith.constant 0 : i32
    %dma_wait3A_90 = arith.constant 0 : i32
    %dma_wait3A_91 = arith.constant 0 : i32
    %dma_wait3A_92 = arith.constant 0 : i32
    %dma_wait3A_93 = tpu.memref_slice %arg5[%dma_wait3A_90, %dma_wait3A_91, %dma_wait3A_92] : memref<4x2x128xi32, #tpu.memory_space<vmem>> -> memref<1x2x128xi32, #tpu.memory_space<vmem>>
    %dma_wait3A_94 = tpu.memref_squeeze %dma_wait3A_93 : memref<1x2x128xi32, #tpu.memory_space<vmem>> -> memref<2x128xi32, #tpu.memory_space<vmem>>
    %dma_wait3A_95 = arith.constant 0 : i32
    %dma_wait3A_96 = arith.constant 0 : i32
    %dma_wait3A_97 = tpu.memref_slice %arg3[%add3A, %dma_wait3A, %dma_wait3A_95, %dma_wait3A_96] : memref<32x80x2x128xi32, #tpu.memory_space<hbm>> -> memref<1x1x2x128xi32, #tpu.memory_space<hbm>>
    %dma_wait3A_98 = tpu.memref_squeeze %dma_wait3A_97 : memref<1x1x2x128xi32, #tpu.memory_space<hbm>> -> memref<2x128xi32, #tpu.memory_space<hbm>>
    %dma_wait3A_99 = arith.constant 0 : i32
    %dma_wait3A_100 = arith.constant 0 : i32
    %dma_wait3A_101 = tpu.memref_slice %arg5[%dma_wait3A_90, %dma_wait3A_99, %dma_wait3A_100] : memref<4x2x128xi32, #tpu.memory_space<vmem>> -> memref<1x2x128xi32, #tpu.memory_space<vmem>>
    %dma_wait3A_102 = tpu.memref_squeeze %dma_wait3A_101 : memref<1x2x128xi32, #tpu.memory_space<vmem>> -> memref<2x128xi32, #tpu.memory_space<vmem>>
    %dma_wait3A_103 = arith.constant 0 : i32
    %dma_wait3A_104 = arith.constant 0 : i32
    %dma_wait3A_105 = tpu.memref_slice %arg3[%add3A, %dma_wait3A, %dma_wait3A_103, %dma_wait3A_104] : memref<32x80x2x128xi32, #tpu.memory_space<hbm>> -> memref<1x1x2x128xi32, #tpu.memory_space<hbm>>
    %dma_wait3A_106 = tpu.memref_squeeze %dma_wait3A_105 : memref<1x1x2x128xi32, #tpu.memory_space<hbm>> -> memref<2x128xi32, #tpu.memory_space<hbm>>
    tpu.wait_dma2 semaphore(%arg12 : memref<!tpu.dma_semaphore, #tpu.memory_space<semaphore_mem>>) src(%dma_wait3A_106 : memref<2x128xi32, #tpu.memory_space<hbm>>) dst(%dma_wait3A_102 : memref<2x128xi32, #tpu.memory_space<vmem>>)
    %dma_start3A_107 = arith.constant 0 : i32
    %dma_start3A_108 = arith.constant 0 : i32
    %dma_start3A_109 = arith.constant 0 : i32
    %dma_start3A_110 = tpu.memref_slice %arg5[%dma_start3A_107, %dma_start3A_108, %dma_start3A_109] : memref<4x2x128xi32, #tpu.memory_space<vmem>> -> memref<1x1x128xi32, #tpu.memory_space<vmem>>
    %dma_start3A_111 = tpu.memref_squeeze %dma_start3A_110 : memref<1x1x128xi32, #tpu.memory_space<vmem>> -> memref<128xi32, #tpu.memory_space<vmem>>
    %dma_start3A_112 = arith.constant 0 : i32
    %dma_start3A_113 = arith.constant 0 : i32
    %dma_start3A_114 = tpu.memref_slice %arg2[%dma_start3A_112, %dma_start3A_113] : memref<10000x128xf32, #tpu.memory_space<hbm>> -> memref<10000x128xf32, #tpu.memory_space<hbm>>
    tpu.enqueue_indirect_dma source(%dma_start3A_114 : memref<10000x128xf32, #tpu.memory_space<hbm>>) target(%arg6 : memref<128x128xf32, #tpu.memory_space<vmem>>) offsets(%dma_start3A_111 : memref<128xi32, #tpu.memory_space<vmem>>) semaphore(%arg8 : memref<!tpu.dma_semaphore, #tpu.memory_space<semaphore_mem>>)
    %dma_wait3A_115 = arith.constant 1 : i32
    %dma_wait3A_116 = arith.constant 1 : i32
    %dma_wait3A_117 = arith.constant 0 : i32
    %dma_wait3A_118 = arith.constant 0 : i32
    %dma_wait3A_119 = tpu.memref_slice %arg5[%dma_wait3A_116, %dma_wait3A_117, %dma_wait3A_118] : memref<4x2x128xi32, #tpu.memory_space<vmem>> -> memref<1x2x128xi32, #tpu.memory_space<vmem>>
    %dma_wait3A_120 = tpu.memref_squeeze %dma_wait3A_119 : memref<1x2x128xi32, #tpu.memory_space<vmem>> -> memref<2x128xi32, #tpu.memory_space<vmem>>
    %dma_wait3A_121 = arith.constant 0 : i32
    %dma_wait3A_122 = arith.constant 0 : i32
    %dma_wait3A_123 = tpu.memref_slice %arg3[%add3A, %dma_wait3A_115, %dma_wait3A_121, %dma_wait3A_122] : memref<32x80x2x128xi32, #tpu.memory_space<hbm>> -> memref<1x1x2x128xi32, #tpu.memory_space<hbm>>
    %dma_wait3A_124 = tpu.memref_squeeze %dma_wait3A_123 : memref<1x1x2x128xi32, #tpu.memory_space<hbm>> -> memref<2x128xi32, #tpu.memory_space<hbm>>
    %dma_wait3A_125 = arith.constant 0 : i32
    %dma_wait3A_126 = arith.constant 0 : i32
    %dma_wait3A_127 = tpu.memref_slice %arg5[%dma_wait3A_116, %dma_wait3A_125, %dma_wait3A_126] : memref<4x2x128xi32, #tpu.memory_space<vmem>> -> memref<1x2x128xi32, #tpu.memory_space<vmem>>
    %dma_wait3A_128 = tpu.memref_squeeze %dma_wait3A_127 : memref<1x2x128xi32, #tpu.memory_space<vmem>> -> memref<2x128xi32, #tpu.memory_space<vmem>>
    %dma_wait3A_129 = arith.constant 0 : i32
    %dma_wait3A_130 = arith.constant 0 : i32
    %dma_wait3A_131 = tpu.memref_slice %arg3[%add3A, %dma_wait3A_115, %dma_wait3A_129, %dma_wait3A_130] : memref<32x80x2x128xi32, #tpu.memory_space<hbm>> -> memref<1x1x2x128xi32, #tpu.memory_space<hbm>>
    %dma_wait3A_132 = tpu.memref_squeeze %dma_wait3A_131 : memref<1x1x2x128xi32, #tpu.memory_space<hbm>> -> memref<2x128xi32, #tpu.memory_space<hbm>>
    tpu.wait_dma2 semaphore(%arg13 : memref<!tpu.dma_semaphore, #tpu.memory_space<semaphore_mem>>) src(%dma_wait3A_132 : memref<2x128xi32, #tpu.memory_space<hbm>>) dst(%dma_wait3A_128 : memref<2x128xi32, #tpu.memory_space<vmem>>)
    %dma_start3A_133 = arith.constant 1 : i32
    %dma_start3A_134 = arith.constant 0 : i32
    %dma_start3A_135 = arith.constant 0 : i32
    %dma_start3A_136 = tpu.memref_slice %arg5[%dma_start3A_133, %dma_start3A_134, %dma_start3A_135] : memref<4x2x128xi32, #tpu.memory_space<vmem>> -> memref<1x1x128xi32, #tpu.memory_space<vmem>>
    %dma_start3A_137 = tpu.memref_squeeze %dma_start3A_136 : memref<1x1x128xi32, #tpu.memory_space<vmem>> -> memref<128xi32, #tpu.memory_space<vmem>>
    %dma_start3A_138 = arith.constant 0 : i32
    %dma_start3A_139 = arith.constant 0 : i32
    %dma_start3A_140 = tpu.memref_slice %arg2[%dma_start3A_138, %dma_start3A_139] : memref<10000x128xf32, #tpu.memory_space<hbm>> -> memref<10000x128xf32, #tpu.memory_space<hbm>>
    tpu.enqueue_indirect_dma source(%dma_start3A_140 : memref<10000x128xf32, #tpu.memory_space<hbm>>) target(%arg7 : memref<128x128xf32, #tpu.memory_space<vmem>>) offsets(%dma_start3A_137 : memref<128xi32, #tpu.memory_space<vmem>>) semaphore(%arg9 : memref<!tpu.dma_semaphore, #tpu.memory_space<semaphore_mem>>)
    %scan3A_141 = arith.constant 0 : i32
    %scan3A_142 = arith.constant 0 : i32
    %scan3A_143 = arith.constant 20 : i32
    %scan3A_144 = arith.addi %scan3A_142, %scan3A_143 : i32
    %scan3A_145 = arith.constant 1 : i32
    %scan3A_146 = scf.for %scan3A_169 = %scan3A_142 to %scan3A_144 step %scan3A_145 iter_args(%scan3A_170 = %scan3A_141) -> (i32)  : i32 {
      %mul3A_171 = arith.constant 4 : i32
      %mul3A_172 = arith.muli %mul3A_171, %scan3A_169 : i32
      %dma_wait3A_173 = arith.constant 0 : i32
      %dma_wait3A_174 = arith.constant 0 : i32
      %dma_wait3A_175 = arith.constant 0 : i32
      %dma_wait3A_176 = tpu.memref_slice %arg5[%dma_wait3A_173, %dma_wait3A_174, %dma_wait3A_175] : memref<4x2x128xi32, #tpu.memory_space<vmem>> -> memref<1x1x128xi32, #tpu.memory_space<vmem>>
      %dma_wait3A_177 = tpu.memref_squeeze %dma_wait3A_176 : memref<1x1x128xi32, #tpu.memory_space<vmem>> -> memref<128xi32, #tpu.memory_space<vmem>>
      %dma_wait3A_178 = arith.constant 0 : i32
      %dma_wait3A_179 = arith.constant 0 : i32
      %dma_wait3A_180 = tpu.memref_slice %arg2[%dma_wait3A_178, %dma_wait3A_179] : memref<10000x128xf32, #tpu.memory_space<hbm>> -> memref<10000x128xf32, #tpu.memory_space<hbm>>
      tpu.wait_indirect_dma semaphore(%arg8 : memref<!tpu.dma_semaphore, #tpu.memory_space<semaphore_mem>>) src(%dma_wait3A_180 : memref<10000x128xf32, #tpu.memory_space<hbm>>) dst(%arg6 : memref<128x128xf32, #tpu.memory_space<vmem>>)
      %dma_start3A_181 = arith.constant 0 : i32
      %dma_start3A_182 = arith.constant 1 : i32
      %dma_start3A_183 = arith.constant 0 : i32
      %dma_start3A_184 = tpu.memref_slice %arg5[%dma_start3A_181, %dma_start3A_182, %dma_start3A_183] : memref<4x2x128xi32, #tpu.memory_space<vmem>> -> memref<1x1x128xi32, #tpu.memory_space<vmem>>
      %dma_start3A_185 = tpu.memref_squeeze %dma_start3A_184 : memref<1x1x128xi32, #tpu.memory_space<vmem>> -> memref<128xi32, #tpu.memory_space<vmem>>
      %dma_start3A_186 = arith.constant 0 : i32
      %dma_start3A_187 = arith.constant 0 : i32
      %dma_start3A_188 = tpu.memref_slice %arg16[%dma_start3A_186, %dma_start3A_187] : memref<10112x128xf32, #tpu.memory_space<vmem_shared>> -> memref<10112x128xf32, #tpu.memory_space<vmem_shared>>
      tpu.enqueue_indirect_dma source(%arg6 : memref<128x128xf32, #tpu.memory_space<vmem>>) target(%dma_start3A_188 : memref<10112x128xf32, #tpu.memory_space<vmem_shared>>) offsets(%dma_start3A_185 : memref<128xi32, #tpu.memory_space<vmem>>) semaphore(%arg10 : memref<!tpu.dma_semaphore, #tpu.memory_space<semaphore_mem>>) {add = true}
      %dma_wait3A_189 = arith.constant 1 : i32
      %dma_wait3A_190 = arith.constant 0 : i32
      %dma_wait3A_191 = arith.constant 0 : i32
      %dma_wait3A_192 = tpu.memref_slice %arg5[%dma_wait3A_189, %dma_wait3A_190, %dma_wait3A_191] : memref<4x2x128xi32, #tpu.memory_space<vmem>> -> memref<1x1x128xi32, #tpu.memory_space<vmem>>
      %dma_wait3A_193 = tpu.memref_squeeze %dma_wait3A_192 : memref<1x1x128xi32, #tpu.memory_space<vmem>> -> memref<128xi32, #tpu.memory_space<vmem>>
      %dma_wait3A_194 = arith.constant 0 : i32
      %dma_wait3A_195 = arith.constant 0 : i32
      %dma_wait3A_196 = tpu.memref_slice %arg2[%dma_wait3A_194, %dma_wait3A_195] : memref<10000x128xf32, #tpu.memory_space<hbm>> -> memref<10000x128xf32, #tpu.memory_space<hbm>>
      tpu.wait_indirect_dma semaphore(%arg9 : memref<!tpu.dma_semaphore, #tpu.memory_space<semaphore_mem>>) src(%dma_wait3A_196 : memref<10000x128xf32, #tpu.memory_space<hbm>>) dst(%arg7 : memref<128x128xf32, #tpu.memory_space<vmem>>)
      %dma_start3A_197 = arith.constant 1 : i32
      %dma_start3A_198 = arith.constant 1 : i32
      %dma_start3A_199 = arith.constant 0 : i32
      %dma_start3A_200 = tpu.memref_slice %arg5[%dma_start3A_197, %dma_start3A_198, %dma_start3A_199] : memref<4x2x128xi32, #tpu.memory_space<vmem>> -> memref<1x1x128xi32, #tpu.memory_space<vmem>>
      %dma_start3A_201 = tpu.memref_squeeze %dma_start3A_200 : memref<1x1x128xi32, #tpu.memory_space<vmem>> -> memref<128xi32, #tpu.memory_space<vmem>>
      %dma_start3A_202 = arith.constant 0 : i32
      %dma_start3A_203 = arith.constant 0 : i32
      %dma_start3A_204 = tpu.memref_slice %arg16[%dma_start3A_202, %dma_start3A_203] : memref<10112x128xf32, #tpu.memory_space<vmem_shared>> -> memref<10112x128xf32, #tpu.memory_space<vmem_shared>>
      tpu.enqueue_indirect_dma source(%arg7 : memref<128x128xf32, #tpu.memory_space<vmem>>) target(%dma_start3A_204 : memref<10112x128xf32, #tpu.memory_space<vmem_shared>>) offsets(%dma_start3A_201 : memref<128xi32, #tpu.memory_space<vmem>>) semaphore(%arg11 : memref<!tpu.dma_semaphore, #tpu.memory_space<semaphore_mem>>) {add = true}
      %add3A_205 = arith.constant 2 : i32
      %add3A_206 = arith.addi %mul3A_172, %add3A_205 : i32
      %lt3A = arith.constant 80 : i32
      %lt3A_207 = arith.cmpi slt, %add3A_206, %lt3A : i32
      %convert_element_type3A = arith.extui %lt3A_207 : i1 to i32
      %cond3A = arith.constant 0 : i32
      %cond3A_208 = arith.cmpi ne, %convert_element_type3A, %cond3A : i32
      scf.if %cond3A_208 {
        %add3A_224 = arith.constant 2 : i32
        %add3A_225 = arith.addi %mul3A_172, %add3A_224 : i32
        %dma_wait3A_226 = arith.constant 2 : i32
        %dma_wait3A_227 = arith.constant 0 : i32
        %dma_wait3A_228 = arith.constant 0 : i32
        %dma_wait3A_229 = tpu.memref_slice %arg5[%dma_wait3A_226, %dma_wait3A_227, %dma_wait3A_228] : memref<4x2x128xi32, #tpu.memory_space<vmem>> -> memref<1x2x128xi32, #tpu.memory_space<vmem>>
        %dma_wait3A_230 = tpu.memref_squeeze %dma_wait3A_229 : memref<1x2x128xi32, #tpu.memory_space<vmem>> -> memref<2x128xi32, #tpu.memory_space<vmem>>
        %dma_wait3A_231 = arith.constant 0 : i32
        %dma_wait3A_232 = arith.constant 0 : i32
        %dma_wait3A_233 = tpu.memref_slice %arg3[%add3A, %add3A_225, %dma_wait3A_231, %dma_wait3A_232] : memref<32x80x2x128xi32, #tpu.memory_space<hbm>> -> memref<1x1x2x128xi32, #tpu.memory_space<hbm>>
        %dma_wait3A_234 = tpu.memref_squeeze %dma_wait3A_233 : memref<1x1x2x128xi32, #tpu.memory_space<hbm>> -> memref<2x128xi32, #tpu.memory_space<hbm>>
        %dma_wait3A_235 = arith.constant 0 : i32
        %dma_wait3A_236 = arith.constant 0 : i32
        %dma_wait3A_237 = tpu.memref_slice %arg5[%dma_wait3A_226, %dma_wait3A_235, %dma_wait3A_236] : memref<4x2x128xi32, #tpu.memory_space<vmem>> -> memref<1x2x128xi32, #tpu.memory_space<vmem>>
        %dma_wait3A_238 = tpu.memref_squeeze %dma_wait3A_237 : memref<1x2x128xi32, #tpu.memory_space<vmem>> -> memref<2x128xi32, #tpu.memory_space<vmem>>
        %dma_wait3A_239 = arith.constant 0 : i32
        %dma_wait3A_240 = arith.constant 0 : i32
        %dma_wait3A_241 = tpu.memref_slice %arg3[%add3A, %add3A_225, %dma_wait3A_239, %dma_wait3A_240] : memref<32x80x2x128xi32, #tpu.memory_space<hbm>> -> memref<1x1x2x128xi32, #tpu.memory_space<hbm>>
        %dma_wait3A_242 = tpu.memref_squeeze %dma_wait3A_241 : memref<1x1x2x128xi32, #tpu.memory_space<hbm>> -> memref<2x128xi32, #tpu.memory_space<hbm>>
        tpu.wait_dma2 semaphore(%arg14 : memref<!tpu.dma_semaphore, #tpu.memory_space<semaphore_mem>>) src(%dma_wait3A_242 : memref<2x128xi32, #tpu.memory_space<hbm>>) dst(%dma_wait3A_238 : memref<2x128xi32, #tpu.memory_space<vmem>>)
        %dma_wait3A_243 = arith.constant 0 : i32
        %dma_wait3A_244 = arith.constant 1 : i32
        %dma_wait3A_245 = arith.constant 0 : i32
        %dma_wait3A_246 = tpu.memref_slice %arg5[%dma_wait3A_243, %dma_wait3A_244, %dma_wait3A_245] : memref<4x2x128xi32, #tpu.memory_space<vmem>> -> memref<1x1x128xi32, #tpu.memory_space<vmem>>
        %dma_wait3A_247 = tpu.memref_squeeze %dma_wait3A_246 : memref<1x1x128xi32, #tpu.memory_space<vmem>> -> memref<128xi32, #tpu.memory_space<vmem>>
        %dma_wait3A_248 = arith.constant 0 : i32
        %dma_wait3A_249 = arith.constant 0 : i32
        %dma_wait3A_250 = tpu.memref_slice %arg16[%dma_wait3A_248, %dma_wait3A_249] : memref<10112x128xf32, #tpu.memory_space<vmem_shared>> -> memref<10112x128xf32, #tpu.memory_space<vmem_shared>>
        tpu.wait_indirect_dma semaphore(%arg10 : memref<!tpu.dma_semaphore, #tpu.memory_space<semaphore_mem>>) src(%arg6 : memref<128x128xf32, #tpu.memory_space<vmem>>) dst(%dma_wait3A_250 : memref<10112x128xf32, #tpu.memory_space<vmem_shared>>)
        %add3A_251 = arith.constant 2 : i32
        %add3A_252 = arith.addi %mul3A_172, %add3A_251 : i32
        %dma_start3A_253 = arith.constant 2 : i32
        %dma_start3A_254 = arith.constant 0 : i32
        %dma_start3A_255 = arith.constant 0 : i32
        %dma_start3A_256 = tpu.memref_slice %arg5[%dma_start3A_253, %dma_start3A_254, %dma_start3A_255] : memref<4x2x128xi32, #tpu.memory_space<vmem>> -> memref<1x1x128xi32, #tpu.memory_space<vmem>>
        %dma_start3A_257 = tpu.memref_squeeze %dma_start3A_256 : memref<1x1x128xi32, #tpu.memory_space<vmem>> -> memref<128xi32, #tpu.memory_space<vmem>>
        %dma_start3A_258 = arith.constant 0 : i32
        %dma_start3A_259 = arith.constant 0 : i32
        %dma_start3A_260 = tpu.memref_slice %arg2[%dma_start3A_258, %dma_start3A_259] : memref<10000x128xf32, #tpu.memory_space<hbm>> -> memref<10000x128xf32, #tpu.memory_space<hbm>>
        tpu.enqueue_indirect_dma source(%dma_start3A_260 : memref<10000x128xf32, #tpu.memory_space<hbm>>) target(%arg6 : memref<128x128xf32, #tpu.memory_space<vmem>>) offsets(%dma_start3A_257 : memref<128xi32, #tpu.memory_space<vmem>>) semaphore(%arg8 : memref<!tpu.dma_semaphore, #tpu.memory_space<semaphore_mem>>)
        %add3A_261 = arith.constant 4 : i32
        %add3A_262 = arith.addi %mul3A_172, %add3A_261 : i32
        %lt3A_263 = arith.constant 80 : i32
        %lt3A_264 = arith.cmpi slt, %add3A_262, %lt3A_263 : i32
        %convert_element_type3A_265 = arith.extui %lt3A_264 : i1 to i32
        %cond3A_266 = arith.constant 0 : i32
        %cond3A_267 = arith.cmpi ne, %convert_element_type3A_265, %cond3A_266 : i32
        scf.if %cond3A_267 {
          %add3A_268 = arith.constant 4 : i32
          %add3A_269 = arith.addi %mul3A_172, %add3A_268 : i32
          %dma_start3A_270 = arith.constant 0 : i32
          %dma_start3A_271 = arith.constant 0 : i32
          %dma_start3A_272 = arith.constant 0 : i32
          %dma_start3A_273 = tpu.memref_slice %arg5[%dma_start3A_270, %dma_start3A_271, %dma_start3A_272] : memref<4x2x128xi32, #tpu.memory_space<vmem>> -> memref<1x2x128xi32, #tpu.memory_space<vmem>>
          %dma_start3A_274 = tpu.memref_squeeze %dma_start3A_273 : memref<1x2x128xi32, #tpu.memory_space<vmem>> -> memref<2x128xi32, #tpu.memory_space<vmem>>
          %dma_start3A_275 = arith.constant 0 : i32
          %dma_start3A_276 = arith.constant 0 : i32
          %dma_start3A_277 = tpu.memref_slice %arg3[%add3A, %add3A_269, %dma_start3A_275, %dma_start3A_276] : memref<32x80x2x128xi32, #tpu.memory_space<hbm>> -> memref<1x1x2x128xi32, #tpu.memory_space<hbm>>
          %dma_start3A_278 = tpu.memref_squeeze %dma_start3A_277 : memref<1x1x2x128xi32, #tpu.memory_space<hbm>> -> memref<2x128xi32, #tpu.memory_space<hbm>>
          %dma_start3A_279 = arith.constant 0 : i32
          %dma_start3A_280 = arith.constant 0 : i32
          %dma_start3A_281 = tpu.memref_slice %arg5[%dma_start3A_270, %dma_start3A_279, %dma_start3A_280] : memref<4x2x128xi32, #tpu.memory_space<vmem>> -> memref<1x2x128xi32, #tpu.memory_space<vmem>>
          %dma_start3A_282 = tpu.memref_squeeze %dma_start3A_281 : memref<1x2x128xi32, #tpu.memory_space<vmem>> -> memref<2x128xi32, #tpu.memory_space<vmem>>
          %dma_start3A_283 = arith.constant 0 : i32
          %dma_start3A_284 = arith.constant 0 : i32
          %dma_start3A_285 = tpu.memref_slice %arg3[%add3A, %add3A_269, %dma_start3A_283, %dma_start3A_284] : memref<32x80x2x128xi32, #tpu.memory_space<hbm>> -> memref<1x1x2x128xi32, #tpu.memory_space<hbm>>
          %dma_start3A_286 = tpu.memref_squeeze %dma_start3A_285 : memref<1x1x2x128xi32, #tpu.memory_space<hbm>> -> memref<2x128xi32, #tpu.memory_space<hbm>>
          tpu.enqueue_dma source(%dma_start3A_286 : memref<2x128xi32, #tpu.memory_space<hbm>>) target(%dma_start3A_282 : memref<2x128xi32, #tpu.memory_space<vmem>>) target_semaphore(%arg12 : memref<!tpu.dma_semaphore, #tpu.memory_space<semaphore_mem>>)
        } else {
        }
      } else {
      }
      %add3A_209 = arith.constant 3 : i32
      %add3A_210 = arith.addi %mul3A_172, %add3A_209 : i32
      %lt3A_211 = arith.constant 80 : i32
      %lt3A_212 = arith.cmpi slt, %add3A_210, %lt3A_211 : i32
      %convert_element_type3A_213 = arith.extui %lt3A_212 : i1 to i32
      %cond3A_214 = arith.constant 0 : i32
      %cond3A_215 = arith.cmpi ne, %convert_element_type3A_213, %cond3A_214 : i32
      scf.if %cond3A_215 {
        %add3A_224 = arith.constant 3 : i32
        %add3A_225 = arith.addi %mul3A_172, %add3A_224 : i32
        %dma_wait3A_226 = arith.constant 3 : i32
        %dma_wait3A_227 = arith.constant 0 : i32
        %dma_wait3A_228 = arith.constant 0 : i32
        %dma_wait3A_229 = tpu.memref_slice %arg5[%dma_wait3A_226, %dma_wait3A_227, %dma_wait3A_228] : memref<4x2x128xi32, #tpu.memory_space<vmem>> -> memref<1x2x128xi32, #tpu.memory_space<vmem>>
        %dma_wait3A_230 = tpu.memref_squeeze %dma_wait3A_229 : memref<1x2x128xi32, #tpu.memory_space<vmem>> -> memref<2x128xi32, #tpu.memory_space<vmem>>
        %dma_wait3A_231 = arith.constant 0 : i32
        %dma_wait3A_232 = arith.constant 0 : i32
        %dma_wait3A_233 = tpu.memref_slice %arg3[%add3A, %add3A_225, %dma_wait3A_231, %dma_wait3A_232] : memref<32x80x2x128xi32, #tpu.memory_space<hbm>> -> memref<1x1x2x128xi32, #tpu.memory_space<hbm>>
        %dma_wait3A_234 = tpu.memref_squeeze %dma_wait3A_233 : memref<1x1x2x128xi32, #tpu.memory_space<hbm>> -> memref<2x128xi32, #tpu.memory_space<hbm>>
        %dma_wait3A_235 = arith.constant 0 : i32
        %dma_wait3A_236 = arith.constant 0 : i32
        %dma_wait3A_237 = tpu.memref_slice %arg5[%dma_wait3A_226, %dma_wait3A_235, %dma_wait3A_236] : memref<4x2x128xi32, #tpu.memory_space<vmem>> -> memref<1x2x128xi32, #tpu.memory_space<vmem>>
        %dma_wait3A_238 = tpu.memref_squeeze %dma_wait3A_237 : memref<1x2x128xi32, #tpu.memory_space<vmem>> -> memref<2x128xi32, #tpu.memory_space<vmem>>
        %dma_wait3A_239 = arith.constant 0 : i32
        %dma_wait3A_240 = arith.constant 0 : i32
        %dma_wait3A_241 = tpu.memref_slice %arg3[%add3A, %add3A_225, %dma_wait3A_239, %dma_wait3A_240] : memref<32x80x2x128xi32, #tpu.memory_space<hbm>> -> memref<1x1x2x128xi32, #tpu.memory_space<hbm>>
        %dma_wait3A_242 = tpu.memref_squeeze %dma_wait3A_241 : memref<1x1x2x128xi32, #tpu.memory_space<hbm>> -> memref<2x128xi32, #tpu.memory_space<hbm>>
        tpu.wait_dma2 semaphore(%arg15 : memref<!tpu.dma_semaphore, #tpu.memory_space<semaphore_mem>>) src(%dma_wait3A_242 : memref<2x128xi32, #tpu.memory_space<hbm>>) dst(%dma_wait3A_238 : memref<2x128xi32, #tpu.memory_space<vmem>>)
        %dma_wait3A_243 = arith.constant 1 : i32
        %dma_wait3A_244 = arith.constant 1 : i32
        %dma_wait3A_245 = arith.constant 0 : i32
        %dma_wait3A_246 = tpu.memref_slice %arg5[%dma_wait3A_243, %dma_wait3A_244, %dma_wait3A_245] : memref<4x2x128xi32, #tpu.memory_space<vmem>> -> memref<1x1x128xi32, #tpu.memory_space<vmem>>
        %dma_wait3A_247 = tpu.memref_squeeze %dma_wait3A_246 : memref<1x1x128xi32, #tpu.memory_space<vmem>> -> memref<128xi32, #tpu.memory_space<vmem>>
        %dma_wait3A_248 = arith.constant 0 : i32
        %dma_wait3A_249 = arith.constant 0 : i32
        %dma_wait3A_250 = tpu.memref_slice %arg16[%dma_wait3A_248, %dma_wait3A_249] : memref<10112x128xf32, #tpu.memory_space<vmem_shared>> -> memref<10112x128xf32, #tpu.memory_space<vmem_shared>>
        tpu.wait_indirect_dma semaphore(%arg11 : memref<!tpu.dma_semaphore, #tpu.memory_space<semaphore_mem>>) src(%arg7 : memref<128x128xf32, #tpu.memory_space<vmem>>) dst(%dma_wait3A_250 : memref<10112x128xf32, #tpu.memory_space<vmem_shared>>)
        %add3A_251 = arith.constant 3 : i32
        %add3A_252 = arith.addi %mul3A_172, %add3A_251 : i32
        %dma_start3A_253 = arith.constant 3 : i32
        %dma_start3A_254 = arith.constant 0 : i32
        %dma_start3A_255 = arith.constant 0 : i32
        %dma_start3A_256 = tpu.memref_slice %arg5[%dma_start3A_253, %dma_start3A_254, %dma_start3A_255] : memref<4x2x128xi32, #tpu.memory_space<vmem>> -> memref<1x1x128xi32, #tpu.memory_space<vmem>>
        %dma_start3A_257 = tpu.memref_squeeze %dma_start3A_256 : memref<1x1x128xi32, #tpu.memory_space<vmem>> -> memref<128xi32, #tpu.memory_space<vmem>>
        %dma_start3A_258 = arith.constant 0 : i32
        %dma_start3A_259 = arith.constant 0 : i32
        %dma_start3A_260 = tpu.memref_slice %arg2[%dma_start3A_258, %dma_start3A_259] : memref<10000x128xf32, #tpu.memory_space<hbm>> -> memref<10000x128xf32, #tpu.memory_space<hbm>>
        tpu.enqueue_indirect_dma source(%dma_start3A_260 : memref<10000x128xf32, #tpu.memory_space<hbm>>) target(%arg7 : memref<128x128xf32, #tpu.memory_space<vmem>>) offsets(%dma_start3A_257 : memref<128xi32, #tpu.memory_space<vmem>>) semaphore(%arg9 : memref<!tpu.dma_semaphore, #tpu.memory_space<semaphore_mem>>)
        %add3A_261 = arith.constant 5 : i32
        %add3A_262 = arith.addi %mul3A_172, %add3A_261 : i32
        %lt3A_263 = arith.constant 80 : i32
        %lt3A_264 = arith.cmpi slt, %add3A_262, %lt3A_263 : i32
        %convert_element_type3A_265 = arith.extui %lt3A_264 : i1 to i32
        %cond3A_266 = arith.constant 0 : i32
        %cond3A_267 = arith.cmpi ne, %convert_element_type3A_265, %cond3A_266 : i32
        scf.if %cond3A_267 {
          %add3A_268 = arith.constant 5 : i32
          %add3A_269 = arith.addi %mul3A_172, %add3A_268 : i32
          %dma_start3A_270 = arith.constant 1 : i32
          %dma_start3A_271 = arith.constant 0 : i32
          %dma_start3A_272 = arith.constant 0 : i32
          %dma_start3A_273 = tpu.memref_slice %arg5[%dma_start3A_270, %dma_start3A_271, %dma_start3A_272] : memref<4x2x128xi32, #tpu.memory_space<vmem>> -> memref<1x2x128xi32, #tpu.memory_space<vmem>>
          %dma_start3A_274 = tpu.memref_squeeze %dma_start3A_273 : memref<1x2x128xi32, #tpu.memory_space<vmem>> -> memref<2x128xi32, #tpu.memory_space<vmem>>
          %dma_start3A_275 = arith.constant 0 : i32
          %dma_start3A_276 = arith.constant 0 : i32
          %dma_start3A_277 = tpu.memref_slice %arg3[%add3A, %add3A_269, %dma_start3A_275, %dma_start3A_276] : memref<32x80x2x128xi32, #tpu.memory_space<hbm>> -> memref<1x1x2x128xi32, #tpu.memory_space<hbm>>
          %dma_start3A_278 = tpu.memref_squeeze %dma_start3A_277 : memref<1x1x2x128xi32, #tpu.memory_space<hbm>> -> memref<2x128xi32, #tpu.memory_space<hbm>>
          %dma_start3A_279 = arith.constant 0 : i32
          %dma_start3A_280 = arith.constant 0 : i32
          %dma_start3A_281 = tpu.memref_slice %arg5[%dma_start3A_270, %dma_start3A_279, %dma_start3A_280] : memref<4x2x128xi32, #tpu.memory_space<vmem>> -> memref<1x2x128xi32, #tpu.memory_space<vmem>>
          %dma_start3A_282 = tpu.memref_squeeze %dma_start3A_281 : memref<1x2x128xi32, #tpu.memory_space<vmem>> -> memref<2x128xi32, #tpu.memory_space<vmem>>
          %dma_start3A_283 = arith.constant 0 : i32
          %dma_start3A_284 = arith.constant 0 : i32
          %dma_start3A_285 = tpu.memref_slice %arg3[%add3A, %add3A_269, %dma_start3A_283, %dma_start3A_284] : memref<32x80x2x128xi32, #tpu.memory_space<hbm>> -> memref<1x1x2x128xi32, #tpu.memory_space<hbm>>
          %dma_start3A_286 = tpu.memref_squeeze %dma_start3A_285 : memref<1x1x2x128xi32, #tpu.memory_space<hbm>> -> memref<2x128xi32, #tpu.memory_space<hbm>>
          tpu.enqueue_dma source(%dma_start3A_286 : memref<2x128xi32, #tpu.memory_space<hbm>>) target(%dma_start3A_282 : memref<2x128xi32, #tpu.memory_space<vmem>>) target_semaphore(%arg13 : memref<!tpu.dma_semaphore, #tpu.memory_space<semaphore_mem>>)
        } else {
        }
      } else {
      }
      %add3A_216 = arith.constant 2 : i32
      %add3A_217 = arith.addi %mul3A_172, %add3A_216 : i32
      %lt3A_218 = arith.constant 80 : i32
      %lt3A_219 = arith.cmpi slt, %add3A_217, %lt3A_218 : i32
      %convert_element_type3A_220 = arith.extui %lt3A_219 : i1 to i32
      %cond3A_221 = arith.constant 0 : i32
      %cond3A_222 = arith.cmpi ne, %convert_element_type3A_220, %cond3A_221 : i32
      scf.if %cond3A_222 {
        %dma_wait3A_224 = arith.constant 2 : i32
        %dma_wait3A_225 = arith.constant 0 : i32
        %dma_wait3A_226 = arith.constant 0 : i32
        %dma_wait3A_227 = tpu.memref_slice %arg5[%dma_wait3A_224, %dma_wait3A_225, %dma_wait3A_226] : memref<4x2x128xi32, #tpu.memory_space<vmem>> -> memref<1x1x128xi32, #tpu.memory_space<vmem>>
        %dma_wait3A_228 = tpu.memref_squeeze %dma_wait3A_227 : memref<1x1x128xi32, #tpu.memory_space<vmem>> -> memref<128xi32, #tpu.memory_space<vmem>>
        %dma_wait3A_229 = arith.constant 0 : i32
        %dma_wait3A_230 = arith.constant 0 : i32
        %dma_wait3A_231 = tpu.memref_slice %arg2[%dma_wait3A_229, %dma_wait3A_230] : memref<10000x128xf32, #tpu.memory_space<hbm>> -> memref<10000x128xf32, #tpu.memory_space<hbm>>
        tpu.wait_indirect_dma semaphore(%arg8 : memref<!tpu.dma_semaphore, #tpu.memory_space<semaphore_mem>>) src(%dma_wait3A_231 : memref<10000x128xf32, #tpu.memory_space<hbm>>) dst(%arg6 : memref<128x128xf32, #tpu.memory_space<vmem>>)
        %dma_start3A_232 = arith.constant 2 : i32
        %dma_start3A_233 = arith.constant 1 : i32
        %dma_start3A_234 = arith.constant 0 : i32
        %dma_start3A_235 = tpu.memref_slice %arg5[%dma_start3A_232, %dma_start3A_233, %dma_start3A_234] : memref<4x2x128xi32, #tpu.memory_space<vmem>> -> memref<1x1x128xi32, #tpu.memory_space<vmem>>
        %dma_start3A_236 = tpu.memref_squeeze %dma_start3A_235 : memref<1x1x128xi32, #tpu.memory_space<vmem>> -> memref<128xi32, #tpu.memory_space<vmem>>
        %dma_start3A_237 = arith.constant 0 : i32
        %dma_start3A_238 = arith.constant 0 : i32
        %dma_start3A_239 = tpu.memref_slice %arg16[%dma_start3A_237, %dma_start3A_238] : memref<10112x128xf32, #tpu.memory_space<vmem_shared>> -> memref<10112x128xf32, #tpu.memory_space<vmem_shared>>
        tpu.enqueue_indirect_dma source(%arg6 : memref<128x128xf32, #tpu.memory_space<vmem>>) target(%dma_start3A_239 : memref<10112x128xf32, #tpu.memory_space<vmem_shared>>) offsets(%dma_start3A_236 : memref<128xi32, #tpu.memory_space<vmem>>) semaphore(%arg10 : memref<!tpu.dma_semaphore, #tpu.memory_space<semaphore_mem>>) {add = true}
        %add3A_240 = arith.constant 3 : i32
        %add3A_241 = arith.addi %mul3A_172, %add3A_240 : i32
        %lt3A_242 = arith.constant 80 : i32
        %lt3A_243 = arith.cmpi slt, %add3A_241, %lt3A_242 : i32
        %convert_element_type3A_244 = arith.extui %lt3A_243 : i1 to i32
        %cond3A_245 = arith.constant 0 : i32
        %cond3A_246 = arith.cmpi ne, %convert_element_type3A_244, %cond3A_245 : i32
        scf.if %cond3A_246 {
          %dma_wait3A_261 = arith.constant 3 : i32
          %dma_wait3A_262 = arith.constant 0 : i32
          %dma_wait3A_263 = arith.constant 0 : i32
          %dma_wait3A_264 = tpu.memref_slice %arg5[%dma_wait3A_261, %dma_wait3A_262, %dma_wait3A_263] : memref<4x2x128xi32, #tpu.memory_space<vmem>> -> memref<1x1x128xi32, #tpu.memory_space<vmem>>
          %dma_wait3A_265 = tpu.memref_squeeze %dma_wait3A_264 : memref<1x1x128xi32, #tpu.memory_space<vmem>> -> memref<128xi32, #tpu.memory_space<vmem>>
          %dma_wait3A_266 = arith.constant 0 : i32
          %dma_wait3A_267 = arith.constant 0 : i32
          %dma_wait3A_268 = tpu.memref_slice %arg2[%dma_wait3A_266, %dma_wait3A_267] : memref<10000x128xf32, #tpu.memory_space<hbm>> -> memref<10000x128xf32, #tpu.memory_space<hbm>>
          tpu.wait_indirect_dma semaphore(%arg9 : memref<!tpu.dma_semaphore, #tpu.memory_space<semaphore_mem>>) src(%dma_wait3A_268 : memref<10000x128xf32, #tpu.memory_space<hbm>>) dst(%arg7 : memref<128x128xf32, #tpu.memory_space<vmem>>)
          %dma_start3A_269 = arith.constant 3 : i32
          %dma_start3A_270 = arith.constant 1 : i32
          %dma_start3A_271 = arith.constant 0 : i32
          %dma_start3A_272 = tpu.memref_slice %arg5[%dma_start3A_269, %dma_start3A_270, %dma_start3A_271] : memref<4x2x128xi32, #tpu.memory_space<vmem>> -> memref<1x1x128xi32, #tpu.memory_space<vmem>>
          %dma_start3A_273 = tpu.memref_squeeze %dma_start3A_272 : memref<1x1x128xi32, #tpu.memory_space<vmem>> -> memref<128xi32, #tpu.memory_space<vmem>>
          %dma_start3A_274 = arith.constant 0 : i32
          %dma_start3A_275 = arith.constant 0 : i32
          %dma_start3A_276 = tpu.memref_slice %arg16[%dma_start3A_274, %dma_start3A_275] : memref<10112x128xf32, #tpu.memory_space<vmem_shared>> -> memref<10112x128xf32, #tpu.memory_space<vmem_shared>>
          tpu.enqueue_indirect_dma source(%arg7 : memref<128x128xf32, #tpu.memory_space<vmem>>) target(%dma_start3A_276 : memref<10112x128xf32, #tpu.memory_space<vmem_shared>>) offsets(%dma_start3A_273 : memref<128xi32, #tpu.memory_space<vmem>>) semaphore(%arg11 : memref<!tpu.dma_semaphore, #tpu.memory_space<semaphore_mem>>) {add = true}
        } else {
        }
        %add3A_247 = arith.constant 4 : i32
        %add3A_248 = arith.addi %mul3A_172, %add3A_247 : i32
        %lt3A_249 = arith.constant 80 : i32
        %lt3A_250 = arith.cmpi slt, %add3A_248, %lt3A_249 : i32
        %convert_element_type3A_251 = arith.extui %lt3A_250 : i1 to i32
        %cond3A_252 = arith.constant 0 : i32
        %cond3A_253 = arith.cmpi ne, %convert_element_type3A_251, %cond3A_252 : i32
        scf.if %cond3A_253 {
          %add3A_261 = arith.constant 4 : i32
          %add3A_262 = arith.addi %mul3A_172, %add3A_261 : i32
          %dma_wait3A_263 = arith.constant 0 : i32
          %dma_wait3A_264 = arith.constant 0 : i32
          %dma_wait3A_265 = arith.constant 0 : i32
          %dma_wait3A_266 = tpu.memref_slice %arg5[%dma_wait3A_263, %dma_wait3A_264, %dma_wait3A_265] : memref<4x2x128xi32, #tpu.memory_space<vmem>> -> memref<1x2x128xi32, #tpu.memory_space<vmem>>
          %dma_wait3A_267 = tpu.memref_squeeze %dma_wait3A_266 : memref<1x2x128xi32, #tpu.memory_space<vmem>> -> memref<2x128xi32, #tpu.memory_space<vmem>>
          %dma_wait3A_268 = arith.constant 0 : i32
          %dma_wait3A_269 = arith.constant 0 : i32
          %dma_wait3A_270 = tpu.memref_slice %arg3[%add3A, %add3A_262, %dma_wait3A_268, %dma_wait3A_269] : memref<32x80x2x128xi32, #tpu.memory_space<hbm>> -> memref<1x1x2x128xi32, #tpu.memory_space<hbm>>
          %dma_wait3A_271 = tpu.memref_squeeze %dma_wait3A_270 : memref<1x1x2x128xi32, #tpu.memory_space<hbm>> -> memref<2x128xi32, #tpu.memory_space<hbm>>
          %dma_wait3A_272 = arith.constant 0 : i32
          %dma_wait3A_273 = arith.constant 0 : i32
          %dma_wait3A_274 = tpu.memref_slice %arg5[%dma_wait3A_263, %dma_wait3A_272, %dma_wait3A_273] : memref<4x2x128xi32, #tpu.memory_space<vmem>> -> memref<1x2x128xi32, #tpu.memory_space<vmem>>
          %dma_wait3A_275 = tpu.memref_squeeze %dma_wait3A_274 : memref<1x2x128xi32, #tpu.memory_space<vmem>> -> memref<2x128xi32, #tpu.memory_space<vmem>>
          %dma_wait3A_276 = arith.constant 0 : i32
          %dma_wait3A_277 = arith.constant 0 : i32
          %dma_wait3A_278 = tpu.memref_slice %arg3[%add3A, %add3A_262, %dma_wait3A_276, %dma_wait3A_277] : memref<32x80x2x128xi32, #tpu.memory_space<hbm>> -> memref<1x1x2x128xi32, #tpu.memory_space<hbm>>
          %dma_wait3A_279 = tpu.memref_squeeze %dma_wait3A_278 : memref<1x1x2x128xi32, #tpu.memory_space<hbm>> -> memref<2x128xi32, #tpu.memory_space<hbm>>
          tpu.wait_dma2 semaphore(%arg12 : memref<!tpu.dma_semaphore, #tpu.memory_space<semaphore_mem>>) src(%dma_wait3A_279 : memref<2x128xi32, #tpu.memory_space<hbm>>) dst(%dma_wait3A_275 : memref<2x128xi32, #tpu.memory_space<vmem>>)
          %dma_wait3A_280 = arith.constant 2 : i32
          %dma_wait3A_281 = arith.constant 1 : i32
          %dma_wait3A_282 = arith.constant 0 : i32
          %dma_wait3A_283 = tpu.memref_slice %arg5[%dma_wait3A_280, %dma_wait3A_281, %dma_wait3A_282] : memref<4x2x128xi32, #tpu.memory_space<vmem>> -> memref<1x1x128xi32, #tpu.memory_space<vmem>>
          %dma_wait3A_284 = tpu.memref_squeeze %dma_wait3A_283 : memref<1x1x128xi32, #tpu.memory_space<vmem>> -> memref<128xi32, #tpu.memory_space<vmem>>
          %dma_wait3A_285 = arith.constant 0 : i32
          %dma_wait3A_286 = arith.constant 0 : i32
          %dma_wait3A_287 = tpu.memref_slice %arg16[%dma_wait3A_285, %dma_wait3A_286] : memref<10112x128xf32, #tpu.memory_space<vmem_shared>> -> memref<10112x128xf32, #tpu.memory_space<vmem_shared>>
          tpu.wait_indirect_dma semaphore(%arg10 : memref<!tpu.dma_semaphore, #tpu.memory_space<semaphore_mem>>) src(%arg6 : memref<128x128xf32, #tpu.memory_space<vmem>>) dst(%dma_wait3A_287 : memref<10112x128xf32, #tpu.memory_space<vmem_shared>>)
          %add3A_288 = arith.constant 4 : i32
          %add3A_289 = arith.addi %mul3A_172, %add3A_288 : i32
          %dma_start3A_290 = arith.constant 0 : i32
          %dma_start3A_291 = arith.constant 0 : i32
          %dma_start3A_292 = arith.constant 0 : i32
          %dma_start3A_293 = tpu.memref_slice %arg5[%dma_start3A_290, %dma_start3A_291, %dma_start3A_292] : memref<4x2x128xi32, #tpu.memory_space<vmem>> -> memref<1x1x128xi32, #tpu.memory_space<vmem>>
          %dma_start3A_294 = tpu.memref_squeeze %dma_start3A_293 : memref<1x1x128xi32, #tpu.memory_space<vmem>> -> memref<128xi32, #tpu.memory_space<vmem>>
          %dma_start3A_295 = arith.constant 0 : i32
          %dma_start3A_296 = arith.constant 0 : i32
          %dma_start3A_297 = tpu.memref_slice %arg2[%dma_start3A_295, %dma_start3A_296] : memref<10000x128xf32, #tpu.memory_space<hbm>> -> memref<10000x128xf32, #tpu.memory_space<hbm>>
          tpu.enqueue_indirect_dma source(%dma_start3A_297 : memref<10000x128xf32, #tpu.memory_space<hbm>>) target(%arg6 : memref<128x128xf32, #tpu.memory_space<vmem>>) offsets(%dma_start3A_294 : memref<128xi32, #tpu.memory_space<vmem>>) semaphore(%arg8 : memref<!tpu.dma_semaphore, #tpu.memory_space<semaphore_mem>>)
          %add3A_298 = arith.constant 6 : i32
          %add3A_299 = arith.addi %mul3A_172, %add3A_298 : i32
          %lt3A_300 = arith.constant 80 : i32
          %lt3A_301 = arith.cmpi slt, %add3A_299, %lt3A_300 : i32
          %convert_element_type3A_302 = arith.extui %lt3A_301 : i1 to i32
          %cond3A_303 = arith.constant 0 : i32
          %cond3A_304 = arith.cmpi ne, %convert_element_type3A_302, %cond3A_303 : i32
          scf.if %cond3A_304 {
            %add3A_305 = arith.constant 6 : i32
            %add3A_306 = arith.addi %mul3A_172, %add3A_305 : i32
            %dma_start3A_307 = arith.constant 2 : i32
            %dma_start3A_308 = arith.constant 0 : i32
            %dma_start3A_309 = arith.constant 0 : i32
            %dma_start3A_310 = tpu.memref_slice %arg5[%dma_start3A_307, %dma_start3A_308, %dma_start3A_309] : memref<4x2x128xi32, #tpu.memory_space<vmem>> -> memref<1x2x128xi32, #tpu.memory_space<vmem>>
            %dma_start3A_311 = tpu.memref_squeeze %dma_start3A_310 : memref<1x2x128xi32, #tpu.memory_space<vmem>> -> memref<2x128xi32, #tpu.memory_space<vmem>>
            %dma_start3A_312 = arith.constant 0 : i32
            %dma_start3A_313 = arith.constant 0 : i32
            %dma_start3A_314 = tpu.memref_slice %arg3[%add3A, %add3A_306, %dma_start3A_312, %dma_start3A_313] : memref<32x80x2x128xi32, #tpu.memory_space<hbm>> -> memref<1x1x2x128xi32, #tpu.memory_space<hbm>>
            %dma_start3A_315 = tpu.memref_squeeze %dma_start3A_314 : memref<1x1x2x128xi32, #tpu.memory_space<hbm>> -> memref<2x128xi32, #tpu.memory_space<hbm>>
            %dma_start3A_316 = arith.constant 0 : i32
            %dma_start3A_317 = arith.constant 0 : i32
            %dma_start3A_318 = tpu.memref_slice %arg5[%dma_start3A_307, %dma_start3A_316, %dma_start3A_317] : memref<4x2x128xi32, #tpu.memory_space<vmem>> -> memref<1x2x128xi32, #tpu.memory_space<vmem>>
            %dma_start3A_319 = tpu.memref_squeeze %dma_start3A_318 : memref<1x2x128xi32, #tpu.memory_space<vmem>> -> memref<2x128xi32, #tpu.memory_space<vmem>>
            %dma_start3A_320 = arith.constant 0 : i32
            %dma_start3A_321 = arith.constant 0 : i32
            %dma_start3A_322 = tpu.memref_slice %arg3[%add3A, %add3A_306, %dma_start3A_320, %dma_start3A_321] : memref<32x80x2x128xi32, #tpu.memory_space<hbm>> -> memref<1x1x2x128xi32, #tpu.memory_space<hbm>>
            %dma_start3A_323 = tpu.memref_squeeze %dma_start3A_322 : memref<1x1x2x128xi32, #tpu.memory_space<hbm>> -> memref<2x128xi32, #tpu.memory_space<hbm>>
            tpu.enqueue_dma source(%dma_start3A_323 : memref<2x128xi32, #tpu.memory_space<hbm>>) target(%dma_start3A_319 : memref<2x128xi32, #tpu.memory_space<vmem>>) target_semaphore(%arg14 : memref<!tpu.dma_semaphore, #tpu.memory_space<semaphore_mem>>)
          } else {
          }
        } else {
        }
        %add3A_254 = arith.constant 5 : i32
        %add3A_255 = arith.addi %mul3A_172, %add3A_254 : i32
        %lt3A_256 = arith.constant 80 : i32
        %lt3A_257 = arith.cmpi slt, %add3A_255, %lt3A_256 : i32
        %convert_element_type3A_258 = arith.extui %lt3A_257 : i1 to i32
        %cond3A_259 = arith.constant 0 : i32
        %cond3A_260 = arith.cmpi ne, %convert_element_type3A_258, %cond3A_259 : i32
        scf.if %cond3A_260 {
          %add3A_261 = arith.constant 5 : i32
          %add3A_262 = arith.addi %mul3A_172, %add3A_261 : i32
          %dma_wait3A_263 = arith.constant 1 : i32
          %dma_wait3A_264 = arith.constant 0 : i32
          %dma_wait3A_265 = arith.constant 0 : i32
          %dma_wait3A_266 = tpu.memref_slice %arg5[%dma_wait3A_263, %dma_wait3A_264, %dma_wait3A_265] : memref<4x2x128xi32, #tpu.memory_space<vmem>> -> memref<1x2x128xi32, #tpu.memory_space<vmem>>
          %dma_wait3A_267 = tpu.memref_squeeze %dma_wait3A_266 : memref<1x2x128xi32, #tpu.memory_space<vmem>> -> memref<2x128xi32, #tpu.memory_space<vmem>>
          %dma_wait3A_268 = arith.constant 0 : i32
          %dma_wait3A_269 = arith.constant 0 : i32
          %dma_wait3A_270 = tpu.memref_slice %arg3[%add3A, %add3A_262, %dma_wait3A_268, %dma_wait3A_269] : memref<32x80x2x128xi32, #tpu.memory_space<hbm>> -> memref<1x1x2x128xi32, #tpu.memory_space<hbm>>
          %dma_wait3A_271 = tpu.memref_squeeze %dma_wait3A_270 : memref<1x1x2x128xi32, #tpu.memory_space<hbm>> -> memref<2x128xi32, #tpu.memory_space<hbm>>
          %dma_wait3A_272 = arith.constant 0 : i32
          %dma_wait3A_273 = arith.constant 0 : i32
          %dma_wait3A_274 = tpu.memref_slice %arg5[%dma_wait3A_263, %dma_wait3A_272, %dma_wait3A_273] : memref<4x2x128xi32, #tpu.memory_space<vmem>> -> memref<1x2x128xi32, #tpu.memory_space<vmem>>
          %dma_wait3A_275 = tpu.memref_squeeze %dma_wait3A_274 : memref<1x2x128xi32, #tpu.memory_space<vmem>> -> memref<2x128xi32, #tpu.memory_space<vmem>>
          %dma_wait3A_276 = arith.constant 0 : i32
          %dma_wait3A_277 = arith.constant 0 : i32
          %dma_wait3A_278 = tpu.memref_slice %arg3[%add3A, %add3A_262, %dma_wait3A_276, %dma_wait3A_277] : memref<32x80x2x128xi32, #tpu.memory_space<hbm>> -> memref<1x1x2x128xi32, #tpu.memory_space<hbm>>
          %dma_wait3A_279 = tpu.memref_squeeze %dma_wait3A_278 : memref<1x1x2x128xi32, #tpu.memory_space<hbm>> -> memref<2x128xi32, #tpu.memory_space<hbm>>
          tpu.wait_dma2 semaphore(%arg13 : memref<!tpu.dma_semaphore, #tpu.memory_space<semaphore_mem>>) src(%dma_wait3A_279 : memref<2x128xi32, #tpu.memory_space<hbm>>) dst(%dma_wait3A_275 : memref<2x128xi32, #tpu.memory_space<vmem>>)
          %dma_wait3A_280 = arith.constant 3 : i32
          %dma_wait3A_281 = arith.constant 1 : i32
          %dma_wait3A_282 = arith.constant 0 : i32
          %dma_wait3A_283 = tpu.memref_slice %arg5[%dma_wait3A_280, %dma_wait3A_281, %dma_wait3A_282] : memref<4x2x128xi32, #tpu.memory_space<vmem>> -> memref<1x1x128xi32, #tpu.memory_space<vmem>>
          %dma_wait3A_284 = tpu.memref_squeeze %dma_wait3A_283 : memref<1x1x128xi32, #tpu.memory_space<vmem>> -> memref<128xi32, #tpu.memory_space<vmem>>
          %dma_wait3A_285 = arith.constant 0 : i32
          %dma_wait3A_286 = arith.constant 0 : i32
          %dma_wait3A_287 = tpu.memref_slice %arg16[%dma_wait3A_285, %dma_wait3A_286] : memref<10112x128xf32, #tpu.memory_space<vmem_shared>> -> memref<10112x128xf32, #tpu.memory_space<vmem_shared>>
          tpu.wait_indirect_dma semaphore(%arg11 : memref<!tpu.dma_semaphore, #tpu.memory_space<semaphore_mem>>) src(%arg7 : memref<128x128xf32, #tpu.memory_space<vmem>>) dst(%dma_wait3A_287 : memref<10112x128xf32, #tpu.memory_space<vmem_shared>>)
          %add3A_288 = arith.constant 5 : i32
          %add3A_289 = arith.addi %mul3A_172, %add3A_288 : i32
          %dma_start3A_290 = arith.constant 1 : i32
          %dma_start3A_291 = arith.constant 0 : i32
          %dma_start3A_292 = arith.constant 0 : i32
          %dma_start3A_293 = tpu.memref_slice %arg5[%dma_start3A_290, %dma_start3A_291, %dma_start3A_292] : memref<4x2x128xi32, #tpu.memory_space<vmem>> -> memref<1x1x128xi32, #tpu.memory_space<vmem>>
          %dma_start3A_294 = tpu.memref_squeeze %dma_start3A_293 : memref<1x1x128xi32, #tpu.memory_space<vmem>> -> memref<128xi32, #tpu.memory_space<vmem>>
          %dma_start3A_295 = arith.constant 0 : i32
          %dma_start3A_296 = arith.constant 0 : i32
          %dma_start3A_297 = tpu.memref_slice %arg2[%dma_start3A_295, %dma_start3A_296] : memref<10000x128xf32, #tpu.memory_space<hbm>> -> memref<10000x128xf32, #tpu.memory_space<hbm>>
          tpu.enqueue_indirect_dma source(%dma_start3A_297 : memref<10000x128xf32, #tpu.memory_space<hbm>>) target(%arg7 : memref<128x128xf32, #tpu.memory_space<vmem>>) offsets(%dma_start3A_294 : memref<128xi32, #tpu.memory_space<vmem>>) semaphore(%arg9 : memref<!tpu.dma_semaphore, #tpu.memory_space<semaphore_mem>>)
          %add3A_298 = arith.constant 7 : i32
          %add3A_299 = arith.addi %mul3A_172, %add3A_298 : i32
          %lt3A_300 = arith.constant 80 : i32
          %lt3A_301 = arith.cmpi slt, %add3A_299, %lt3A_300 : i32
          %convert_element_type3A_302 = arith.extui %lt3A_301 : i1 to i32
          %cond3A_303 = arith.constant 0 : i32
          %cond3A_304 = arith.cmpi ne, %convert_element_type3A_302, %cond3A_303 : i32
          scf.if %cond3A_304 {
            %add3A_305 = arith.constant 7 : i32
            %add3A_306 = arith.addi %mul3A_172, %add3A_305 : i32
            %dma_start3A_307 = arith.constant 3 : i32
            %dma_start3A_308 = arith.constant 0 : i32
            %dma_start3A_309 = arith.constant 0 : i32
            %dma_start3A_310 = tpu.memref_slice %arg5[%dma_start3A_307, %dma_start3A_308, %dma_start3A_309] : memref<4x2x128xi32, #tpu.memory_space<vmem>> -> memref<1x2x128xi32, #tpu.memory_space<vmem>>
            %dma_start3A_311 = tpu.memref_squeeze %dma_start3A_310 : memref<1x2x128xi32, #tpu.memory_space<vmem>> -> memref<2x128xi32, #tpu.memory_space<vmem>>
            %dma_start3A_312 = arith.constant 0 : i32
            %dma_start3A_313 = arith.constant 0 : i32
            %dma_start3A_314 = tpu.memref_slice %arg3[%add3A, %add3A_306, %dma_start3A_312, %dma_start3A_313] : memref<32x80x2x128xi32, #tpu.memory_space<hbm>> -> memref<1x1x2x128xi32, #tpu.memory_space<hbm>>
            %dma_start3A_315 = tpu.memref_squeeze %dma_start3A_314 : memref<1x1x2x128xi32, #tpu.memory_space<hbm>> -> memref<2x128xi32, #tpu.memory_space<hbm>>
            %dma_start3A_316 = arith.constant 0 : i32
            %dma_start3A_317 = arith.constant 0 : i32
            %dma_start3A_318 = tpu.memref_slice %arg5[%dma_start3A_307, %dma_start3A_316, %dma_start3A_317] : memref<4x2x128xi32, #tpu.memory_space<vmem>> -> memref<1x2x128xi32, #tpu.memory_space<vmem>>
            %dma_start3A_319 = tpu.memref_squeeze %dma_start3A_318 : memref<1x2x128xi32, #tpu.memory_space<vmem>> -> memref<2x128xi32, #tpu.memory_space<vmem>>
            %dma_start3A_320 = arith.constant 0 : i32
            %dma_start3A_321 = arith.constant 0 : i32
            %dma_start3A_322 = tpu.memref_slice %arg3[%add3A, %add3A_306, %dma_start3A_320, %dma_start3A_321] : memref<32x80x2x128xi32, #tpu.memory_space<hbm>> -> memref<1x1x2x128xi32, #tpu.memory_space<hbm>>
            %dma_start3A_323 = tpu.memref_squeeze %dma_start3A_322 : memref<1x1x2x128xi32, #tpu.memory_space<hbm>> -> memref<2x128xi32, #tpu.memory_space<hbm>>
            tpu.enqueue_dma source(%dma_start3A_323 : memref<2x128xi32, #tpu.memory_space<hbm>>) target(%dma_start3A_319 : memref<2x128xi32, #tpu.memory_space<vmem>>) target_semaphore(%arg15 : memref<!tpu.dma_semaphore, #tpu.memory_space<semaphore_mem>>)
          } else {
          }
        } else {
        }
      } else {
      }
      %scan3A_223 = arith.constant 0 : i32
      scf.yield %scan3A_223 : i32
    }
    %scan3A_147 = arith.constant 20 : i32
    %dma_wait3A_148 = arith.constant 2 : i32
    %dma_wait3A_149 = arith.constant 1 : i32
    %dma_wait3A_150 = arith.constant 0 : i32
    %dma_wait3A_151 = tpu.memref_slice %arg5[%dma_wait3A_148, %dma_wait3A_149, %dma_wait3A_150] : memref<4x2x128xi32, #tpu.memory_space<vmem>> -> memref<1x1x128xi32, #tpu.memory_space<vmem>>
    %dma_wait3A_152 = tpu.memref_squeeze %dma_wait3A_151 : memref<1x1x128xi32, #tpu.memory_space<vmem>> -> memref<128xi32, #tpu.memory_space<vmem>>
    %dma_wait3A_153 = arith.constant 0 : i32
    %dma_wait3A_154 = arith.constant 0 : i32
    %dma_wait3A_155 = tpu.memref_slice %arg16[%dma_wait3A_153, %dma_wait3A_154] : memref<10112x128xf32, #tpu.memory_space<vmem_shared>> -> memref<10112x128xf32, #tpu.memory_space<vmem_shared>>
    tpu.wait_indirect_dma semaphore(%arg10 : memref<!tpu.dma_semaphore, #tpu.memory_space<semaphore_mem>>) src(%arg6 : memref<128x128xf32, #tpu.memory_space<vmem>>) dst(%dma_wait3A_155 : memref<10112x128xf32, #tpu.memory_space<vmem_shared>>)
    %dma_wait3A_156 = arith.constant 3 : i32
    %dma_wait3A_157 = arith.constant 1 : i32
    %dma_wait3A_158 = arith.constant 0 : i32
    %dma_wait3A_159 = tpu.memref_slice %arg5[%dma_wait3A_156, %dma_wait3A_157, %dma_wait3A_158] : memref<4x2x128xi32, #tpu.memory_space<vmem>> -> memref<1x1x128xi32, #tpu.memory_space<vmem>>
    %dma_wait3A_160 = tpu.memref_squeeze %dma_wait3A_159 : memref<1x1x128xi32, #tpu.memory_space<vmem>> -> memref<128xi32, #tpu.memory_space<vmem>>
    %dma_wait3A_161 = arith.constant 0 : i32
    %dma_wait3A_162 = arith.constant 0 : i32
    %dma_wait3A_163 = tpu.memref_slice %arg16[%dma_wait3A_161, %dma_wait3A_162] : memref<10112x128xf32, #tpu.memory_space<vmem_shared>> -> memref<10112x128xf32, #tpu.memory_space<vmem_shared>>
    tpu.wait_indirect_dma semaphore(%arg11 : memref<!tpu.dma_semaphore, #tpu.memory_space<semaphore_mem>>) src(%arg7 : memref<128x128xf32, #tpu.memory_space<vmem>>) dst(%dma_wait3A_163 : memref<10112x128xf32, #tpu.memory_space<vmem_shared>>)
    %barrier3A_164 = arith.constant 0 : index
    tpu.barrier barrier_id(%barrier3A_164)
    %mul3A_165 = arith.constant 632 : i32
    %mul3A_166 = arith.muli %arg1, %mul3A_165 : i32
    %mul3A_167 = arith.constant 632 : i32
    %mul3A_168 = arith.muli %arg1, %mul3A_167 : i32
    "tpu.region"() ({
      %run_scoped3A = tpu.sem_alloc : memref<!tpu.dma_semaphore, #tpu.memory_space<semaphore_mem>>
      %dma_start3A_169 = arith.constant 0 : i32
      %dma_start3A_170 = tpu.memref_slice %arg4[%arg0, %mul3A_168, %dma_start3A_169] : memref<2x10112x128xf32, #tpu.memory_space<hbm>> -> memref<1x632x128xf32, #tpu.memory_space<hbm>>
      %dma_start3A_171 = tpu.memref_squeeze %dma_start3A_170 : memref<1x632x128xf32, #tpu.memory_space<hbm>> -> memref<632x128xf32, #tpu.memory_space<hbm>>
      %dma_start3A_172 = arith.constant 0 : i32
      %dma_start3A_173 = tpu.memref_slice %arg16[%mul3A_166, %dma_start3A_172] : memref<10112x128xf32, #tpu.memory_space<vmem_shared>> -> memref<632x128xf32, #tpu.memory_space<vmem_shared>>
      tpu.enqueue_dma source(%dma_start3A_173 : memref<632x128xf32, #tpu.memory_space<vmem_shared>>) target(%dma_start3A_171 : memref<632x128xf32, #tpu.memory_space<hbm>>) target_semaphore(%run_scoped3A : memref<!tpu.dma_semaphore, #tpu.memory_space<semaphore_mem>>)
      %dma_wait3A_174 = arith.constant 0 : i32
      %dma_wait3A_175 = tpu.memref_slice %arg4[%arg0, %mul3A_168, %dma_wait3A_174] : memref<2x10112x128xf32, #tpu.memory_space<hbm>> -> memref<1x632x128xf32, #tpu.memory_space<hbm>>
      %dma_wait3A_176 = tpu.memref_squeeze %dma_wait3A_175 : memref<1x632x128xf32, #tpu.memory_space<hbm>> -> memref<632x128xf32, #tpu.memory_space<hbm>>
      %dma_wait3A_177 = arith.constant 0 : i32
      %dma_wait3A_178 = tpu.memref_slice %arg16[%mul3A_166, %dma_wait3A_177] : memref<10112x128xf32, #tpu.memory_space<vmem_shared>> -> memref<632x128xf32, #tpu.memory_space<vmem_shared>>
      tpu.wait_dma2 semaphore(%run_scoped3A : memref<!tpu.dma_semaphore, #tpu.memory_space<semaphore_mem>>) src(%dma_wait3A_178 : memref<632x128xf32, #tpu.memory_space<vmem_shared>>) dst(%dma_wait3A_176 : memref<632x128xf32, #tpu.memory_space<hbm>>)
      tpu.yield
    }) : () -> ()
    return
  }
}

#map = affine_map<(d0, d1) -> (0, 0)>
module attributes {stable_mosaic.version = 14 : i64} {
  func.func @_deg_kernel(%arg0: i32, %arg1: i32, %arg2: memref<32x10000xi32, #tpu.memory_space<hbm>>, %arg3: memref<32x10000xf32, #tpu.memory_space<hbm>>, %arg4: memref<10000xf32, #tpu.memory_space<vmem>>, %arg5: memref<10000xi32, #tpu.memory_space<vmem>>) attributes {dimension_semantics = [#tpu.dimension_semantics<core_parallel>, #tpu.dimension_semantics<subcore_parallel>], iteration_bounds = array<i64: 2, 16>, scalar_prefetch = 0 : i64, scratch_operands = 2 : i64, tpu.core_type = #tpu.core_type<sc_vector_subcore>, window_params = [{transform_indices = #map}, {transform_indices = #map}]} {
    %mul3A = arith.constant 16 : i32
    %mul3A_0 = arith.muli %arg0, %mul3A : i32
    %add3A = arith.addi %mul3A_0, %arg1 : i32
    %broadcast_in_dim3A = arith.constant 0.000000e+00 : f32
    %broadcast_in_dim3A_1 = vector.broadcast %broadcast_in_dim3A : f32 to vector<16xf32>
    %scan3A = arith.constant 0 : i32
    %scan3A_2 = arith.constant 0 : i32
    %scan3A_3 = arith.constant 625 : i32
    %scan3A_4 = arith.addi %scan3A_2, %scan3A_3 : i32
    %scan3A_5 = arith.constant 1 : i32
    %scan3A_6 = scf.for %scan3A_17 = %scan3A_2 to %scan3A_4 step %scan3A_5 iter_args(%scan3A_18 = %scan3A) -> (i32)  : i32 {
      %mul3A_19 = arith.constant 16 : i32
      %mul3A_20 = arith.muli %scan3A_17, %mul3A_19 : i32
      %swap3A = arith.index_cast %mul3A_20 : i32 to index
      %swap3A_21 = tpu.vector_load %arg4[%swap3A] {strides = array<i32>} : memref<10000xf32, #tpu.memory_space<vmem>>, vector<16xf32>,
      tpu.vector_store %arg4[%swap3A], %broadcast_in_dim3A_1 {strides = array<i32>} : memref<10000xf32, #tpu.memory_space<vmem>>, vector<16xf32>,
      %scan3A_22 = arith.constant 0 : i32
      scf.yield %scan3A_22 : i32
    }
    %scan3A_7 = arith.constant 625 : i32
    "tpu.region"() ({
      %run_scoped3A = tpu.sem_alloc : memref<!tpu.dma_semaphore, #tpu.memory_space<semaphore_mem>>
      %dma_start3A = arith.constant 0 : i32
      %dma_start3A_17 = tpu.memref_slice %arg2[%add3A, %dma_start3A] : memref<32x10000xi32, #tpu.memory_space<hbm>> -> memref<1x10000xi32, #tpu.memory_space<hbm>>
      %dma_start3A_18 = tpu.memref_squeeze %dma_start3A_17 : memref<1x10000xi32, #tpu.memory_space<hbm>> -> memref<10000xi32, #tpu.memory_space<hbm>>
      %dma_start3A_19 = arith.constant 0 : i32
      %dma_start3A_20 = tpu.memref_slice %arg2[%add3A, %dma_start3A_19] : memref<32x10000xi32, #tpu.memory_space<hbm>> -> memref<1x10000xi32, #tpu.memory_space<hbm>>
      %dma_start3A_21 = tpu.memref_squeeze %dma_start3A_20 : memref<1x10000xi32, #tpu.memory_space<hbm>> -> memref<10000xi32, #tpu.memory_space<hbm>>
      tpu.enqueue_dma source(%dma_start3A_21 : memref<10000xi32, #tpu.memory_space<hbm>>) target(%arg5 : memref<10000xi32, #tpu.memory_space<vmem>>) target_semaphore(%run_scoped3A : memref<!tpu.dma_semaphore, #tpu.memory_space<semaphore_mem>>)
      %dma_wait3A = arith.constant 0 : i32
      %dma_wait3A_22 = tpu.memref_slice %arg2[%add3A, %dma_wait3A] : memref<32x10000xi32, #tpu.memory_space<hbm>> -> memref<1x10000xi32, #tpu.memory_space<hbm>>
      %dma_wait3A_23 = tpu.memref_squeeze %dma_wait3A_22 : memref<1x10000xi32, #tpu.memory_space<hbm>> -> memref<10000xi32, #tpu.memory_space<hbm>>
      %dma_wait3A_24 = arith.constant 0 : i32
      %dma_wait3A_25 = tpu.memref_slice %arg2[%add3A, %dma_wait3A_24] : memref<32x10000xi32, #tpu.memory_space<hbm>> -> memref<1x10000xi32, #tpu.memory_space<hbm>>
      %dma_wait3A_26 = tpu.memref_squeeze %dma_wait3A_25 : memref<1x10000xi32, #tpu.memory_space<hbm>> -> memref<10000xi32, #tpu.memory_space<hbm>>
      tpu.wait_dma2 semaphore(%run_scoped3A : memref<!tpu.dma_semaphore, #tpu.memory_space<semaphore_mem>>) src(%dma_wait3A_26 : memref<10000xi32, #tpu.memory_space<hbm>>) dst(%arg5 : memref<10000xi32, #tpu.memory_space<vmem>>)
      tpu.yield
    }) : () -> ()
    %broadcast_in_dim3A_8 = arith.constant 1.000000e+00 : f32
    %broadcast_in_dim3A_9 = vector.broadcast %broadcast_in_dim3A_8 : f32 to vector<16xf32>
    %scan3A_10 = arith.constant 0 : i32
    %scan3A_11 = arith.constant 0 : i32
    %scan3A_12 = arith.constant 625 : i32
    %scan3A_13 = arith.addi %scan3A_11, %scan3A_12 : i32
    %scan3A_14 = arith.constant 1 : i32
    %scan3A_15 = scf.for %scan3A_17 = %scan3A_11 to %scan3A_13 step %scan3A_14 iter_args(%scan3A_18 = %scan3A_10) -> (i32)  : i32 {
      %mul3A_19 = arith.constant 16 : i32
      %mul3A_20 = arith.muli %scan3A_17, %mul3A_19 : i32
      %get3A = arith.index_cast %mul3A_20 : i32 to index
      %get3A_21 = tpu.vector_load %arg5[%get3A] {strides = array<i32>} : memref<10000xi32, #tpu.memory_space<vmem>>, vector<16xi32>,
      tpu.vector_store_idx %arg4[%get3A_21], %broadcast_in_dim3A_9 {add = true} : memref<10000xf32, #tpu.memory_space<vmem>>[vector<16xi32>], vector<16xf32>,
      %scan3A_22 = arith.constant 0 : i32
      scf.yield %scan3A_22 : i32
    }
    %scan3A_16 = arith.constant 625 : i32
    "tpu.region"() ({
      %run_scoped3A = tpu.sem_alloc : memref<!tpu.dma_semaphore, #tpu.memory_space<semaphore_mem>>
      %dma_start3A = arith.constant 0 : i32
      %dma_start3A_17 = tpu.memref_slice %arg3[%add3A, %dma_start3A] : memref<32x10000xf32, #tpu.memory_space<hbm>> -> memref<1x10000xf32, #tpu.memory_space<hbm>>
      %dma_start3A_18 = tpu.memref_squeeze %dma_start3A_17 : memref<1x10000xf32, #tpu.memory_space<hbm>> -> memref<10000xf32, #tpu.memory_space<hbm>>
      %dma_start3A_19 = arith.constant 0 : i32
      %dma_start3A_20 = tpu.memref_slice %arg3[%add3A, %dma_start3A_19] : memref<32x10000xf32, #tpu.memory_space<hbm>> -> memref<1x10000xf32, #tpu.memory_space<hbm>>
      %dma_start3A_21 = tpu.memref_squeeze %dma_start3A_20 : memref<1x10000xf32, #tpu.memory_space<hbm>> -> memref<10000xf32, #tpu.memory_space<hbm>>
      tpu.enqueue_dma source(%arg4 : memref<10000xf32, #tpu.memory_space<vmem>>) target(%dma_start3A_21 : memref<10000xf32, #tpu.memory_space<hbm>>) target_semaphore(%run_scoped3A : memref<!tpu.dma_semaphore, #tpu.memory_space<semaphore_mem>>)
      %dma_wait3A = arith.constant 0 : i32
      %dma_wait3A_22 = tpu.memref_slice %arg3[%add3A, %dma_wait3A] : memref<32x10000xf32, #tpu.memory_space<hbm>> -> memref<1x10000xf32, #tpu.memory_space<hbm>>
      %dma_wait3A_23 = tpu.memref_squeeze %dma_wait3A_22 : memref<1x10000xf32, #tpu.memory_space<hbm>> -> memref<10000xf32, #tpu.memory_space<hbm>>
      %dma_wait3A_24 = arith.constant 0 : i32
      %dma_wait3A_25 = tpu.memref_slice %arg3[%add3A, %dma_wait3A_24] : memref<32x10000xf32, #tpu.memory_space<hbm>> -> memref<1x10000xf32, #tpu.memory_space<hbm>>
      %dma_wait3A_26 = tpu.memref_squeeze %dma_wait3A_25 : memref<1x10000xf32, #tpu.memory_space<hbm>> -> memref<10000xf32, #tpu.memory_space<hbm>>
      tpu.wait_dma2 semaphore(%run_scoped3A : memref<!tpu.dma_semaphore, #tpu.memory_space<semaphore_mem>>) src(%arg4 : memref<10000xf32, #tpu.memory_space<vmem>>) dst(%dma_wait3A_26 : memref<10000xf32, #tpu.memory_space<hbm>>)
      tpu.yield
    }) : () -> ()
    return
  }
}

#map = affine_map<(d0, d1) -> (0, 0)>
#map1 = affine_map<(d0, d1) -> (0, 0, 0, 0)>
#map2 = affine_map<(d0, d1) -> (0, 0, 0)>
module attributes {stable_mosaic.version = 14 : i64} {
  func.func @_edge_kernel(%arg0: i32, %arg1: i32, %arg2: memref<10000x128xf32, #tpu.memory_space<hbm>>, %arg3: memref<32x80x2x128xi32, #tpu.memory_space<hbm>>, %arg4: memref<2x10112x128xf32, #tpu.memory_space<hbm>>, %arg5: memref<4x2x128xi32, #tpu.memory_space<vmem>>, %arg6: memref<128x128xf32, #tpu.memory_space<vmem>>, %arg7: memref<128x128xf32, #tpu.memory_space<vmem>>, %arg8: memref<!tpu.dma_semaphore, #tpu.memory_space<semaphore_mem>>, %arg9: memref<!tpu.dma_semaphore, #tpu.memory_space<semaphore_mem>>, %arg10: memref<!tpu.dma_semaphore, #tpu.memory_space<semaphore_mem>>, %arg11: memref<!tpu.dma_semaphore, #tpu.memory_space<semaphore_mem>>, %arg12: memref<!tpu.dma_semaphore, #tpu.memory_space<semaphore_mem>>, %arg13: memref<!tpu.dma_semaphore, #tpu.memory_space<semaphore_mem>>, %arg14: memref<!tpu.dma_semaphore, #tpu.memory_space<semaphore_mem>>, %arg15: memref<!tpu.dma_semaphore, #tpu.memory_space<semaphore_mem>>, %arg16: memref<10112x128xf32, #tpu.memory_space<vmem_shared>>) attributes {dimension_semantics = [#tpu.dimension_semantics<core_parallel>, #tpu.dimension_semantics<subcore_parallel>], iteration_bounds = array<i64: 2, 16>, scalar_prefetch = 0 : i64, scratch_operands = 12 : i64, tpu.core_type = #tpu.core_type<sc_vector_subcore>, window_params = [{transform_indices = #map}, {transform_indices = #map1}, {transform_indices = #map2}]} {
    %mul3A = arith.constant 16 : i32
    %mul3A_0 = arith.muli %arg0, %mul3A : i32
    %add3A = arith.addi %mul3A_0, %arg1 : i32
    %broadcast_in_dim3A = arith.constant 0.000000e+00 : f32
    %broadcast_in_dim3A_1 = vector.broadcast %broadcast_in_dim3A : f32 to vector<16xf32>
    %scan3A = arith.constant 0 : i32
    %scan3A_2 = arith.constant 0 : i32
    %scan3A_3 = arith.constant 1024 : i32
    %scan3A_4 = arith.addi %scan3A_2, %scan3A_3 : i32
    %scan3A_5 = arith.constant 1 : i32
    %scan3A_6 = scf.for %scan3A_169 = %scan3A_2 to %scan3A_4 step %scan3A_5 iter_args(%scan3A_170 = %scan3A) -> (i32)  : i32 {
      %jit3A = arith.constant 8 : i32
      %div3A = arith.divsi %scan3A_169, %jit3A : i32
      %sign3A = arith.constant 0 : i32
      %sign3A_171 = arith.cmpi sgt, %scan3A_169, %sign3A : i32
      %sign3A_172 = arith.extui %sign3A_171 : i1 to i32
      %sign3A_173 = arith.constant 0 : i32
      %sign3A_174 = arith.cmpi slt, %scan3A_169, %sign3A_173 : i32
      %sign3A_175 = arith.extui %sign3A_174 : i1 to i32
      %sign3A_176 = arith.subi %sign3A_172, %sign3A_175 : i32
      %sign3A_177 = arith.constant 0 : i32
      %sign3A_178 = arith.cmpi sgt, %jit3A, %sign3A_177 : i32
      %sign3A_179 = arith.extui %sign3A_178 : i1 to i32
      %sign3A_180 = arith.constant 0 : i32
      %sign3A_181 = arith.cmpi slt, %jit3A, %sign3A_180 : i32
      %sign3A_182 = arith.extui %sign3A_181 : i1 to i32
      %sign3A_183 = arith.subi %sign3A_179, %sign3A_182 : i32
      %ne3A = arith.cmpi ne, %sign3A_176, %sign3A_183 : i32
      %rem3A = arith.remsi %scan3A_169, %jit3A : i32
      %ne3A_184 = arith.constant 0 : i32
      %ne3A_185 = arith.cmpi ne, %rem3A, %ne3A_184 : i32
      %and3A = arith.andi %ne3A, %ne3A_185 : i1
      %sub3A = arith.constant 1 : i32
      %sub3A_186 = arith.subi %div3A, %sub3A : i32
      %select_n3A = arith.select %and3A, %sub3A_186, %div3A : i32
      %jit3A_187 = arith.constant 8 : i32
      %eq3A = arith.constant 0 : i32
      %eq3A_188 = arith.cmpi eq, %jit3A_187, %eq3A : i32
      %jit3A_189 = arith.constant 1 : i32
      %select_n3A_190 = arith.select %eq3A_188, %jit3A_189, %jit3A_187 : i32
      %rem3A_191 = arith.remsi %scan3A_169, %select_n3A_190 : i32
      %ne3A_192 = arith.constant 0 : i32
      %ne3A_193 = arith.cmpi ne, %rem3A_191, %ne3A_192 : i32
      %lt3A = arith.constant 0 : i32
      %lt3A_194 = arith.cmpi slt, %rem3A_191, %lt3A : i32
      %lt3A_195 = arith.constant 0 : i32
      %lt3A_196 = arith.cmpi slt, %select_n3A_190, %lt3A_195 : i32
      %ne3A_197 = arith.xori %lt3A_194, %lt3A_196 : i1
      %and3A_198 = arith.andi %ne3A_197, %ne3A_193 : i1
      %add3A_199 = arith.addi %rem3A_191, %select_n3A_190 : i32
      %select_n3A_200 = arith.select %and3A_198, %add3A_199, %rem3A_191 : i32
      %mul3A_201 = arith.constant 16 : i32
      %mul3A_202 = arith.muli %select_n3A_200, %mul3A_201 : i32
      %swap3A = arith.index_cast %select_n3A : i32 to index
      %swap3A_203 = arith.index_cast %mul3A_202 : i32 to index
      %swap3A_204 = tpu.vector_load %arg6[%swap3A, %swap3A_203] {strides = array<i32>} : memref<128x128xf32, #tpu.memory_space<vmem>>, vector<16xf32>,
      tpu.vector_store %arg6[%swap3A, %swap3A_203], %broadcast_in_dim3A_1 {strides = array<i32>} : memref<128x128xf32, #tpu.memory_space<vmem>>, vector<16xf32>,
      %scan3A_205 = arith.constant 0 : i32
      scf.yield %scan3A_205 : i32
    }
    %scan3A_7 = arith.constant 1024 : i32
    %scan3A_8 = arith.constant 0 : i32
    %scan3A_9 = arith.constant 0 : i32
    %scan3A_10 = arith.constant 4 : i32
    %scan3A_11 = arith.addi %scan3A_9, %scan3A_10 : i32
    %scan3A_12 = arith.constant 1 : i32
    %scan3A_13 = scf.for %scan3A_169 = %scan3A_9 to %scan3A_11 step %scan3A_12 iter_args(%scan3A_170 = %scan3A_8) -> (i32)  : i32 {
      %mul3A_171 = arith.constant 632 : i32
      %mul3A_172 = arith.muli %arg1, %mul3A_171 : i32
      %mul3A_173 = arith.constant 128 : i32
      %mul3A_174 = arith.muli %scan3A_169, %mul3A_173 : i32
      %add3A_175 = arith.addi %mul3A_172, %mul3A_174 : i32
      "tpu.region"() ({
        %run_scoped3A = tpu.sem_alloc : memref<!tpu.dma_semaphore, #tpu.memory_space<semaphore_mem>>
        %dma_start3A_177 = arith.constant 0 : i32
        %dma_start3A_178 = tpu.memref_slice %arg16[%add3A_175, %dma_start3A_177] : memref<10112x128xf32, #tpu.memory_space<vmem_shared>> -> memref<128x128xf32, #tpu.memory_space<vmem_shared>>
        %dma_start3A_179 = arith.constant 0 : i32
        %dma_start3A_180 = tpu.memref_slice %arg16[%add3A_175, %dma_start3A_179] : memref<10112x128xf32, #tpu.memory_space<vmem_shared>> -> memref<128x128xf32, #tpu.memory_space<vmem_shared>>
        tpu.enqueue_dma source(%arg6 : memref<128x128xf32, #tpu.memory_space<vmem>>) target(%dma_start3A_180 : memref<128x128xf32, #tpu.memory_space<vmem_shared>>) target_semaphore(%run_scoped3A : memref<!tpu.dma_semaphore, #tpu.memory_space<semaphore_mem>>)
        %dma_wait3A_181 = arith.constant 0 : i32
        %dma_wait3A_182 = tpu.memref_slice %arg16[%add3A_175, %dma_wait3A_181] : memref<10112x128xf32, #tpu.memory_space<vmem_shared>> -> memref<128x128xf32, #tpu.memory_space<vmem_shared>>
        %dma_wait3A_183 = arith.constant 0 : i32
        %dma_wait3A_184 = tpu.memref_slice %arg16[%add3A_175, %dma_wait3A_183] : memref<10112x128xf32, #tpu.memory_space<vmem_shared>> -> memref<128x128xf32, #tpu.memory_space<vmem_shared>>
        tpu.wait_dma2 semaphore(%run_scoped3A : memref<!tpu.dma_semaphore, #tpu.memory_space<semaphore_mem>>) src(%arg6 : memref<128x128xf32, #tpu.memory_space<vmem>>) dst(%dma_wait3A_184 : memref<128x128xf32, #tpu.memory_space<vmem_shared>>)
        tpu.yield
      }) : () -> ()
      %scan3A_176 = arith.constant 0 : i32
      scf.yield %scan3A_176 : i32
    }
    %scan3A_14 = arith.constant 4 : i32
    %mul3A_15 = arith.constant 632 : i32
    %mul3A_16 = arith.muli %arg1, %mul3A_15 : i32
    %add3A_17 = arith.constant 512 : i32
    %add3A_18 = arith.addi %mul3A_16, %add3A_17 : i32
    "tpu.region"() ({
      %run_scoped3A = tpu.sem_alloc : memref<!tpu.dma_semaphore, #tpu.memory_space<semaphore_mem>>
      %dma_start3A_169 = arith.constant 0 : i32
      %dma_start3A_170 = arith.constant 0 : i32
      %dma_start3A_171 = tpu.memref_slice %arg6[%dma_start3A_169, %dma_start3A_170] : memref<128x128xf32, #tpu.memory_space<vmem>> -> memref<120x128xf32, #tpu.memory_space<vmem>>
      %dma_start3A_172 = arith.constant 0 : i32
      %dma_start3A_173 = tpu.memref_slice %arg16[%add3A_18, %dma_start3A_172] : memref<10112x128xf32, #tpu.memory_space<vmem_shared>> -> memref<120x128xf32, #tpu.memory_space<vmem_shared>>
      %dma_start3A_174 = arith.constant 0 : i32
      %dma_start3A_175 = tpu.memref_slice %arg16[%add3A_18, %dma_start3A_174] : memref<10112x128xf32, #tpu.memory_space<vmem_shared>> -> memref<120x128xf32, #tpu.memory_space<vmem_shared>>
      %dma_start3A_176 = arith.constant 0 : i32
      %dma_start3A_177 = arith.constant 0 : i32
      %dma_start3A_178 = tpu.memref_slice %arg6[%dma_start3A_176, %dma_start3A_177] : memref<128x128xf32, #tpu.memory_space<vmem>> -> memref<120x128xf32, #tpu.memory_space<vmem>>
      tpu.enqueue_dma source(%dma_start3A_178 : memref<120x128xf32, #tpu.memory_space<vmem>>) target(%dma_start3A_175 : memref<120x128xf32, #tpu.memory_space<vmem_shared>>) target_semaphore(%run_scoped3A : memref<!tpu.dma_semaphore, #tpu.memory_space<semaphore_mem>>)
      %dma_wait3A_179 = arith.constant 0 : i32
      %dma_wait3A_180 = arith.constant 0 : i32
      %dma_wait3A_181 = tpu.memref_slice %arg6[%dma_wait3A_179, %dma_wait3A_180] : memref<128x128xf32, #tpu.memory_space<vmem>> -> memref<120x128xf32, #tpu.memory_space<vmem>>
      %dma_wait3A_182 = arith.constant 0 : i32
      %dma_wait3A_183 = tpu.memref_slice %arg16[%add3A_18, %dma_wait3A_182] : memref<10112x128xf32, #tpu.memory_space<vmem_shared>> -> memref<120x128xf32, #tpu.memory_space<vmem_shared>>
      %dma_wait3A_184 = arith.constant 0 : i32
      %dma_wait3A_185 = tpu.memref_slice %arg16[%add3A_18, %dma_wait3A_184] : memref<10112x128xf32, #tpu.memory_space<vmem_shared>> -> memref<120x128xf32, #tpu.memory_space<vmem_shared>>
      %dma_wait3A_186 = arith.constant 0 : i32
      %dma_wait3A_187 = arith.constant 0 : i32
      %dma_wait3A_188 = tpu.memref_slice %arg6[%dma_wait3A_186, %dma_wait3A_187] : memref<128x128xf32, #tpu.memory_space<vmem>> -> memref<120x128xf32, #tpu.memory_space<vmem>>
      tpu.wait_dma2 semaphore(%run_scoped3A : memref<!tpu.dma_semaphore, #tpu.memory_space<semaphore_mem>>) src(%dma_wait3A_188 : memref<120x128xf32, #tpu.memory_space<vmem>>) dst(%dma_wait3A_185 : memref<120x128xf32, #tpu.memory_space<vmem_shared>>)
      tpu.yield
    }) : () -> ()
    %barrier3A = arith.constant 0 : index
    tpu.barrier barrier_id(%barrier3A)
    %dma_start3A = arith.constant 0 : i32
    %dma_start3A_19 = arith.constant 0 : i32
    %dma_start3A_20 = arith.constant 0 : i32
    %dma_start3A_21 = arith.constant 0 : i32
    %dma_start3A_22 = tpu.memref_slice %arg5[%dma_start3A_19, %dma_start3A_20, %dma_start3A_21] : memref<4x2x128xi32, #tpu.memory_space<vmem>> -> memref<1x2x128xi32, #tpu.memory_space<vmem>>
    %dma_start3A_23 = tpu.memref_squeeze %dma_start3A_22 : memref<1x2x128xi32, #tpu.memory_space<vmem>> -> memref<2x128xi32, #tpu.memory_space<vmem>>
    %dma_start3A_24 = arith.constant 0 : i32
    %dma_start3A_25 = arith.constant 0 : i32
    %dma_start3A_26 = tpu.memref_slice %arg3[%add3A, %dma_start3A, %dma_start3A_24, %dma_start3A_25] : memref<32x80x2x128xi32, #tpu.memory_space<hbm>> -> memref<1x1x2x128xi32, #tpu.memory_space<hbm>>
    %dma_start3A_27 = tpu.memref_squeeze %dma_start3A_26 : memref<1x1x2x128xi32, #tpu.memory_space<hbm>> -> memref<2x128xi32, #tpu.memory_space<hbm>>
    %dma_start3A_28 = arith.constant 0 : i32
    %dma_start3A_29 = arith.constant 0 : i32
    %dma_start3A_30 = tpu.memref_slice %arg5[%dma_start3A_19, %dma_start3A_28, %dma_start3A_29] : memref<4x2x128xi32, #tpu.memory_space<vmem>> -> memref<1x2x128xi32, #tpu.memory_space<vmem>>
    %dma_start3A_31 = tpu.memref_squeeze %dma_start3A_30 : memref<1x2x128xi32, #tpu.memory_space<vmem>> -> memref<2x128xi32, #tpu.memory_space<vmem>>
    %dma_start3A_32 = arith.constant 0 : i32
    %dma_start3A_33 = arith.constant 0 : i32
    %dma_start3A_34 = tpu.memref_slice %arg3[%add3A, %dma_start3A, %dma_start3A_32, %dma_start3A_33] : memref<32x80x2x128xi32, #tpu.memory_space<hbm>> -> memref<1x1x2x128xi32, #tpu.memory_space<hbm>>
    %dma_start3A_35 = tpu.memref_squeeze %dma_start3A_34 : memref<1x1x2x128xi32, #tpu.memory_space<hbm>> -> memref<2x128xi32, #tpu.memory_space<hbm>>
    tpu.enqueue_dma source(%dma_start3A_35 : memref<2x128xi32, #tpu.memory_space<hbm>>) target(%dma_start3A_31 : memref<2x128xi32, #tpu.memory_space<vmem>>) target_semaphore(%arg12 : memref<!tpu.dma_semaphore, #tpu.memory_space<semaphore_mem>>)
    %dma_start3A_36 = arith.constant 1 : i32
    %dma_start3A_37 = arith.constant 1 : i32
    %dma_start3A_38 = arith.constant 0 : i32
    %dma_start3A_39 = arith.constant 0 : i32
    %dma_start3A_40 = tpu.memref_slice %arg5[%dma_start3A_37, %dma_start3A_38, %dma_start3A_39] : memref<4x2x128xi32, #tpu.memory_space<vmem>> -> memref<1x2x128xi32, #tpu.memory_space<vmem>>
    %dma_start3A_41 = tpu.memref_squeeze %dma_start3A_40 : memref<1x2x128xi32, #tpu.memory_space<vmem>> -> memref<2x128xi32, #tpu.memory_space<vmem>>
    %dma_start3A_42 = arith.constant 0 : i32
    %dma_start3A_43 = arith.constant 0 : i32
    %dma_start3A_44 = tpu.memref_slice %arg3[%add3A, %dma_start3A_36, %dma_start3A_42, %dma_start3A_43] : memref<32x80x2x128xi32, #tpu.memory_space<hbm>> -> memref<1x1x2x128xi32, #tpu.memory_space<hbm>>
    %dma_start3A_45 = tpu.memref_squeeze %dma_start3A_44 : memref<1x1x2x128xi32, #tpu.memory_space<hbm>> -> memref<2x128xi32, #tpu.memory_space<hbm>>
    %dma_start3A_46 = arith.constant 0 : i32
    %dma_start3A_47 = arith.constant 0 : i32
    %dma_start3A_48 = tpu.memref_slice %arg5[%dma_start3A_37, %dma_start3A_46, %dma_start3A_47] : memref<4x2x128xi32, #tpu.memory_space<vmem>> -> memref<1x2x128xi32, #tpu.memory_space<vmem>>
    %dma_start3A_49 = tpu.memref_squeeze %dma_start3A_48 : memref<1x2x128xi32, #tpu.memory_space<vmem>> -> memref<2x128xi32, #tpu.memory_space<vmem>>
    %dma_start3A_50 = arith.constant 0 : i32
    %dma_start3A_51 = arith.constant 0 : i32
    %dma_start3A_52 = tpu.memref_slice %arg3[%add3A, %dma_start3A_36, %dma_start3A_50, %dma_start3A_51] : memref<32x80x2x128xi32, #tpu.memory_space<hbm>> -> memref<1x1x2x128xi32, #tpu.memory_space<hbm>>
    %dma_start3A_53 = tpu.memref_squeeze %dma_start3A_52 : memref<1x1x2x128xi32, #tpu.memory_space<hbm>> -> memref<2x128xi32, #tpu.memory_space<hbm>>
    tpu.enqueue_dma source(%dma_start3A_53 : memref<2x128xi32, #tpu.memory_space<hbm>>) target(%dma_start3A_49 : memref<2x128xi32, #tpu.memory_space<vmem>>) target_semaphore(%arg13 : memref<!tpu.dma_semaphore, #tpu.memory_space<semaphore_mem>>)
    %dma_start3A_54 = arith.constant 2 : i32
    %dma_start3A_55 = arith.constant 2 : i32
    %dma_start3A_56 = arith.constant 0 : i32
    %dma_start3A_57 = arith.constant 0 : i32
    %dma_start3A_58 = tpu.memref_slice %arg5[%dma_start3A_55, %dma_start3A_56, %dma_start3A_57] : memref<4x2x128xi32, #tpu.memory_space<vmem>> -> memref<1x2x128xi32, #tpu.memory_space<vmem>>
    %dma_start3A_59 = tpu.memref_squeeze %dma_start3A_58 : memref<1x2x128xi32, #tpu.memory_space<vmem>> -> memref<2x128xi32, #tpu.memory_space<vmem>>
    %dma_start3A_60 = arith.constant 0 : i32
    %dma_start3A_61 = arith.constant 0 : i32
    %dma_start3A_62 = tpu.memref_slice %arg3[%add3A, %dma_start3A_54, %dma_start3A_60, %dma_start3A_61] : memref<32x80x2x128xi32, #tpu.memory_space<hbm>> -> memref<1x1x2x128xi32, #tpu.memory_space<hbm>>
    %dma_start3A_63 = tpu.memref_squeeze %dma_start3A_62 : memref<1x1x2x128xi32, #tpu.memory_space<hbm>> -> memref<2x128xi32, #tpu.memory_space<hbm>>
    %dma_start3A_64 = arith.constant 0 : i32
    %dma_start3A_65 = arith.constant 0 : i32
    %dma_start3A_66 = tpu.memref_slice %arg5[%dma_start3A_55, %dma_start3A_64, %dma_start3A_65] : memref<4x2x128xi32, #tpu.memory_space<vmem>> -> memref<1x2x128xi32, #tpu.memory_space<vmem>>
    %dma_start3A_67 = tpu.memref_squeeze %dma_start3A_66 : memref<1x2x128xi32, #tpu.memory_space<vmem>> -> memref<2x128xi32, #tpu.memory_space<vmem>>
    %dma_start3A_68 = arith.constant 0 : i32
    %dma_start3A_69 = arith.constant 0 : i32
    %dma_start3A_70 = tpu.memref_slice %arg3[%add3A, %dma_start3A_54, %dma_start3A_68, %dma_start3A_69] : memref<32x80x2x128xi32, #tpu.memory_space<hbm>> -> memref<1x1x2x128xi32, #tpu.memory_space<hbm>>
    %dma_start3A_71 = tpu.memref_squeeze %dma_start3A_70 : memref<1x1x2x128xi32, #tpu.memory_space<hbm>> -> memref<2x128xi32, #tpu.memory_space<hbm>>
    tpu.enqueue_dma source(%dma_start3A_71 : memref<2x128xi32, #tpu.memory_space<hbm>>) target(%dma_start3A_67 : memref<2x128xi32, #tpu.memory_space<vmem>>) target_semaphore(%arg14 : memref<!tpu.dma_semaphore, #tpu.memory_space<semaphore_mem>>)
    %dma_start3A_72 = arith.constant 3 : i32
    %dma_start3A_73 = arith.constant 3 : i32
    %dma_start3A_74 = arith.constant 0 : i32
    %dma_start3A_75 = arith.constant 0 : i32
    %dma_start3A_76 = tpu.memref_slice %arg5[%dma_start3A_73, %dma_start3A_74, %dma_start3A_75] : memref<4x2x128xi32, #tpu.memory_space<vmem>> -> memref<1x2x128xi32, #tpu.memory_space<vmem>>
    %dma_start3A_77 = tpu.memref_squeeze %dma_start3A_76 : memref<1x2x128xi32, #tpu.memory_space<vmem>> -> memref<2x128xi32, #tpu.memory_space<vmem>>
    %dma_start3A_78 = arith.constant 0 : i32
    %dma_start3A_79 = arith.constant 0 : i32
    %dma_start3A_80 = tpu.memref_slice %arg3[%add3A, %dma_start3A_72, %dma_start3A_78, %dma_start3A_79] : memref<32x80x2x128xi32, #tpu.memory_space<hbm>> -> memref<1x1x2x128xi32, #tpu.memory_space<hbm>>
    %dma_start3A_81 = tpu.memref_squeeze %dma_start3A_80 : memref<1x1x2x128xi32, #tpu.memory_space<hbm>> -> memref<2x128xi32, #tpu.memory_space<hbm>>
    %dma_start3A_82 = arith.constant 0 : i32
    %dma_start3A_83 = arith.constant 0 : i32
    %dma_start3A_84 = tpu.memref_slice %arg5[%dma_start3A_73, %dma_start3A_82, %dma_start3A_83] : memref<4x2x128xi32, #tpu.memory_space<vmem>> -> memref<1x2x128xi32, #tpu.memory_space<vmem>>
    %dma_start3A_85 = tpu.memref_squeeze %dma_start3A_84 : memref<1x2x128xi32, #tpu.memory_space<vmem>> -> memref<2x128xi32, #tpu.memory_space<vmem>>
    %dma_start3A_86 = arith.constant 0 : i32
    %dma_start3A_87 = arith.constant 0 : i32
    %dma_start3A_88 = tpu.memref_slice %arg3[%add3A, %dma_start3A_72, %dma_start3A_86, %dma_start3A_87] : memref<32x80x2x128xi32, #tpu.memory_space<hbm>> -> memref<1x1x2x128xi32, #tpu.memory_space<hbm>>
    %dma_start3A_89 = tpu.memref_squeeze %dma_start3A_88 : memref<1x1x2x128xi32, #tpu.memory_space<hbm>> -> memref<2x128xi32, #tpu.memory_space<hbm>>
    tpu.enqueue_dma source(%dma_start3A_89 : memref<2x128xi32, #tpu.memory_space<hbm>>) target(%dma_start3A_85 : memref<2x128xi32, #tpu.memory_space<vmem>>) target_semaphore(%arg15 : memref<!tpu.dma_semaphore, #tpu.memory_space<semaphore_mem>>)
    %dma_wait3A = arith.constant 0 : i32
    %dma_wait3A_90 = arith.constant 0 : i32
    %dma_wait3A_91 = arith.constant 0 : i32
    %dma_wait3A_92 = arith.constant 0 : i32
    %dma_wait3A_93 = tpu.memref_slice %arg5[%dma_wait3A_90, %dma_wait3A_91, %dma_wait3A_92] : memref<4x2x128xi32, #tpu.memory_space<vmem>> -> memref<1x2x128xi32, #tpu.memory_space<vmem>>
    %dma_wait3A_94 = tpu.memref_squeeze %dma_wait3A_93 : memref<1x2x128xi32, #tpu.memory_space<vmem>> -> memref<2x128xi32, #tpu.memory_space<vmem>>
    %dma_wait3A_95 = arith.constant 0 : i32
    %dma_wait3A_96 = arith.constant 0 : i32
    %dma_wait3A_97 = tpu.memref_slice %arg3[%add3A, %dma_wait3A, %dma_wait3A_95, %dma_wait3A_96] : memref<32x80x2x128xi32, #tpu.memory_space<hbm>> -> memref<1x1x2x128xi32, #tpu.memory_space<hbm>>
    %dma_wait3A_98 = tpu.memref_squeeze %dma_wait3A_97 : memref<1x1x2x128xi32, #tpu.memory_space<hbm>> -> memref<2x128xi32, #tpu.memory_space<hbm>>
    %dma_wait3A_99 = arith.constant 0 : i32
    %dma_wait3A_100 = arith.constant 0 : i32
    %dma_wait3A_101 = tpu.memref_slice %arg5[%dma_wait3A_90, %dma_wait3A_99, %dma_wait3A_100] : memref<4x2x128xi32, #tpu.memory_space<vmem>> -> memref<1x2x128xi32, #tpu.memory_space<vmem>>
    %dma_wait3A_102 = tpu.memref_squeeze %dma_wait3A_101 : memref<1x2x128xi32, #tpu.memory_space<vmem>> -> memref<2x128xi32, #tpu.memory_space<vmem>>
    %dma_wait3A_103 = arith.constant 0 : i32
    %dma_wait3A_104 = arith.constant 0 : i32
    %dma_wait3A_105 = tpu.memref_slice %arg3[%add3A, %dma_wait3A, %dma_wait3A_103, %dma_wait3A_104] : memref<32x80x2x128xi32, #tpu.memory_space<hbm>> -> memref<1x1x2x128xi32, #tpu.memory_space<hbm>>
    %dma_wait3A_106 = tpu.memref_squeeze %dma_wait3A_105 : memref<1x1x2x128xi32, #tpu.memory_space<hbm>> -> memref<2x128xi32, #tpu.memory_space<hbm>>
    tpu.wait_dma2 semaphore(%arg12 : memref<!tpu.dma_semaphore, #tpu.memory_space<semaphore_mem>>) src(%dma_wait3A_106 : memref<2x128xi32, #tpu.memory_space<hbm>>) dst(%dma_wait3A_102 : memref<2x128xi32, #tpu.memory_space<vmem>>)
    %dma_start3A_107 = arith.constant 0 : i32
    %dma_start3A_108 = arith.constant 0 : i32
    %dma_start3A_109 = arith.constant 0 : i32
    %dma_start3A_110 = tpu.memref_slice %arg5[%dma_start3A_107, %dma_start3A_108, %dma_start3A_109] : memref<4x2x128xi32, #tpu.memory_space<vmem>> -> memref<1x1x128xi32, #tpu.memory_space<vmem>>
    %dma_start3A_111 = tpu.memref_squeeze %dma_start3A_110 : memref<1x1x128xi32, #tpu.memory_space<vmem>> -> memref<128xi32, #tpu.memory_space<vmem>>
    %dma_start3A_112 = arith.constant 0 : i32
    %dma_start3A_113 = arith.constant 0 : i32
    %dma_start3A_114 = tpu.memref_slice %arg2[%dma_start3A_112, %dma_start3A_113] : memref<10000x128xf32, #tpu.memory_space<hbm>> -> memref<10000x128xf32, #tpu.memory_space<hbm>>
    tpu.enqueue_indirect_dma source(%dma_start3A_114 : memref<10000x128xf32, #tpu.memory_space<hbm>>) target(%arg6 : memref<128x128xf32, #tpu.memory_space<vmem>>) offsets(%dma_start3A_111 : memref<128xi32, #tpu.memory_space<vmem>>) semaphore(%arg8 : memref<!tpu.dma_semaphore, #tpu.memory_space<semaphore_mem>>)
    %dma_wait3A_115 = arith.constant 1 : i32
    %dma_wait3A_116 = arith.constant 1 : i32
    %dma_wait3A_117 = arith.constant 0 : i32
    %dma_wait3A_118 = arith.constant 0 : i32
    %dma_wait3A_119 = tpu.memref_slice %arg5[%dma_wait3A_116, %dma_wait3A_117, %dma_wait3A_118] : memref<4x2x128xi32, #tpu.memory_space<vmem>> -> memref<1x2x128xi32, #tpu.memory_space<vmem>>
    %dma_wait3A_120 = tpu.memref_squeeze %dma_wait3A_119 : memref<1x2x128xi32, #tpu.memory_space<vmem>> -> memref<2x128xi32, #tpu.memory_space<vmem>>
    %dma_wait3A_121 = arith.constant 0 : i32
    %dma_wait3A_122 = arith.constant 0 : i32
    %dma_wait3A_123 = tpu.memref_slice %arg3[%add3A, %dma_wait3A_115, %dma_wait3A_121, %dma_wait3A_122] : memref<32x80x2x128xi32, #tpu.memory_space<hbm>> -> memref<1x1x2x128xi32, #tpu.memory_space<hbm>>
    %dma_wait3A_124 = tpu.memref_squeeze %dma_wait3A_123 : memref<1x1x2x128xi32, #tpu.memory_space<hbm>> -> memref<2x128xi32, #tpu.memory_space<hbm>>
    %dma_wait3A_125 = arith.constant 0 : i32
    %dma_wait3A_126 = arith.constant 0 : i32
    %dma_wait3A_127 = tpu.memref_slice %arg5[%dma_wait3A_116, %dma_wait3A_125, %dma_wait3A_126] : memref<4x2x128xi32, #tpu.memory_space<vmem>> -> memref<1x2x128xi32, #tpu.memory_space<vmem>>
    %dma_wait3A_128 = tpu.memref_squeeze %dma_wait3A_127 : memref<1x2x128xi32, #tpu.memory_space<vmem>> -> memref<2x128xi32, #tpu.memory_space<vmem>>
    %dma_wait3A_129 = arith.constant 0 : i32
    %dma_wait3A_130 = arith.constant 0 : i32
    %dma_wait3A_131 = tpu.memref_slice %arg3[%add3A, %dma_wait3A_115, %dma_wait3A_129, %dma_wait3A_130] : memref<32x80x2x128xi32, #tpu.memory_space<hbm>> -> memref<1x1x2x128xi32, #tpu.memory_space<hbm>>
    %dma_wait3A_132 = tpu.memref_squeeze %dma_wait3A_131 : memref<1x1x2x128xi32, #tpu.memory_space<hbm>> -> memref<2x128xi32, #tpu.memory_space<hbm>>
    tpu.wait_dma2 semaphore(%arg13 : memref<!tpu.dma_semaphore, #tpu.memory_space<semaphore_mem>>) src(%dma_wait3A_132 : memref<2x128xi32, #tpu.memory_space<hbm>>) dst(%dma_wait3A_128 : memref<2x128xi32, #tpu.memory_space<vmem>>)
    %dma_start3A_133 = arith.constant 1 : i32
    %dma_start3A_134 = arith.constant 0 : i32
    %dma_start3A_135 = arith.constant 0 : i32
    %dma_start3A_136 = tpu.memref_slice %arg5[%dma_start3A_133, %dma_start3A_134, %dma_start3A_135] : memref<4x2x128xi32, #tpu.memory_space<vmem>> -> memref<1x1x128xi32, #tpu.memory_space<vmem>>
    %dma_start3A_137 = tpu.memref_squeeze %dma_start3A_136 : memref<1x1x128xi32, #tpu.memory_space<vmem>> -> memref<128xi32, #tpu.memory_space<vmem>>
    %dma_start3A_138 = arith.constant 0 : i32
    %dma_start3A_139 = arith.constant 0 : i32
    %dma_start3A_140 = tpu.memref_slice %arg2[%dma_start3A_138, %dma_start3A_139] : memref<10000x128xf32, #tpu.memory_space<hbm>> -> memref<10000x128xf32, #tpu.memory_space<hbm>>
    tpu.enqueue_indirect_dma source(%dma_start3A_140 : memref<10000x128xf32, #tpu.memory_space<hbm>>) target(%arg7 : memref<128x128xf32, #tpu.memory_space<vmem>>) offsets(%dma_start3A_137 : memref<128xi32, #tpu.memory_space<vmem>>) semaphore(%arg9 : memref<!tpu.dma_semaphore, #tpu.memory_space<semaphore_mem>>)
    %scan3A_141 = arith.constant 0 : i32
    %scan3A_142 = arith.constant 0 : i32
    %scan3A_143 = arith.constant 20 : i32
    %scan3A_144 = arith.addi %scan3A_142, %scan3A_143 : i32
    %scan3A_145 = arith.constant 1 : i32
    %scan3A_146 = scf.for %scan3A_169 = %scan3A_142 to %scan3A_144 step %scan3A_145 iter_args(%scan3A_170 = %scan3A_141) -> (i32)  : i32 {
      %mul3A_171 = arith.constant 4 : i32
      %mul3A_172 = arith.muli %mul3A_171, %scan3A_169 : i32
      %dma_wait3A_173 = arith.constant 0 : i32
      %dma_wait3A_174 = arith.constant 0 : i32
      %dma_wait3A_175 = arith.constant 0 : i32
      %dma_wait3A_176 = tpu.memref_slice %arg5[%dma_wait3A_173, %dma_wait3A_174, %dma_wait3A_175] : memref<4x2x128xi32, #tpu.memory_space<vmem>> -> memref<1x1x128xi32, #tpu.memory_space<vmem>>
      %dma_wait3A_177 = tpu.memref_squeeze %dma_wait3A_176 : memref<1x1x128xi32, #tpu.memory_space<vmem>> -> memref<128xi32, #tpu.memory_space<vmem>>
      %dma_wait3A_178 = arith.constant 0 : i32
      %dma_wait3A_179 = arith.constant 0 : i32
      %dma_wait3A_180 = tpu.memref_slice %arg2[%dma_wait3A_178, %dma_wait3A_179] : memref<10000x128xf32, #tpu.memory_space<hbm>> -> memref<10000x128xf32, #tpu.memory_space<hbm>>
      tpu.wait_indirect_dma semaphore(%arg8 : memref<!tpu.dma_semaphore, #tpu.memory_space<semaphore_mem>>) src(%dma_wait3A_180 : memref<10000x128xf32, #tpu.memory_space<hbm>>) dst(%arg6 : memref<128x128xf32, #tpu.memory_space<vmem>>)
      %dma_start3A_181 = arith.constant 0 : i32
      %dma_start3A_182 = arith.constant 1 : i32
      %dma_start3A_183 = arith.constant 0 : i32
      %dma_start3A_184 = tpu.memref_slice %arg5[%dma_start3A_181, %dma_start3A_182, %dma_start3A_183] : memref<4x2x128xi32, #tpu.memory_space<vmem>> -> memref<1x1x128xi32, #tpu.memory_space<vmem>>
      %dma_start3A_185 = tpu.memref_squeeze %dma_start3A_184 : memref<1x1x128xi32, #tpu.memory_space<vmem>> -> memref<128xi32, #tpu.memory_space<vmem>>
      %dma_start3A_186 = arith.constant 0 : i32
      %dma_start3A_187 = arith.constant 0 : i32
      %dma_start3A_188 = tpu.memref_slice %arg16[%dma_start3A_186, %dma_start3A_187] : memref<10112x128xf32, #tpu.memory_space<vmem_shared>> -> memref<10112x128xf32, #tpu.memory_space<vmem_shared>>
      tpu.enqueue_indirect_dma source(%arg6 : memref<128x128xf32, #tpu.memory_space<vmem>>) target(%dma_start3A_188 : memref<10112x128xf32, #tpu.memory_space<vmem_shared>>) offsets(%dma_start3A_185 : memref<128xi32, #tpu.memory_space<vmem>>) semaphore(%arg10 : memref<!tpu.dma_semaphore, #tpu.memory_space<semaphore_mem>>) {add = true}
      %dma_wait3A_189 = arith.constant 1 : i32
      %dma_wait3A_190 = arith.constant 0 : i32
      %dma_wait3A_191 = arith.constant 0 : i32
      %dma_wait3A_192 = tpu.memref_slice %arg5[%dma_wait3A_189, %dma_wait3A_190, %dma_wait3A_191] : memref<4x2x128xi32, #tpu.memory_space<vmem>> -> memref<1x1x128xi32, #tpu.memory_space<vmem>>
      %dma_wait3A_193 = tpu.memref_squeeze %dma_wait3A_192 : memref<1x1x128xi32, #tpu.memory_space<vmem>> -> memref<128xi32, #tpu.memory_space<vmem>>
      %dma_wait3A_194 = arith.constant 0 : i32
      %dma_wait3A_195 = arith.constant 0 : i32
      %dma_wait3A_196 = tpu.memref_slice %arg2[%dma_wait3A_194, %dma_wait3A_195] : memref<10000x128xf32, #tpu.memory_space<hbm>> -> memref<10000x128xf32, #tpu.memory_space<hbm>>
      tpu.wait_indirect_dma semaphore(%arg9 : memref<!tpu.dma_semaphore, #tpu.memory_space<semaphore_mem>>) src(%dma_wait3A_196 : memref<10000x128xf32, #tpu.memory_space<hbm>>) dst(%arg7 : memref<128x128xf32, #tpu.memory_space<vmem>>)
      %dma_start3A_197 = arith.constant 1 : i32
      %dma_start3A_198 = arith.constant 1 : i32
      %dma_start3A_199 = arith.constant 0 : i32
      %dma_start3A_200 = tpu.memref_slice %arg5[%dma_start3A_197, %dma_start3A_198, %dma_start3A_199] : memref<4x2x128xi32, #tpu.memory_space<vmem>> -> memref<1x1x128xi32, #tpu.memory_space<vmem>>
      %dma_start3A_201 = tpu.memref_squeeze %dma_start3A_200 : memref<1x1x128xi32, #tpu.memory_space<vmem>> -> memref<128xi32, #tpu.memory_space<vmem>>
      %dma_start3A_202 = arith.constant 0 : i32
      %dma_start3A_203 = arith.constant 0 : i32
      %dma_start3A_204 = tpu.memref_slice %arg16[%dma_start3A_202, %dma_start3A_203] : memref<10112x128xf32, #tpu.memory_space<vmem_shared>> -> memref<10112x128xf32, #tpu.memory_space<vmem_shared>>
      tpu.enqueue_indirect_dma source(%arg7 : memref<128x128xf32, #tpu.memory_space<vmem>>) target(%dma_start3A_204 : memref<10112x128xf32, #tpu.memory_space<vmem_shared>>) offsets(%dma_start3A_201 : memref<128xi32, #tpu.memory_space<vmem>>) semaphore(%arg11 : memref<!tpu.dma_semaphore, #tpu.memory_space<semaphore_mem>>) {add = true}
      %add3A_205 = arith.constant 2 : i32
      %add3A_206 = arith.addi %mul3A_172, %add3A_205 : i32
      %lt3A = arith.constant 80 : i32
      %lt3A_207 = arith.cmpi slt, %add3A_206, %lt3A : i32
      %convert_element_type3A = arith.extui %lt3A_207 : i1 to i32
      %cond3A = arith.constant 0 : i32
      %cond3A_208 = arith.cmpi ne, %convert_element_type3A, %cond3A : i32
      scf.if %cond3A_208 {
        %add3A_224 = arith.constant 2 : i32
        %add3A_225 = arith.addi %mul3A_172, %add3A_224 : i32
        %dma_wait3A_226 = arith.constant 2 : i32
        %dma_wait3A_227 = arith.constant 0 : i32
        %dma_wait3A_228 = arith.constant 0 : i32
        %dma_wait3A_229 = tpu.memref_slice %arg5[%dma_wait3A_226, %dma_wait3A_227, %dma_wait3A_228] : memref<4x2x128xi32, #tpu.memory_space<vmem>> -> memref<1x2x128xi32, #tpu.memory_space<vmem>>
        %dma_wait3A_230 = tpu.memref_squeeze %dma_wait3A_229 : memref<1x2x128xi32, #tpu.memory_space<vmem>> -> memref<2x128xi32, #tpu.memory_space<vmem>>
        %dma_wait3A_231 = arith.constant 0 : i32
        %dma_wait3A_232 = arith.constant 0 : i32
        %dma_wait3A_233 = tpu.memref_slice %arg3[%add3A, %add3A_225, %dma_wait3A_231, %dma_wait3A_232] : memref<32x80x2x128xi32, #tpu.memory_space<hbm>> -> memref<1x1x2x128xi32, #tpu.memory_space<hbm>>
        %dma_wait3A_234 = tpu.memref_squeeze %dma_wait3A_233 : memref<1x1x2x128xi32, #tpu.memory_space<hbm>> -> memref<2x128xi32, #tpu.memory_space<hbm>>
        %dma_wait3A_235 = arith.constant 0 : i32
        %dma_wait3A_236 = arith.constant 0 : i32
        %dma_wait3A_237 = tpu.memref_slice %arg5[%dma_wait3A_226, %dma_wait3A_235, %dma_wait3A_236] : memref<4x2x128xi32, #tpu.memory_space<vmem>> -> memref<1x2x128xi32, #tpu.memory_space<vmem>>
        %dma_wait3A_238 = tpu.memref_squeeze %dma_wait3A_237 : memref<1x2x128xi32, #tpu.memory_space<vmem>> -> memref<2x128xi32, #tpu.memory_space<vmem>>
        %dma_wait3A_239 = arith.constant 0 : i32
        %dma_wait3A_240 = arith.constant 0 : i32
        %dma_wait3A_241 = tpu.memref_slice %arg3[%add3A, %add3A_225, %dma_wait3A_239, %dma_wait3A_240] : memref<32x80x2x128xi32, #tpu.memory_space<hbm>> -> memref<1x1x2x128xi32, #tpu.memory_space<hbm>>
        %dma_wait3A_242 = tpu.memref_squeeze %dma_wait3A_241 : memref<1x1x2x128xi32, #tpu.memory_space<hbm>> -> memref<2x128xi32, #tpu.memory_space<hbm>>
        tpu.wait_dma2 semaphore(%arg14 : memref<!tpu.dma_semaphore, #tpu.memory_space<semaphore_mem>>) src(%dma_wait3A_242 : memref<2x128xi32, #tpu.memory_space<hbm>>) dst(%dma_wait3A_238 : memref<2x128xi32, #tpu.memory_space<vmem>>)
        %dma_wait3A_243 = arith.constant 0 : i32
        %dma_wait3A_244 = arith.constant 1 : i32
        %dma_wait3A_245 = arith.constant 0 : i32
        %dma_wait3A_246 = tpu.memref_slice %arg5[%dma_wait3A_243, %dma_wait3A_244, %dma_wait3A_245] : memref<4x2x128xi32, #tpu.memory_space<vmem>> -> memref<1x1x128xi32, #tpu.memory_space<vmem>>
        %dma_wait3A_247 = tpu.memref_squeeze %dma_wait3A_246 : memref<1x1x128xi32, #tpu.memory_space<vmem>> -> memref<128xi32, #tpu.memory_space<vmem>>
        %dma_wait3A_248 = arith.constant 0 : i32
        %dma_wait3A_249 = arith.constant 0 : i32
        %dma_wait3A_250 = tpu.memref_slice %arg16[%dma_wait3A_248, %dma_wait3A_249] : memref<10112x128xf32, #tpu.memory_space<vmem_shared>> -> memref<10112x128xf32, #tpu.memory_space<vmem_shared>>
        tpu.wait_indirect_dma semaphore(%arg10 : memref<!tpu.dma_semaphore, #tpu.memory_space<semaphore_mem>>) src(%arg6 : memref<128x128xf32, #tpu.memory_space<vmem>>) dst(%dma_wait3A_250 : memref<10112x128xf32, #tpu.memory_space<vmem_shared>>)
        %add3A_251 = arith.constant 2 : i32
        %add3A_252 = arith.addi %mul3A_172, %add3A_251 : i32
        %dma_start3A_253 = arith.constant 2 : i32
        %dma_start3A_254 = arith.constant 0 : i32
        %dma_start3A_255 = arith.constant 0 : i32
        %dma_start3A_256 = tpu.memref_slice %arg5[%dma_start3A_253, %dma_start3A_254, %dma_start3A_255] : memref<4x2x128xi32, #tpu.memory_space<vmem>> -> memref<1x1x128xi32, #tpu.memory_space<vmem>>
        %dma_start3A_257 = tpu.memref_squeeze %dma_start3A_256 : memref<1x1x128xi32, #tpu.memory_space<vmem>> -> memref<128xi32, #tpu.memory_space<vmem>>
        %dma_start3A_258 = arith.constant 0 : i32
        %dma_start3A_259 = arith.constant 0 : i32
        %dma_start3A_260 = tpu.memref_slice %arg2[%dma_start3A_258, %dma_start3A_259] : memref<10000x128xf32, #tpu.memory_space<hbm>> -> memref<10000x128xf32, #tpu.memory_space<hbm>>
        tpu.enqueue_indirect_dma source(%dma_start3A_260 : memref<10000x128xf32, #tpu.memory_space<hbm>>) target(%arg6 : memref<128x128xf32, #tpu.memory_space<vmem>>) offsets(%dma_start3A_257 : memref<128xi32, #tpu.memory_space<vmem>>) semaphore(%arg8 : memref<!tpu.dma_semaphore, #tpu.memory_space<semaphore_mem>>)
        %add3A_261 = arith.constant 4 : i32
        %add3A_262 = arith.addi %mul3A_172, %add3A_261 : i32
        %lt3A_263 = arith.constant 80 : i32
        %lt3A_264 = arith.cmpi slt, %add3A_262, %lt3A_263 : i32
        %convert_element_type3A_265 = arith.extui %lt3A_264 : i1 to i32
        %cond3A_266 = arith.constant 0 : i32
        %cond3A_267 = arith.cmpi ne, %convert_element_type3A_265, %cond3A_266 : i32
        scf.if %cond3A_267 {
          %add3A_268 = arith.constant 4 : i32
          %add3A_269 = arith.addi %mul3A_172, %add3A_268 : i32
          %dma_start3A_270 = arith.constant 0 : i32
          %dma_start3A_271 = arith.constant 0 : i32
          %dma_start3A_272 = arith.constant 0 : i32
          %dma_start3A_273 = tpu.memref_slice %arg5[%dma_start3A_270, %dma_start3A_271, %dma_start3A_272] : memref<4x2x128xi32, #tpu.memory_space<vmem>> -> memref<1x2x128xi32, #tpu.memory_space<vmem>>
          %dma_start3A_274 = tpu.memref_squeeze %dma_start3A_273 : memref<1x2x128xi32, #tpu.memory_space<vmem>> -> memref<2x128xi32, #tpu.memory_space<vmem>>
          %dma_start3A_275 = arith.constant 0 : i32
          %dma_start3A_276 = arith.constant 0 : i32
          %dma_start3A_277 = tpu.memref_slice %arg3[%add3A, %add3A_269, %dma_start3A_275, %dma_start3A_276] : memref<32x80x2x128xi32, #tpu.memory_space<hbm>> -> memref<1x1x2x128xi32, #tpu.memory_space<hbm>>
          %dma_start3A_278 = tpu.memref_squeeze %dma_start3A_277 : memref<1x1x2x128xi32, #tpu.memory_space<hbm>> -> memref<2x128xi32, #tpu.memory_space<hbm>>
          %dma_start3A_279 = arith.constant 0 : i32
          %dma_start3A_280 = arith.constant 0 : i32
          %dma_start3A_281 = tpu.memref_slice %arg5[%dma_start3A_270, %dma_start3A_279, %dma_start3A_280] : memref<4x2x128xi32, #tpu.memory_space<vmem>> -> memref<1x2x128xi32, #tpu.memory_space<vmem>>
          %dma_start3A_282 = tpu.memref_squeeze %dma_start3A_281 : memref<1x2x128xi32, #tpu.memory_space<vmem>> -> memref<2x128xi32, #tpu.memory_space<vmem>>
          %dma_start3A_283 = arith.constant 0 : i32
          %dma_start3A_284 = arith.constant 0 : i32
          %dma_start3A_285 = tpu.memref_slice %arg3[%add3A, %add3A_269, %dma_start3A_283, %dma_start3A_284] : memref<32x80x2x128xi32, #tpu.memory_space<hbm>> -> memref<1x1x2x128xi32, #tpu.memory_space<hbm>>
          %dma_start3A_286 = tpu.memref_squeeze %dma_start3A_285 : memref<1x1x2x128xi32, #tpu.memory_space<hbm>> -> memref<2x128xi32, #tpu.memory_space<hbm>>
          tpu.enqueue_dma source(%dma_start3A_286 : memref<2x128xi32, #tpu.memory_space<hbm>>) target(%dma_start3A_282 : memref<2x128xi32, #tpu.memory_space<vmem>>) target_semaphore(%arg12 : memref<!tpu.dma_semaphore, #tpu.memory_space<semaphore_mem>>)
        } else {
        }
      } else {
      }
      %add3A_209 = arith.constant 3 : i32
      %add3A_210 = arith.addi %mul3A_172, %add3A_209 : i32
      %lt3A_211 = arith.constant 80 : i32
      %lt3A_212 = arith.cmpi slt, %add3A_210, %lt3A_211 : i32
      %convert_element_type3A_213 = arith.extui %lt3A_212 : i1 to i32
      %cond3A_214 = arith.constant 0 : i32
      %cond3A_215 = arith.cmpi ne, %convert_element_type3A_213, %cond3A_214 : i32
      scf.if %cond3A_215 {
        %add3A_224 = arith.constant 3 : i32
        %add3A_225 = arith.addi %mul3A_172, %add3A_224 : i32
        %dma_wait3A_226 = arith.constant 3 : i32
        %dma_wait3A_227 = arith.constant 0 : i32
        %dma_wait3A_228 = arith.constant 0 : i32
        %dma_wait3A_229 = tpu.memref_slice %arg5[%dma_wait3A_226, %dma_wait3A_227, %dma_wait3A_228] : memref<4x2x128xi32, #tpu.memory_space<vmem>> -> memref<1x2x128xi32, #tpu.memory_space<vmem>>
        %dma_wait3A_230 = tpu.memref_squeeze %dma_wait3A_229 : memref<1x2x128xi32, #tpu.memory_space<vmem>> -> memref<2x128xi32, #tpu.memory_space<vmem>>
        %dma_wait3A_231 = arith.constant 0 : i32
        %dma_wait3A_232 = arith.constant 0 : i32
        %dma_wait3A_233 = tpu.memref_slice %arg3[%add3A, %add3A_225, %dma_wait3A_231, %dma_wait3A_232] : memref<32x80x2x128xi32, #tpu.memory_space<hbm>> -> memref<1x1x2x128xi32, #tpu.memory_space<hbm>>
        %dma_wait3A_234 = tpu.memref_squeeze %dma_wait3A_233 : memref<1x1x2x128xi32, #tpu.memory_space<hbm>> -> memref<2x128xi32, #tpu.memory_space<hbm>>
        %dma_wait3A_235 = arith.constant 0 : i32
        %dma_wait3A_236 = arith.constant 0 : i32
        %dma_wait3A_237 = tpu.memref_slice %arg5[%dma_wait3A_226, %dma_wait3A_235, %dma_wait3A_236] : memref<4x2x128xi32, #tpu.memory_space<vmem>> -> memref<1x2x128xi32, #tpu.memory_space<vmem>>
        %dma_wait3A_238 = tpu.memref_squeeze %dma_wait3A_237 : memref<1x2x128xi32, #tpu.memory_space<vmem>> -> memref<2x128xi32, #tpu.memory_space<vmem>>
        %dma_wait3A_239 = arith.constant 0 : i32
        %dma_wait3A_240 = arith.constant 0 : i32
        %dma_wait3A_241 = tpu.memref_slice %arg3[%add3A, %add3A_225, %dma_wait3A_239, %dma_wait3A_240] : memref<32x80x2x128xi32, #tpu.memory_space<hbm>> -> memref<1x1x2x128xi32, #tpu.memory_space<hbm>>
        %dma_wait3A_242 = tpu.memref_squeeze %dma_wait3A_241 : memref<1x1x2x128xi32, #tpu.memory_space<hbm>> -> memref<2x128xi32, #tpu.memory_space<hbm>>
        tpu.wait_dma2 semaphore(%arg15 : memref<!tpu.dma_semaphore, #tpu.memory_space<semaphore_mem>>) src(%dma_wait3A_242 : memref<2x128xi32, #tpu.memory_space<hbm>>) dst(%dma_wait3A_238 : memref<2x128xi32, #tpu.memory_space<vmem>>)
        %dma_wait3A_243 = arith.constant 1 : i32
        %dma_wait3A_244 = arith.constant 1 : i32
        %dma_wait3A_245 = arith.constant 0 : i32
        %dma_wait3A_246 = tpu.memref_slice %arg5[%dma_wait3A_243, %dma_wait3A_244, %dma_wait3A_245] : memref<4x2x128xi32, #tpu.memory_space<vmem>> -> memref<1x1x128xi32, #tpu.memory_space<vmem>>
        %dma_wait3A_247 = tpu.memref_squeeze %dma_wait3A_246 : memref<1x1x128xi32, #tpu.memory_space<vmem>> -> memref<128xi32, #tpu.memory_space<vmem>>
        %dma_wait3A_248 = arith.constant 0 : i32
        %dma_wait3A_249 = arith.constant 0 : i32
        %dma_wait3A_250 = tpu.memref_slice %arg16[%dma_wait3A_248, %dma_wait3A_249] : memref<10112x128xf32, #tpu.memory_space<vmem_shared>> -> memref<10112x128xf32, #tpu.memory_space<vmem_shared>>
        tpu.wait_indirect_dma semaphore(%arg11 : memref<!tpu.dma_semaphore, #tpu.memory_space<semaphore_mem>>) src(%arg7 : memref<128x128xf32, #tpu.memory_space<vmem>>) dst(%dma_wait3A_250 : memref<10112x128xf32, #tpu.memory_space<vmem_shared>>)
        %add3A_251 = arith.constant 3 : i32
        %add3A_252 = arith.addi %mul3A_172, %add3A_251 : i32
        %dma_start3A_253 = arith.constant 3 : i32
        %dma_start3A_254 = arith.constant 0 : i32
        %dma_start3A_255 = arith.constant 0 : i32
        %dma_start3A_256 = tpu.memref_slice %arg5[%dma_start3A_253, %dma_start3A_254, %dma_start3A_255] : memref<4x2x128xi32, #tpu.memory_space<vmem>> -> memref<1x1x128xi32, #tpu.memory_space<vmem>>
        %dma_start3A_257 = tpu.memref_squeeze %dma_start3A_256 : memref<1x1x128xi32, #tpu.memory_space<vmem>> -> memref<128xi32, #tpu.memory_space<vmem>>
        %dma_start3A_258 = arith.constant 0 : i32
        %dma_start3A_259 = arith.constant 0 : i32
        %dma_start3A_260 = tpu.memref_slice %arg2[%dma_start3A_258, %dma_start3A_259] : memref<10000x128xf32, #tpu.memory_space<hbm>> -> memref<10000x128xf32, #tpu.memory_space<hbm>>
        tpu.enqueue_indirect_dma source(%dma_start3A_260 : memref<10000x128xf32, #tpu.memory_space<hbm>>) target(%arg7 : memref<128x128xf32, #tpu.memory_space<vmem>>) offsets(%dma_start3A_257 : memref<128xi32, #tpu.memory_space<vmem>>) semaphore(%arg9 : memref<!tpu.dma_semaphore, #tpu.memory_space<semaphore_mem>>)
        %add3A_261 = arith.constant 5 : i32
        %add3A_262 = arith.addi %mul3A_172, %add3A_261 : i32
        %lt3A_263 = arith.constant 80 : i32
        %lt3A_264 = arith.cmpi slt, %add3A_262, %lt3A_263 : i32
        %convert_element_type3A_265 = arith.extui %lt3A_264 : i1 to i32
        %cond3A_266 = arith.constant 0 : i32
        %cond3A_267 = arith.cmpi ne, %convert_element_type3A_265, %cond3A_266 : i32
        scf.if %cond3A_267 {
          %add3A_268 = arith.constant 5 : i32
          %add3A_269 = arith.addi %mul3A_172, %add3A_268 : i32
          %dma_start3A_270 = arith.constant 1 : i32
          %dma_start3A_271 = arith.constant 0 : i32
          %dma_start3A_272 = arith.constant 0 : i32
          %dma_start3A_273 = tpu.memref_slice %arg5[%dma_start3A_270, %dma_start3A_271, %dma_start3A_272] : memref<4x2x128xi32, #tpu.memory_space<vmem>> -> memref<1x2x128xi32, #tpu.memory_space<vmem>>
          %dma_start3A_274 = tpu.memref_squeeze %dma_start3A_273 : memref<1x2x128xi32, #tpu.memory_space<vmem>> -> memref<2x128xi32, #tpu.memory_space<vmem>>
          %dma_start3A_275 = arith.constant 0 : i32
          %dma_start3A_276 = arith.constant 0 : i32
          %dma_start3A_277 = tpu.memref_slice %arg3[%add3A, %add3A_269, %dma_start3A_275, %dma_start3A_276] : memref<32x80x2x128xi32, #tpu.memory_space<hbm>> -> memref<1x1x2x128xi32, #tpu.memory_space<hbm>>
          %dma_start3A_278 = tpu.memref_squeeze %dma_start3A_277 : memref<1x1x2x128xi32, #tpu.memory_space<hbm>> -> memref<2x128xi32, #tpu.memory_space<hbm>>
          %dma_start3A_279 = arith.constant 0 : i32
          %dma_start3A_280 = arith.constant 0 : i32
          %dma_start3A_281 = tpu.memref_slice %arg5[%dma_start3A_270, %dma_start3A_279, %dma_start3A_280] : memref<4x2x128xi32, #tpu.memory_space<vmem>> -> memref<1x2x128xi32, #tpu.memory_space<vmem>>
          %dma_start3A_282 = tpu.memref_squeeze %dma_start3A_281 : memref<1x2x128xi32, #tpu.memory_space<vmem>> -> memref<2x128xi32, #tpu.memory_space<vmem>>
          %dma_start3A_283 = arith.constant 0 : i32
          %dma_start3A_284 = arith.constant 0 : i32
          %dma_start3A_285 = tpu.memref_slice %arg3[%add3A, %add3A_269, %dma_start3A_283, %dma_start3A_284] : memref<32x80x2x128xi32, #tpu.memory_space<hbm>> -> memref<1x1x2x128xi32, #tpu.memory_space<hbm>>
          %dma_start3A_286 = tpu.memref_squeeze %dma_start3A_285 : memref<1x1x2x128xi32, #tpu.memory_space<hbm>> -> memref<2x128xi32, #tpu.memory_space<hbm>>
          tpu.enqueue_dma source(%dma_start3A_286 : memref<2x128xi32, #tpu.memory_space<hbm>>) target(%dma_start3A_282 : memref<2x128xi32, #tpu.memory_space<vmem>>) target_semaphore(%arg13 : memref<!tpu.dma_semaphore, #tpu.memory_space<semaphore_mem>>)
        } else {
        }
      } else {
      }
      %add3A_216 = arith.constant 2 : i32
      %add3A_217 = arith.addi %mul3A_172, %add3A_216 : i32
      %lt3A_218 = arith.constant 80 : i32
      %lt3A_219 = arith.cmpi slt, %add3A_217, %lt3A_218 : i32
      %convert_element_type3A_220 = arith.extui %lt3A_219 : i1 to i32
      %cond3A_221 = arith.constant 0 : i32
      %cond3A_222 = arith.cmpi ne, %convert_element_type3A_220, %cond3A_221 : i32
      scf.if %cond3A_222 {
        %dma_wait3A_224 = arith.constant 2 : i32
        %dma_wait3A_225 = arith.constant 0 : i32
        %dma_wait3A_226 = arith.constant 0 : i32
        %dma_wait3A_227 = tpu.memref_slice %arg5[%dma_wait3A_224, %dma_wait3A_225, %dma_wait3A_226] : memref<4x2x128xi32, #tpu.memory_space<vmem>> -> memref<1x1x128xi32, #tpu.memory_space<vmem>>
        %dma_wait3A_228 = tpu.memref_squeeze %dma_wait3A_227 : memref<1x1x128xi32, #tpu.memory_space<vmem>> -> memref<128xi32, #tpu.memory_space<vmem>>
        %dma_wait3A_229 = arith.constant 0 : i32
        %dma_wait3A_230 = arith.constant 0 : i32
        %dma_wait3A_231 = tpu.memref_slice %arg2[%dma_wait3A_229, %dma_wait3A_230] : memref<10000x128xf32, #tpu.memory_space<hbm>> -> memref<10000x128xf32, #tpu.memory_space<hbm>>
        tpu.wait_indirect_dma semaphore(%arg8 : memref<!tpu.dma_semaphore, #tpu.memory_space<semaphore_mem>>) src(%dma_wait3A_231 : memref<10000x128xf32, #tpu.memory_space<hbm>>) dst(%arg6 : memref<128x128xf32, #tpu.memory_space<vmem>>)
        %dma_start3A_232 = arith.constant 2 : i32
        %dma_start3A_233 = arith.constant 1 : i32
        %dma_start3A_234 = arith.constant 0 : i32
        %dma_start3A_235 = tpu.memref_slice %arg5[%dma_start3A_232, %dma_start3A_233, %dma_start3A_234] : memref<4x2x128xi32, #tpu.memory_space<vmem>> -> memref<1x1x128xi32, #tpu.memory_space<vmem>>
        %dma_start3A_236 = tpu.memref_squeeze %dma_start3A_235 : memref<1x1x128xi32, #tpu.memory_space<vmem>> -> memref<128xi32, #tpu.memory_space<vmem>>
        %dma_start3A_237 = arith.constant 0 : i32
        %dma_start3A_238 = arith.constant 0 : i32
        %dma_start3A_239 = tpu.memref_slice %arg16[%dma_start3A_237, %dma_start3A_238] : memref<10112x128xf32, #tpu.memory_space<vmem_shared>> -> memref<10112x128xf32, #tpu.memory_space<vmem_shared>>
        tpu.enqueue_indirect_dma source(%arg6 : memref<128x128xf32, #tpu.memory_space<vmem>>) target(%dma_start3A_239 : memref<10112x128xf32, #tpu.memory_space<vmem_shared>>) offsets(%dma_start3A_236 : memref<128xi32, #tpu.memory_space<vmem>>) semaphore(%arg10 : memref<!tpu.dma_semaphore, #tpu.memory_space<semaphore_mem>>) {add = true}
        %add3A_240 = arith.constant 3 : i32
        %add3A_241 = arith.addi %mul3A_172, %add3A_240 : i32
        %lt3A_242 = arith.constant 80 : i32
        %lt3A_243 = arith.cmpi slt, %add3A_241, %lt3A_242 : i32
        %convert_element_type3A_244 = arith.extui %lt3A_243 : i1 to i32
        %cond3A_245 = arith.constant 0 : i32
        %cond3A_246 = arith.cmpi ne, %convert_element_type3A_244, %cond3A_245 : i32
        scf.if %cond3A_246 {
          %dma_wait3A_261 = arith.constant 3 : i32
          %dma_wait3A_262 = arith.constant 0 : i32
          %dma_wait3A_263 = arith.constant 0 : i32
          %dma_wait3A_264 = tpu.memref_slice %arg5[%dma_wait3A_261, %dma_wait3A_262, %dma_wait3A_263] : memref<4x2x128xi32, #tpu.memory_space<vmem>> -> memref<1x1x128xi32, #tpu.memory_space<vmem>>
          %dma_wait3A_265 = tpu.memref_squeeze %dma_wait3A_264 : memref<1x1x128xi32, #tpu.memory_space<vmem>> -> memref<128xi32, #tpu.memory_space<vmem>>
          %dma_wait3A_266 = arith.constant 0 : i32
          %dma_wait3A_267 = arith.constant 0 : i32
          %dma_wait3A_268 = tpu.memref_slice %arg2[%dma_wait3A_266, %dma_wait3A_267] : memref<10000x128xf32, #tpu.memory_space<hbm>> -> memref<10000x128xf32, #tpu.memory_space<hbm>>
          tpu.wait_indirect_dma semaphore(%arg9 : memref<!tpu.dma_semaphore, #tpu.memory_space<semaphore_mem>>) src(%dma_wait3A_268 : memref<10000x128xf32, #tpu.memory_space<hbm>>) dst(%arg7 : memref<128x128xf32, #tpu.memory_space<vmem>>)
          %dma_start3A_269 = arith.constant 3 : i32
          %dma_start3A_270 = arith.constant 1 : i32
          %dma_start3A_271 = arith.constant 0 : i32
          %dma_start3A_272 = tpu.memref_slice %arg5[%dma_start3A_269, %dma_start3A_270, %dma_start3A_271] : memref<4x2x128xi32, #tpu.memory_space<vmem>> -> memref<1x1x128xi32, #tpu.memory_space<vmem>>
          %dma_start3A_273 = tpu.memref_squeeze %dma_start3A_272 : memref<1x1x128xi32, #tpu.memory_space<vmem>> -> memref<128xi32, #tpu.memory_space<vmem>>
          %dma_start3A_274 = arith.constant 0 : i32
          %dma_start3A_275 = arith.constant 0 : i32
          %dma_start3A_276 = tpu.memref_slice %arg16[%dma_start3A_274, %dma_start3A_275] : memref<10112x128xf32, #tpu.memory_space<vmem_shared>> -> memref<10112x128xf32, #tpu.memory_space<vmem_shared>>
          tpu.enqueue_indirect_dma source(%arg7 : memref<128x128xf32, #tpu.memory_space<vmem>>) target(%dma_start3A_276 : memref<10112x128xf32, #tpu.memory_space<vmem_shared>>) offsets(%dma_start3A_273 : memref<128xi32, #tpu.memory_space<vmem>>) semaphore(%arg11 : memref<!tpu.dma_semaphore, #tpu.memory_space<semaphore_mem>>) {add = true}
        } else {
        }
        %add3A_247 = arith.constant 4 : i32
        %add3A_248 = arith.addi %mul3A_172, %add3A_247 : i32
        %lt3A_249 = arith.constant 80 : i32
        %lt3A_250 = arith.cmpi slt, %add3A_248, %lt3A_249 : i32
        %convert_element_type3A_251 = arith.extui %lt3A_250 : i1 to i32
        %cond3A_252 = arith.constant 0 : i32
        %cond3A_253 = arith.cmpi ne, %convert_element_type3A_251, %cond3A_252 : i32
        scf.if %cond3A_253 {
          %add3A_261 = arith.constant 4 : i32
          %add3A_262 = arith.addi %mul3A_172, %add3A_261 : i32
          %dma_wait3A_263 = arith.constant 0 : i32
          %dma_wait3A_264 = arith.constant 0 : i32
          %dma_wait3A_265 = arith.constant 0 : i32
          %dma_wait3A_266 = tpu.memref_slice %arg5[%dma_wait3A_263, %dma_wait3A_264, %dma_wait3A_265] : memref<4x2x128xi32, #tpu.memory_space<vmem>> -> memref<1x2x128xi32, #tpu.memory_space<vmem>>
          %dma_wait3A_267 = tpu.memref_squeeze %dma_wait3A_266 : memref<1x2x128xi32, #tpu.memory_space<vmem>> -> memref<2x128xi32, #tpu.memory_space<vmem>>
          %dma_wait3A_268 = arith.constant 0 : i32
          %dma_wait3A_269 = arith.constant 0 : i32
          %dma_wait3A_270 = tpu.memref_slice %arg3[%add3A, %add3A_262, %dma_wait3A_268, %dma_wait3A_269] : memref<32x80x2x128xi32, #tpu.memory_space<hbm>> -> memref<1x1x2x128xi32, #tpu.memory_space<hbm>>
          %dma_wait3A_271 = tpu.memref_squeeze %dma_wait3A_270 : memref<1x1x2x128xi32, #tpu.memory_space<hbm>> -> memref<2x128xi32, #tpu.memory_space<hbm>>
          %dma_wait3A_272 = arith.constant 0 : i32
          %dma_wait3A_273 = arith.constant 0 : i32
          %dma_wait3A_274 = tpu.memref_slice %arg5[%dma_wait3A_263, %dma_wait3A_272, %dma_wait3A_273] : memref<4x2x128xi32, #tpu.memory_space<vmem>> -> memref<1x2x128xi32, #tpu.memory_space<vmem>>
          %dma_wait3A_275 = tpu.memref_squeeze %dma_wait3A_274 : memref<1x2x128xi32, #tpu.memory_space<vmem>> -> memref<2x128xi32, #tpu.memory_space<vmem>>
          %dma_wait3A_276 = arith.constant 0 : i32
          %dma_wait3A_277 = arith.constant 0 : i32
          %dma_wait3A_278 = tpu.memref_slice %arg3[%add3A, %add3A_262, %dma_wait3A_276, %dma_wait3A_277] : memref<32x80x2x128xi32, #tpu.memory_space<hbm>> -> memref<1x1x2x128xi32, #tpu.memory_space<hbm>>
          %dma_wait3A_279 = tpu.memref_squeeze %dma_wait3A_278 : memref<1x1x2x128xi32, #tpu.memory_space<hbm>> -> memref<2x128xi32, #tpu.memory_space<hbm>>
          tpu.wait_dma2 semaphore(%arg12 : memref<!tpu.dma_semaphore, #tpu.memory_space<semaphore_mem>>) src(%dma_wait3A_279 : memref<2x128xi32, #tpu.memory_space<hbm>>) dst(%dma_wait3A_275 : memref<2x128xi32, #tpu.memory_space<vmem>>)
          %dma_wait3A_280 = arith.constant 2 : i32
          %dma_wait3A_281 = arith.constant 1 : i32
          %dma_wait3A_282 = arith.constant 0 : i32
          %dma_wait3A_283 = tpu.memref_slice %arg5[%dma_wait3A_280, %dma_wait3A_281, %dma_wait3A_282] : memref<4x2x128xi32, #tpu.memory_space<vmem>> -> memref<1x1x128xi32, #tpu.memory_space<vmem>>
          %dma_wait3A_284 = tpu.memref_squeeze %dma_wait3A_283 : memref<1x1x128xi32, #tpu.memory_space<vmem>> -> memref<128xi32, #tpu.memory_space<vmem>>
          %dma_wait3A_285 = arith.constant 0 : i32
          %dma_wait3A_286 = arith.constant 0 : i32
          %dma_wait3A_287 = tpu.memref_slice %arg16[%dma_wait3A_285, %dma_wait3A_286] : memref<10112x128xf32, #tpu.memory_space<vmem_shared>> -> memref<10112x128xf32, #tpu.memory_space<vmem_shared>>
          tpu.wait_indirect_dma semaphore(%arg10 : memref<!tpu.dma_semaphore, #tpu.memory_space<semaphore_mem>>) src(%arg6 : memref<128x128xf32, #tpu.memory_space<vmem>>) dst(%dma_wait3A_287 : memref<10112x128xf32, #tpu.memory_space<vmem_shared>>)
          %add3A_288 = arith.constant 4 : i32
          %add3A_289 = arith.addi %mul3A_172, %add3A_288 : i32
          %dma_start3A_290 = arith.constant 0 : i32
          %dma_start3A_291 = arith.constant 0 : i32
          %dma_start3A_292 = arith.constant 0 : i32
          %dma_start3A_293 = tpu.memref_slice %arg5[%dma_start3A_290, %dma_start3A_291, %dma_start3A_292] : memref<4x2x128xi32, #tpu.memory_space<vmem>> -> memref<1x1x128xi32, #tpu.memory_space<vmem>>
          %dma_start3A_294 = tpu.memref_squeeze %dma_start3A_293 : memref<1x1x128xi32, #tpu.memory_space<vmem>> -> memref<128xi32, #tpu.memory_space<vmem>>
          %dma_start3A_295 = arith.constant 0 : i32
          %dma_start3A_296 = arith.constant 0 : i32
          %dma_start3A_297 = tpu.memref_slice %arg2[%dma_start3A_295, %dma_start3A_296] : memref<10000x128xf32, #tpu.memory_space<hbm>> -> memref<10000x128xf32, #tpu.memory_space<hbm>>
          tpu.enqueue_indirect_dma source(%dma_start3A_297 : memref<10000x128xf32, #tpu.memory_space<hbm>>) target(%arg6 : memref<128x128xf32, #tpu.memory_space<vmem>>) offsets(%dma_start3A_294 : memref<128xi32, #tpu.memory_space<vmem>>) semaphore(%arg8 : memref<!tpu.dma_semaphore, #tpu.memory_space<semaphore_mem>>)
          %add3A_298 = arith.constant 6 : i32
          %add3A_299 = arith.addi %mul3A_172, %add3A_298 : i32
          %lt3A_300 = arith.constant 80 : i32
          %lt3A_301 = arith.cmpi slt, %add3A_299, %lt3A_300 : i32
          %convert_element_type3A_302 = arith.extui %lt3A_301 : i1 to i32
          %cond3A_303 = arith.constant 0 : i32
          %cond3A_304 = arith.cmpi ne, %convert_element_type3A_302, %cond3A_303 : i32
          scf.if %cond3A_304 {
            %add3A_305 = arith.constant 6 : i32
            %add3A_306 = arith.addi %mul3A_172, %add3A_305 : i32
            %dma_start3A_307 = arith.constant 2 : i32
            %dma_start3A_308 = arith.constant 0 : i32
            %dma_start3A_309 = arith.constant 0 : i32
            %dma_start3A_310 = tpu.memref_slice %arg5[%dma_start3A_307, %dma_start3A_308, %dma_start3A_309] : memref<4x2x128xi32, #tpu.memory_space<vmem>> -> memref<1x2x128xi32, #tpu.memory_space<vmem>>
            %dma_start3A_311 = tpu.memref_squeeze %dma_start3A_310 : memref<1x2x128xi32, #tpu.memory_space<vmem>> -> memref<2x128xi32, #tpu.memory_space<vmem>>
            %dma_start3A_312 = arith.constant 0 : i32
            %dma_start3A_313 = arith.constant 0 : i32
            %dma_start3A_314 = tpu.memref_slice %arg3[%add3A, %add3A_306, %dma_start3A_312, %dma_start3A_313] : memref<32x80x2x128xi32, #tpu.memory_space<hbm>> -> memref<1x1x2x128xi32, #tpu.memory_space<hbm>>
            %dma_start3A_315 = tpu.memref_squeeze %dma_start3A_314 : memref<1x1x2x128xi32, #tpu.memory_space<hbm>> -> memref<2x128xi32, #tpu.memory_space<hbm>>
            %dma_start3A_316 = arith.constant 0 : i32
            %dma_start3A_317 = arith.constant 0 : i32
            %dma_start3A_318 = tpu.memref_slice %arg5[%dma_start3A_307, %dma_start3A_316, %dma_start3A_317] : memref<4x2x128xi32, #tpu.memory_space<vmem>> -> memref<1x2x128xi32, #tpu.memory_space<vmem>>
            %dma_start3A_319 = tpu.memref_squeeze %dma_start3A_318 : memref<1x2x128xi32, #tpu.memory_space<vmem>> -> memref<2x128xi32, #tpu.memory_space<vmem>>
            %dma_start3A_320 = arith.constant 0 : i32
            %dma_start3A_321 = arith.constant 0 : i32
            %dma_start3A_322 = tpu.memref_slice %arg3[%add3A, %add3A_306, %dma_start3A_320, %dma_start3A_321] : memref<32x80x2x128xi32, #tpu.memory_space<hbm>> -> memref<1x1x2x128xi32, #tpu.memory_space<hbm>>
            %dma_start3A_323 = tpu.memref_squeeze %dma_start3A_322 : memref<1x1x2x128xi32, #tpu.memory_space<hbm>> -> memref<2x128xi32, #tpu.memory_space<hbm>>
            tpu.enqueue_dma source(%dma_start3A_323 : memref<2x128xi32, #tpu.memory_space<hbm>>) target(%dma_start3A_319 : memref<2x128xi32, #tpu.memory_space<vmem>>) target_semaphore(%arg14 : memref<!tpu.dma_semaphore, #tpu.memory_space<semaphore_mem>>)
          } else {
          }
        } else {
        }
        %add3A_254 = arith.constant 5 : i32
        %add3A_255 = arith.addi %mul3A_172, %add3A_254 : i32
        %lt3A_256 = arith.constant 80 : i32
        %lt3A_257 = arith.cmpi slt, %add3A_255, %lt3A_256 : i32
        %convert_element_type3A_258 = arith.extui %lt3A_257 : i1 to i32
        %cond3A_259 = arith.constant 0 : i32
        %cond3A_260 = arith.cmpi ne, %convert_element_type3A_258, %cond3A_259 : i32
        scf.if %cond3A_260 {
          %add3A_261 = arith.constant 5 : i32
          %add3A_262 = arith.addi %mul3A_172, %add3A_261 : i32
          %dma_wait3A_263 = arith.constant 1 : i32
          %dma_wait3A_264 = arith.constant 0 : i32
          %dma_wait3A_265 = arith.constant 0 : i32
          %dma_wait3A_266 = tpu.memref_slice %arg5[%dma_wait3A_263, %dma_wait3A_264, %dma_wait3A_265] : memref<4x2x128xi32, #tpu.memory_space<vmem>> -> memref<1x2x128xi32, #tpu.memory_space<vmem>>
          %dma_wait3A_267 = tpu.memref_squeeze %dma_wait3A_266 : memref<1x2x128xi32, #tpu.memory_space<vmem>> -> memref<2x128xi32, #tpu.memory_space<vmem>>
          %dma_wait3A_268 = arith.constant 0 : i32
          %dma_wait3A_269 = arith.constant 0 : i32
          %dma_wait3A_270 = tpu.memref_slice %arg3[%add3A, %add3A_262, %dma_wait3A_268, %dma_wait3A_269] : memref<32x80x2x128xi32, #tpu.memory_space<hbm>> -> memref<1x1x2x128xi32, #tpu.memory_space<hbm>>
          %dma_wait3A_271 = tpu.memref_squeeze %dma_wait3A_270 : memref<1x1x2x128xi32, #tpu.memory_space<hbm>> -> memref<2x128xi32, #tpu.memory_space<hbm>>
          %dma_wait3A_272 = arith.constant 0 : i32
          %dma_wait3A_273 = arith.constant 0 : i32
          %dma_wait3A_274 = tpu.memref_slice %arg5[%dma_wait3A_263, %dma_wait3A_272, %dma_wait3A_273] : memref<4x2x128xi32, #tpu.memory_space<vmem>> -> memref<1x2x128xi32, #tpu.memory_space<vmem>>
          %dma_wait3A_275 = tpu.memref_squeeze %dma_wait3A_274 : memref<1x2x128xi32, #tpu.memory_space<vmem>> -> memref<2x128xi32, #tpu.memory_space<vmem>>
          %dma_wait3A_276 = arith.constant 0 : i32
          %dma_wait3A_277 = arith.constant 0 : i32
          %dma_wait3A_278 = tpu.memref_slice %arg3[%add3A, %add3A_262, %dma_wait3A_276, %dma_wait3A_277] : memref<32x80x2x128xi32, #tpu.memory_space<hbm>> -> memref<1x1x2x128xi32, #tpu.memory_space<hbm>>
          %dma_wait3A_279 = tpu.memref_squeeze %dma_wait3A_278 : memref<1x1x2x128xi32, #tpu.memory_space<hbm>> -> memref<2x128xi32, #tpu.memory_space<hbm>>
          tpu.wait_dma2 semaphore(%arg13 : memref<!tpu.dma_semaphore, #tpu.memory_space<semaphore_mem>>) src(%dma_wait3A_279 : memref<2x128xi32, #tpu.memory_space<hbm>>) dst(%dma_wait3A_275 : memref<2x128xi32, #tpu.memory_space<vmem>>)
          %dma_wait3A_280 = arith.constant 3 : i32
          %dma_wait3A_281 = arith.constant 1 : i32
          %dma_wait3A_282 = arith.constant 0 : i32
          %dma_wait3A_283 = tpu.memref_slice %arg5[%dma_wait3A_280, %dma_wait3A_281, %dma_wait3A_282] : memref<4x2x128xi32, #tpu.memory_space<vmem>> -> memref<1x1x128xi32, #tpu.memory_space<vmem>>
          %dma_wait3A_284 = tpu.memref_squeeze %dma_wait3A_283 : memref<1x1x128xi32, #tpu.memory_space<vmem>> -> memref<128xi32, #tpu.memory_space<vmem>>
          %dma_wait3A_285 = arith.constant 0 : i32
          %dma_wait3A_286 = arith.constant 0 : i32
          %dma_wait3A_287 = tpu.memref_slice %arg16[%dma_wait3A_285, %dma_wait3A_286] : memref<10112x128xf32, #tpu.memory_space<vmem_shared>> -> memref<10112x128xf32, #tpu.memory_space<vmem_shared>>
          tpu.wait_indirect_dma semaphore(%arg11 : memref<!tpu.dma_semaphore, #tpu.memory_space<semaphore_mem>>) src(%arg7 : memref<128x128xf32, #tpu.memory_space<vmem>>) dst(%dma_wait3A_287 : memref<10112x128xf32, #tpu.memory_space<vmem_shared>>)
          %add3A_288 = arith.constant 5 : i32
          %add3A_289 = arith.addi %mul3A_172, %add3A_288 : i32
          %dma_start3A_290 = arith.constant 1 : i32
          %dma_start3A_291 = arith.constant 0 : i32
          %dma_start3A_292 = arith.constant 0 : i32
          %dma_start3A_293 = tpu.memref_slice %arg5[%dma_start3A_290, %dma_start3A_291, %dma_start3A_292] : memref<4x2x128xi32, #tpu.memory_space<vmem>> -> memref<1x1x128xi32, #tpu.memory_space<vmem>>
          %dma_start3A_294 = tpu.memref_squeeze %dma_start3A_293 : memref<1x1x128xi32, #tpu.memory_space<vmem>> -> memref<128xi32, #tpu.memory_space<vmem>>
          %dma_start3A_295 = arith.constant 0 : i32
          %dma_start3A_296 = arith.constant 0 : i32
          %dma_start3A_297 = tpu.memref_slice %arg2[%dma_start3A_295, %dma_start3A_296] : memref<10000x128xf32, #tpu.memory_space<hbm>> -> memref<10000x128xf32, #tpu.memory_space<hbm>>
          tpu.enqueue_indirect_dma source(%dma_start3A_297 : memref<10000x128xf32, #tpu.memory_space<hbm>>) target(%arg7 : memref<128x128xf32, #tpu.memory_space<vmem>>) offsets(%dma_start3A_294 : memref<128xi32, #tpu.memory_space<vmem>>) semaphore(%arg9 : memref<!tpu.dma_semaphore, #tpu.memory_space<semaphore_mem>>)
          %add3A_298 = arith.constant 7 : i32
          %add3A_299 = arith.addi %mul3A_172, %add3A_298 : i32
          %lt3A_300 = arith.constant 80 : i32
          %lt3A_301 = arith.cmpi slt, %add3A_299, %lt3A_300 : i32
          %convert_element_type3A_302 = arith.extui %lt3A_301 : i1 to i32
          %cond3A_303 = arith.constant 0 : i32
          %cond3A_304 = arith.cmpi ne, %convert_element_type3A_302, %cond3A_303 : i32
          scf.if %cond3A_304 {
            %add3A_305 = arith.constant 7 : i32
            %add3A_306 = arith.addi %mul3A_172, %add3A_305 : i32
            %dma_start3A_307 = arith.constant 3 : i32
            %dma_start3A_308 = arith.constant 0 : i32
            %dma_start3A_309 = arith.constant 0 : i32
            %dma_start3A_310 = tpu.memref_slice %arg5[%dma_start3A_307, %dma_start3A_308, %dma_start3A_309] : memref<4x2x128xi32, #tpu.memory_space<vmem>> -> memref<1x2x128xi32, #tpu.memory_space<vmem>>
            %dma_start3A_311 = tpu.memref_squeeze %dma_start3A_310 : memref<1x2x128xi32, #tpu.memory_space<vmem>> -> memref<2x128xi32, #tpu.memory_space<vmem>>
            %dma_start3A_312 = arith.constant 0 : i32
            %dma_start3A_313 = arith.constant 0 : i32
            %dma_start3A_314 = tpu.memref_slice %arg3[%add3A, %add3A_306, %dma_start3A_312, %dma_start3A_313] : memref<32x80x2x128xi32, #tpu.memory_space<hbm>> -> memref<1x1x2x128xi32, #tpu.memory_space<hbm>>
            %dma_start3A_315 = tpu.memref_squeeze %dma_start3A_314 : memref<1x1x2x128xi32, #tpu.memory_space<hbm>> -> memref<2x128xi32, #tpu.memory_space<hbm>>
            %dma_start3A_316 = arith.constant 0 : i32
            %dma_start3A_317 = arith.constant 0 : i32
            %dma_start3A_318 = tpu.memref_slice %arg5[%dma_start3A_307, %dma_start3A_316, %dma_start3A_317] : memref<4x2x128xi32, #tpu.memory_space<vmem>> -> memref<1x2x128xi32, #tpu.memory_space<vmem>>
            %dma_start3A_319 = tpu.memref_squeeze %dma_start3A_318 : memref<1x2x128xi32, #tpu.memory_space<vmem>> -> memref<2x128xi32, #tpu.memory_space<vmem>>
            %dma_start3A_320 = arith.constant 0 : i32
            %dma_start3A_321 = arith.constant 0 : i32
            %dma_start3A_322 = tpu.memref_slice %arg3[%add3A, %add3A_306, %dma_start3A_320, %dma_start3A_321] : memref<32x80x2x128xi32, #tpu.memory_space<hbm>> -> memref<1x1x2x128xi32, #tpu.memory_space<hbm>>
            %dma_start3A_323 = tpu.memref_squeeze %dma_start3A_322 : memref<1x1x2x128xi32, #tpu.memory_space<hbm>> -> memref<2x128xi32, #tpu.memory_space<hbm>>
            tpu.enqueue_dma source(%dma_start3A_323 : memref<2x128xi32, #tpu.memory_space<hbm>>) target(%dma_start3A_319 : memref<2x128xi32, #tpu.memory_space<vmem>>) target_semaphore(%arg15 : memref<!tpu.dma_semaphore, #tpu.memory_space<semaphore_mem>>)
          } else {
          }
        } else {
        }
      } else {
      }
      %scan3A_223 = arith.constant 0 : i32
      scf.yield %scan3A_223 : i32
    }
    %scan3A_147 = arith.constant 20 : i32
    %dma_wait3A_148 = arith.constant 2 : i32
    %dma_wait3A_149 = arith.constant 1 : i32
    %dma_wait3A_150 = arith.constant 0 : i32
    %dma_wait3A_151 = tpu.memref_slice %arg5[%dma_wait3A_148, %dma_wait3A_149, %dma_wait3A_150] : memref<4x2x128xi32, #tpu.memory_space<vmem>> -> memref<1x1x128xi32, #tpu.memory_space<vmem>>
    %dma_wait3A_152 = tpu.memref_squeeze %dma_wait3A_151 : memref<1x1x128xi32, #tpu.memory_space<vmem>> -> memref<128xi32, #tpu.memory_space<vmem>>
    %dma_wait3A_153 = arith.constant 0 : i32
    %dma_wait3A_154 = arith.constant 0 : i32
    %dma_wait3A_155 = tpu.memref_slice %arg16[%dma_wait3A_153, %dma_wait3A_154] : memref<10112x128xf32, #tpu.memory_space<vmem_shared>> -> memref<10112x128xf32, #tpu.memory_space<vmem_shared>>
    tpu.wait_indirect_dma semaphore(%arg10 : memref<!tpu.dma_semaphore, #tpu.memory_space<semaphore_mem>>) src(%arg6 : memref<128x128xf32, #tpu.memory_space<vmem>>) dst(%dma_wait3A_155 : memref<10112x128xf32, #tpu.memory_space<vmem_shared>>)
    %dma_wait3A_156 = arith.constant 3 : i32
    %dma_wait3A_157 = arith.constant 1 : i32
    %dma_wait3A_158 = arith.constant 0 : i32
    %dma_wait3A_159 = tpu.memref_slice %arg5[%dma_wait3A_156, %dma_wait3A_157, %dma_wait3A_158] : memref<4x2x128xi32, #tpu.memory_space<vmem>> -> memref<1x1x128xi32, #tpu.memory_space<vmem>>
    %dma_wait3A_160 = tpu.memref_squeeze %dma_wait3A_159 : memref<1x1x128xi32, #tpu.memory_space<vmem>> -> memref<128xi32, #tpu.memory_space<vmem>>
    %dma_wait3A_161 = arith.constant 0 : i32
    %dma_wait3A_162 = arith.constant 0 : i32
    %dma_wait3A_163 = tpu.memref_slice %arg16[%dma_wait3A_161, %dma_wait3A_162] : memref<10112x128xf32, #tpu.memory_space<vmem_shared>> -> memref<10112x128xf32, #tpu.memory_space<vmem_shared>>
    tpu.wait_indirect_dma semaphore(%arg11 : memref<!tpu.dma_semaphore, #tpu.memory_space<semaphore_mem>>) src(%arg7 : memref<128x128xf32, #tpu.memory_space<vmem>>) dst(%dma_wait3A_163 : memref<10112x128xf32, #tpu.memory_space<vmem_shared>>)
    %barrier3A_164 = arith.constant 0 : index
    tpu.barrier barrier_id(%barrier3A_164)
    %mul3A_165 = arith.constant 632 : i32
    %mul3A_166 = arith.muli %arg1, %mul3A_165 : i32
    %mul3A_167 = arith.constant 632 : i32
    %mul3A_168 = arith.muli %arg1, %mul3A_167 : i32
    "tpu.region"() ({
      %run_scoped3A = tpu.sem_alloc : memref<!tpu.dma_semaphore, #tpu.memory_space<semaphore_mem>>
      %dma_start3A_169 = arith.constant 0 : i32
      %dma_start3A_170 = tpu.memref_slice %arg4[%arg0, %mul3A_168, %dma_start3A_169] : memref<2x10112x128xf32, #tpu.memory_space<hbm>> -> memref<1x632x128xf32, #tpu.memory_space<hbm>>
      %dma_start3A_171 = tpu.memref_squeeze %dma_start3A_170 : memref<1x632x128xf32, #tpu.memory_space<hbm>> -> memref<632x128xf32, #tpu.memory_space<hbm>>
      %dma_start3A_172 = arith.constant 0 : i32
      %dma_start3A_173 = tpu.memref_slice %arg16[%mul3A_166, %dma_start3A_172] : memref<10112x128xf32, #tpu.memory_space<vmem_shared>> -> memref<632x128xf32, #tpu.memory_space<vmem_shared>>
      tpu.enqueue_dma source(%dma_start3A_173 : memref<632x128xf32, #tpu.memory_space<vmem_shared>>) target(%dma_start3A_171 : memref<632x128xf32, #tpu.memory_space<hbm>>) target_semaphore(%run_scoped3A : memref<!tpu.dma_semaphore, #tpu.memory_space<semaphore_mem>>)
      %dma_wait3A_174 = arith.constant 0 : i32
      %dma_wait3A_175 = tpu.memref_slice %arg4[%arg0, %mul3A_168, %dma_wait3A_174] : memref<2x10112x128xf32, #tpu.memory_space<hbm>> -> memref<1x632x128xf32, #tpu.memory_space<hbm>>
      %dma_wait3A_176 = tpu.memref_squeeze %dma_wait3A_175 : memref<1x632x128xf32, #tpu.memory_space<hbm>> -> memref<632x128xf32, #tpu.memory_space<hbm>>
      %dma_wait3A_177 = arith.constant 0 : i32
      %dma_wait3A_178 = tpu.memref_slice %arg16[%mul3A_166, %dma_wait3A_177] : memref<10112x128xf32, #tpu.memory_space<vmem_shared>> -> memref<632x128xf32, #tpu.memory_space<vmem_shared>>
      tpu.wait_dma2 semaphore(%run_scoped3A : memref<!tpu.dma_semaphore, #tpu.memory_space<semaphore_mem>>) src(%dma_wait3A_178 : memref<632x128xf32, #tpu.memory_space<vmem_shared>>) dst(%dma_wait3A_176 : memref<632x128xf32, #tpu.memory_space<hbm>>)
      tpu.yield
    }) : () -> ()
    return
  }
}

module attributes {stable_mosaic.version = 14 : i64} {
  func.func @_invs_body(%arg0: memref<32x10000xf32, #tpu.memory_space<vmem>>, %arg1: memref<1x10000xf32, #tpu.memory_space<vmem>>) attributes {dimension_semantics = [], scalar_prefetch = 0 : i64, scratch_operands = 0 : i64, tpu.core_type = #tpu.core_type<tc>} {
    %get3A = arith.constant 0 : index
    %get3A_0 = arith.constant 0 : index
    %get3A_1 = vector.load %arg0[%get3A, %get3A_0] : memref<32x10000xf32, #tpu.memory_space<vmem>>, vector<32x10000xf32>
    %reduce_sum3A = arith.constant dense<0.000000e+00> : vector<10000xf32>
    %reduce_sum3A_2 = vector.multi_reduction <add>, %get3A_1, %reduce_sum3A [0] : vector<32x10000xf32> to vector<10000xf32>
    %add3A = arith.constant 1.000000e+00 : f32
    %add3A_3 = vector.broadcast %add3A : f32 to vector<10000xf32>
    %add3A_4 = arith.addf %reduce_sum3A_2, %add3A_3 : vector<10000xf32>
    %rsqrt3A = math.rsqrt %add3A_4 : vector<10000xf32>
    %broadcast_in_dim3A = vector.shape_cast %rsqrt3A : vector<10000xf32> to vector<1x10000xf32>
    %swap3A = arith.constant 0 : index
    %swap3A_5 = arith.constant 0 : index
    %swap3A_6 = vector.load %arg1[%swap3A, %swap3A_5] : memref<1x10000xf32, #tpu.memory_space<vmem>>, vector<1x10000xf32>
    tpu.vector_store %arg1[%swap3A, %swap3A_5], %broadcast_in_dim3A {strides = array<i32>} : memref<1x10000xf32, #tpu.memory_space<vmem>>, vector<1x10000xf32>,
    return
  }
}

module attributes {stable_mosaic.version = 14 : i64} {
  func.func @_mm1_body(%arg0: i32, %arg1: memref<1000x128xf32, #tpu.memory_space<vmem>>, %arg2: memref<128x128xf32, #tpu.memory_space<vmem>>, %arg3: memref<1000x1xf32, #tpu.memory_space<vmem>>, %arg4: memref<1000x128xf32, #tpu.memory_space<vmem>>, %arg5: memref<1000x128xf32, #tpu.memory_space<vmem>>) attributes {dimension_semantics = [#tpu.dimension_semantics<arbitrary>], iteration_bounds = array<i64: 10>, scalar_prefetch = 0 : i64, scratch_operands = 0 : i64, tpu.core_type = #tpu.core_type<tc>, window_params = [{transform_indices = @transform_0, window_bounds = array<i64: 1000, 128>}, {pipeline_mode = #tpu.pipeline_mode<synchronous>, transform_indices = @transform_1, window_bounds = array<i64: 128, 128>}, {transform_indices = @transform_2, window_bounds = array<i64: 1000, 1>}, {transform_indices = @transform_3, window_bounds = array<i64: 1000, 128>}, {transform_indices = @transform_4, window_bounds = array<i64: 1000, 128>}]} {
    %get3A = arith.constant 0 : index
    %get3A_0 = arith.constant 0 : index
    %get3A_1 = vector.load %arg1[%get3A, %get3A_0] : memref<1000x128xf32, #tpu.memory_space<vmem>>, vector<1000x128xf32>
    %get3A_2 = arith.constant 0 : index
    %get3A_3 = arith.constant 0 : index
    %get3A_4 = vector.load %arg2[%get3A_2, %get3A_3] : memref<128x128xf32, #tpu.memory_space<vmem>>, vector<128x128xf32>
    %dot_general3A = arith.constant dense<0.000000e+00> : vector<1000x128xf32>
    %dot_general3A_5 = tpu.matmul %get3A_1, %get3A_4, %dot_general3A {dimension_numbers = #tpu.dot_dimension_numbers<[1], [0], [0], [1], [0, 0, 1, 1], [], []>, transpose_lhs_hint = false} : vector<1000x128xf32>, vector<128x128xf32>, vector<1000x128xf32> -> vector<1000x128xf32>
    %swap3A = arith.constant 0 : index
    %swap3A_6 = arith.constant 0 : index
    %swap3A_7 = vector.load %arg4[%swap3A, %swap3A_6] : memref<1000x128xf32, #tpu.memory_space<vmem>>, vector<1000x128xf32>
    tpu.vector_store %arg4[%swap3A, %swap3A_6], %dot_general3A_5 {strides = array<i32>} : memref<1000x128xf32, #tpu.memory_space<vmem>>, vector<1000x128xf32>,
    %get3A_8 = arith.constant 0 : index
    %get3A_9 = arith.constant 0 : index
    %get3A_10 = vector.load %arg3[%get3A_8, %get3A_9] : memref<1000x1xf32, #tpu.memory_space<vmem>>, vector<1000x1xf32>
    %mul3A = vector.broadcast %get3A_10 : vector<1000x1xf32> to vector<1000x128xf32>
    %mul3A_11 = arith.mulf %dot_general3A_5, %mul3A : vector<1000x128xf32>
    %swap3A_12 = arith.constant 0 : index
    %swap3A_13 = arith.constant 0 : index
    %swap3A_14 = vector.load %arg5[%swap3A_12, %swap3A_13] : memref<1000x128xf32, #tpu.memory_space<vmem>>, vector<1000x128xf32>
    tpu.vector_store %arg5[%swap3A_12, %swap3A_13], %mul3A_11 {strides = array<i32>} : memref<1000x128xf32, #tpu.memory_space<vmem>>, vector<1000x128xf32>,
    return
  }
  func.func @transform_0(%arg0: i32) -> (i32, i32) {
    %c0_i32 = arith.constant 0 : i32
    %c0_i32_0 = arith.constant 0 : i32
    return %arg0, %c0_i32 : i32, i32
  }
  func.func @transform_1(%arg0: i32) -> (i32, i32) {
    %c0_i32 = arith.constant 0 : i32
    %c0_i32_0 = arith.constant 0 : i32
    %c0_i32_1 = arith.constant 0 : i32
    return %c0_i32, %c0_i32_0 : i32, i32
  }
  func.func @transform_2(%arg0: i32) -> (i32, i32) {
    %c0_i32 = arith.constant 0 : i32
    %c0_i32_0 = arith.constant 0 : i32
    return %arg0, %c0_i32 : i32, i32
  }
  func.func @transform_3(%arg0: i32) -> (i32, i32) {
    %c0_i32 = arith.constant 0 : i32
    %c0_i32_0 = arith.constant 0 : i32
    return %arg0, %c0_i32 : i32, i32
  }
  func.func @transform_4(%arg0: i32) -> (i32, i32) {
    %c0_i32 = arith.constant 0 : i32
    %c0_i32_0 = arith.constant 0 : i32
    return %arg0, %c0_i32 : i32, i32
  }
}

module attributes {stable_mosaic.version = 14 : i64} {
  func.func @_mid_body(%arg0: i32, %arg1: memref<1000x128xf32, #tpu.memory_space<vmem>>, %arg2: memref<1000x128xf32, #tpu.memory_space<vmem>>, %arg3: memref<1000x128xf32, #tpu.memory_space<vmem>>, %arg4: memref<1000x1xf32, #tpu.memory_space<vmem>>, %arg5: memref<1x128xf32, #tpu.memory_space<vmem>>, %arg6: memref<128x128xf32, #tpu.memory_space<vmem>>, %arg7: memref<1000x128xf32, #tpu.memory_space<vmem>>, %arg8: memref<1000x128xf32, #tpu.memory_space<vmem>>) attributes {dimension_semantics = [#tpu.dimension_semantics<arbitrary>], iteration_bounds = array<i64: 10>, scalar_prefetch = 0 : i64, scratch_operands = 0 : i64, tpu.core_type = #tpu.core_type<tc>, window_params = [{transform_indices = @transform_0, window_bounds = array<i64: 1000, 128>}, {transform_indices = @transform_1, window_bounds = array<i64: 1000, 128>}, {transform_indices = @transform_2, window_bounds = array<i64: 1000, 128>}, {transform_indices = @transform_3, window_bounds = array<i64: 1000, 1>}, {pipeline_mode = #tpu.pipeline_mode<synchronous>, transform_indices = @transform_4, window_bounds = array<i64: 1, 128>}, {pipeline_mode = #tpu.pipeline_mode<synchronous>, transform_indices = @transform_5, window_bounds = array<i64: 128, 128>}, {transform_indices = @transform_6, window_bounds = array<i64: 1000, 128>}, {transform_indices = @transform_7, window_bounds = array<i64: 1000, 128>}]} {
    %get3A = arith.constant 0 : index
    %get3A_0 = arith.constant 0 : index
    %get3A_1 = vector.load %arg4[%get3A, %get3A_0] : memref<1000x1xf32, #tpu.memory_space<vmem>>, vector<1000x1xf32>
    %get3A_2 = arith.constant 0 : index
    %get3A_3 = arith.constant 0 : index
    %get3A_4 = vector.load %arg1[%get3A_2, %get3A_3] : memref<1000x128xf32, #tpu.memory_space<vmem>>, vector<1000x128xf32>
    %get3A_5 = arith.constant 0 : index
    %get3A_6 = arith.constant 0 : index
    %get3A_7 = vector.load %arg2[%get3A_5, %get3A_6] : memref<1000x128xf32, #tpu.memory_space<vmem>>, vector<1000x128xf32>
    %add3A = arith.addf %get3A_4, %get3A_7 : vector<1000x128xf32>
    %mul3A = vector.broadcast %get3A_1 : vector<1000x1xf32> to vector<1000x128xf32>
    %mul3A_8 = arith.mulf %mul3A, %add3A : vector<1000x128xf32>
    %mul3A_9 = arith.mulf %get3A_1, %get3A_1 : vector<1000x1xf32>
    %get3A_10 = arith.constant 0 : index
    %get3A_11 = arith.constant 0 : index
    %get3A_12 = vector.load %arg3[%get3A_10, %get3A_11] : memref<1000x128xf32, #tpu.memory_space<vmem>>, vector<1000x128xf32>
    %mul3A_13 = vector.broadcast %mul3A_9 : vector<1000x1xf32> to vector<1000x128xf32>
    %mul3A_14 = arith.mulf %mul3A_13, %get3A_12 : vector<1000x128xf32>
    %add3A_15 = arith.addf %mul3A_8, %mul3A_14 : vector<1000x128xf32>
    %get3A_16 = arith.constant 0 : index
    %get3A_17 = arith.constant 0 : index
    %get3A_18 = vector.load %arg5[%get3A_16, %get3A_17] : memref<1x128xf32, #tpu.memory_space<vmem>>, vector<1x128xf32>
    %add3A_19 = vector.broadcast %get3A_18 : vector<1x128xf32> to vector<1000x128xf32>
    %add3A_20 = arith.addf %add3A_15, %add3A_19 : vector<1000x128xf32>
    %get3A_21 = arith.constant 0 : index
    %get3A_22 = arith.constant 0 : index
    %get3A_23 = vector.load %arg6[%get3A_21, %get3A_22] : memref<128x128xf32, #tpu.memory_space<vmem>>, vector<128x128xf32>
    %dot_general3A = arith.constant dense<0.000000e+00> : vector<1000x128xf32>
    %dot_general3A_24 = tpu.matmul %add3A_20, %get3A_23, %dot_general3A {dimension_numbers = #tpu.dot_dimension_numbers<[1], [0], [0], [1], [0, 0, 1, 1], [], []>, transpose_lhs_hint = false} : vector<1000x128xf32>, vector<128x128xf32>, vector<1000x128xf32> -> vector<1000x128xf32>
    %swap3A = arith.constant 0 : index
    %swap3A_25 = arith.constant 0 : index
    %swap3A_26 = vector.load %arg7[%swap3A, %swap3A_25] : memref<1000x128xf32, #tpu.memory_space<vmem>>, vector<1000x128xf32>
    tpu.vector_store %arg7[%swap3A, %swap3A_25], %dot_general3A_24 {strides = array<i32>} : memref<1000x128xf32, #tpu.memory_space<vmem>>, vector<1000x128xf32>,
    %mul3A_27 = vector.broadcast %get3A_1 : vector<1000x1xf32> to vector<1000x128xf32>
    %mul3A_28 = arith.mulf %dot_general3A_24, %mul3A_27 : vector<1000x128xf32>
    %swap3A_29 = arith.constant 0 : index
    %swap3A_30 = arith.constant 0 : index
    %swap3A_31 = vector.load %arg8[%swap3A_29, %swap3A_30] : memref<1000x128xf32, #tpu.memory_space<vmem>>, vector<1000x128xf32>
    tpu.vector_store %arg8[%swap3A_29, %swap3A_30], %mul3A_28 {strides = array<i32>} : memref<1000x128xf32, #tpu.memory_space<vmem>>, vector<1000x128xf32>,
    return
  }
  func.func @transform_0(%arg0: i32) -> (i32, i32) {
    %c0_i32 = arith.constant 0 : i32
    %c0_i32_0 = arith.constant 0 : i32
    return %arg0, %c0_i32 : i32, i32
  }
  func.func @transform_1(%arg0: i32) -> (i32, i32) {
    %c0_i32 = arith.constant 0 : i32
    %c0_i32_0 = arith.constant 0 : i32
    return %arg0, %c0_i32 : i32, i32
  }
  func.func @transform_2(%arg0: i32) -> (i32, i32) {
    %c0_i32 = arith.constant 0 : i32
    %c0_i32_0 = arith.constant 0 : i32
    return %arg0, %c0_i32 : i32, i32
  }
  func.func @transform_3(%arg0: i32) -> (i32, i32) {
    %c0_i32 = arith.constant 0 : i32
    %c0_i32_0 = arith.constant 0 : i32
    return %arg0, %c0_i32 : i32, i32
  }
  func.func @transform_4(%arg0: i32) -> (i32, i32) {
    %c0_i32 = arith.constant 0 : i32
    %c0_i32_0 = arith.constant 0 : i32
    %c0_i32_1 = arith.constant 0 : i32
    return %c0_i32, %c0_i32_0 : i32, i32
  }
  func.func @transform_5(%arg0: i32) -> (i32, i32) {
    %c0_i32 = arith.constant 0 : i32
    %c0_i32_0 = arith.constant 0 : i32
    %c0_i32_1 = arith.constant 0 : i32
    return %c0_i32, %c0_i32_0 : i32, i32
  }
  func.func @transform_6(%arg0: i32) -> (i32, i32) {
    %c0_i32 = arith.constant 0 : i32
    %c0_i32_0 = arith.constant 0 : i32
    return %arg0, %c0_i32 : i32, i32
  }
  func.func @transform_7(%arg0: i32) -> (i32, i32) {
    %c0_i32 = arith.constant 0 : i32
    %c0_i32_0 = arith.constant 0 : i32
    return %arg0, %c0_i32 : i32, i32
  }
}

module attributes {stable_mosaic.version = 14 : i64} {
  func.func @_fin_body(%arg0: i32, %arg1: memref<1000x128xf32, #tpu.memory_space<vmem>>, %arg2: memref<1000x128xf32, #tpu.memory_space<vmem>>, %arg3: memref<1000x128xf32, #tpu.memory_space<vmem>>, %arg4: memref<1000x1xf32, #tpu.memory_space<vmem>>, %arg5: memref<1x128xf32, #tpu.memory_space<vmem>>, %arg6: memref<1000x128xf32, #tpu.memory_space<vmem>>) attributes {dimension_semantics = [#tpu.dimension_semantics<arbitrary>], iteration_bounds = array<i64: 10>, scalar_prefetch = 0 : i64, scratch_operands = 0 : i64, tpu.core_type = #tpu.core_type<tc>, window_params = [{transform_indices = @transform_0, window_bounds = array<i64: 1000, 128>}, {transform_indices = @transform_1, window_bounds = array<i64: 1000, 128>}, {transform_indices = @transform_2, window_bounds = array<i64: 1000, 128>}, {transform_indices = @transform_3, window_bounds = array<i64: 1000, 1>}, {pipeline_mode = #tpu.pipeline_mode<synchronous>, transform_indices = @transform_4, window_bounds = array<i64: 1, 128>}, {transform_indices = @transform_5, window_bounds = array<i64: 1000, 128>}]} {
    %get3A = arith.constant 0 : index
    %get3A_0 = arith.constant 0 : index
    %get3A_1 = vector.load %arg4[%get3A, %get3A_0] : memref<1000x1xf32, #tpu.memory_space<vmem>>, vector<1000x1xf32>
    %get3A_2 = arith.constant 0 : index
    %get3A_3 = arith.constant 0 : index
    %get3A_4 = vector.load %arg1[%get3A_2, %get3A_3] : memref<1000x128xf32, #tpu.memory_space<vmem>>, vector<1000x128xf32>
    %get3A_5 = arith.constant 0 : index
    %get3A_6 = arith.constant 0 : index
    %get3A_7 = vector.load %arg2[%get3A_5, %get3A_6] : memref<1000x128xf32, #tpu.memory_space<vmem>>, vector<1000x128xf32>
    %add3A = arith.addf %get3A_4, %get3A_7 : vector<1000x128xf32>
    %mul3A = vector.broadcast %get3A_1 : vector<1000x1xf32> to vector<1000x128xf32>
    %mul3A_8 = arith.mulf %mul3A, %add3A : vector<1000x128xf32>
    %mul3A_9 = arith.mulf %get3A_1, %get3A_1 : vector<1000x1xf32>
    %get3A_10 = arith.constant 0 : index
    %get3A_11 = arith.constant 0 : index
    %get3A_12 = vector.load %arg3[%get3A_10, %get3A_11] : memref<1000x128xf32, #tpu.memory_space<vmem>>, vector<1000x128xf32>
    %mul3A_13 = vector.broadcast %mul3A_9 : vector<1000x1xf32> to vector<1000x128xf32>
    %mul3A_14 = arith.mulf %mul3A_13, %get3A_12 : vector<1000x128xf32>
    %add3A_15 = arith.addf %mul3A_8, %mul3A_14 : vector<1000x128xf32>
    %get3A_16 = arith.constant 0 : index
    %get3A_17 = arith.constant 0 : index
    %get3A_18 = vector.load %arg5[%get3A_16, %get3A_17] : memref<1x128xf32, #tpu.memory_space<vmem>>, vector<1x128xf32>
    %add3A_19 = vector.broadcast %get3A_18 : vector<1x128xf32> to vector<1000x128xf32>
    %add3A_20 = arith.addf %add3A_15, %add3A_19 : vector<1000x128xf32>
    %swap3A = arith.constant 0 : index
    %swap3A_21 = arith.constant 0 : index
    %swap3A_22 = vector.load %arg6[%swap3A, %swap3A_21] : memref<1000x128xf32, #tpu.memory_space<vmem>>, vector<1000x128xf32>
    tpu.vector_store %arg6[%swap3A, %swap3A_21], %add3A_20 {strides = array<i32>} : memref<1000x128xf32, #tpu.memory_space<vmem>>, vector<1000x128xf32>,
    return
  }
  func.func @transform_0(%arg0: i32) -> (i32, i32) {
    %c0_i32 = arith.constant 0 : i32
    %c0_i32_0 = arith.constant 0 : i32
    return %arg0, %c0_i32 : i32, i32
  }
  func.func @transform_1(%arg0: i32) -> (i32, i32) {
    %c0_i32 = arith.constant 0 : i32
    %c0_i32_0 = arith.constant 0 : i32
    return %arg0, %c0_i32 : i32, i32
  }
  func.func @transform_2(%arg0: i32) -> (i32, i32) {
    %c0_i32 = arith.constant 0 : i32
    %c0_i32_0 = arith.constant 0 : i32
    return %arg0, %c0_i32 : i32, i32
  }
  func.func @transform_3(%arg0: i32) -> (i32, i32) {
    %c0_i32 = arith.constant 0 : i32
    %c0_i32_0 = arith.constant 0 : i32
    return %arg0, %c0_i32 : i32, i32
  }
  func.func @transform_4(%arg0: i32) -> (i32, i32) {
    %c0_i32 = arith.constant 0 : i32
    %c0_i32_0 = arith.constant 0 : i32
    %c0_i32_1 = arith.constant 0 : i32
    return %c0_i32, %c0_i32_0 : i32, i32
  }
  func.func @transform_5(%arg0: i32) -> (i32, i32) {
    %c0_i32 = arith.constant 0 : i32
    %c0_i32_0 = arith.constant 0 : i32
    return %arg0, %c0_i32 : i32, i32
  }
}

</mosaic_0001>

<sc_bundles>
// kernel: kernel.12.cloned.1.call-start
scs
__scs_entry_jumppad:
0x0: {  	(pc) =	sbr.rel $0x88, $3  }
0x1: {  	(tag) =	ssettag $0x0;
	lr =	simm.s32 $0x1  }
0x2: {  	[smem:$0x3F9B] =	sst lr;
	_ =	strace $0xD0000000  }
0x3: {  	_ = 	snop  }
0x4: {  	_ = 	snop  }
0x5: {  	_ = 	snop  }
0x6: {  	_ = 	snop  }
0x7: {  	_ = 	snop  }
__scs_overlays_trampoline_lowered:
0x8: {  	[smem:$0x3FAA] =	sst s0  }
0x9: {  	[smem:$0x3FAB] =	sst s1  }
0xa: {  	[smem:$0x3FAC] =	sst s2  }
0xb: {  	[smem:$0x3FAD] =	sst s3  }
0xc: {  	[smem:$0x3FAE] =	sst s4  }
0xd: {  	[smem:$0x3FAF] =	sst s5  }
0xe: {  	[smem:$0x3FB0] =	sst s6  }
0xf: {  	[smem:$0x3FB1] =	sst s7  }
0x10: {  	[smem:$0x3FB2] =	sst s8  }
0x11: {  	[smem:$0x3FB3] =	sst s9;
	s0 =	simm.s32 @!p0 $0x0  }
0x12: {  	s1 =	sld [smem:$0x3F99];
	s0 =	simm.s32 @p0 $0x1  }
0x13: {  	[smem:$0x3FB4] =	sst s0;
	s0 =	simm.s32 @!p1 $0x0  }
0x14: {  	s2 =	sld [smem:$0x3F98];
	s0 =	simm.s32 @p1 $0x1  }
0x15: {  	[smem:$0x3FB5] =	sst s0;
	s0 =	simm.s32 @!p2 $0x0  }
0x16: {  	s3 =	sld [smem:$0x3FDB];
	s0 =	simm.s32 @p2 $0x1  }
0x17: {  	s4 =	simm.s32 $0x1BF5;
	[smem:$0x3FB7] =	sst s0  }
0x18: {  	s0 =	sld [smem:$0x3F9A];
	_ =	swait.ge [sflag:s4], $0x0  }
0x19: {  	s7 =	sld [smem:$0x3F9B]  }
0x1a: {  	s8 =	sadd.s32 $0xFFFFE003, lr  }
0x1b: {  	s9 =	sadd.s32 $0xFFFFFEF7, lr;
	s5 =	simm.s32 $0xFFFFFFFF;
	p2 =	slt.u32 s8, $0xFFFFF086  }
0x1c: {  	p1 =	slt.u32 s9, $0xF7A;
	s5 =	simm.s32 @!p2 $0x0  }
0x1d: {  	s5 =	simm.s32 @p1 $0x1;
	p0 =	seq.s32 s7, s2  }
0x1e: {  	s7 =	smul.u32 @!p0 $0xF7A, s2;
	p2 =	seq.s32 @!p0 s5, $0x0  }
0x1f: {  	s9 =	smul.u32 $0xF7A, s1;
	s8 =	simm.s32 @!p0 $0x1BF5;
	p2 =	por !p2, p0  }
0x20: {  	[sflag:s8] =	ssyncset.s32 @!p0 $0xFFFFF086;
	s6 =	sadd.s32 @!p0 s3, s7;
	s7 =	simm.s32 @!p0 $0x108  }
0x21: {  	s3 =	sadd.s32 s3, s9;
	s6 =	sadd.s32 @!p0 $0x88, s6;
	s7 =	simm.s32 @p2 $0x1082  }
0x22: {  	[simem:s7], [sflag:s8] =	dma.local @!p0 [hbm:s6], $0xF7A  }
0x23: {  	s9 =	sor.u32 $0xD0000000, s2;
	s6 =	simm.s32 $0x108;
	_ =	swait.ge @!p0 [sflag:s8], $0x0  }
0x24: {  	s3 =	sadd.s32 $0x88, s3;
	s6 =	simm.s32 @!p1 $0x1082;
	[sflag:s4] =	ssyncset.s32 $0xFFFFF086  }
0x25: {  	[simem:s6], [sflag:s4] =	dma.local [hbm:s3], $0xF7A  }
0x26: {  	[smem:$0x3F9B] =	sst s1;
	(tag) =	ssettag s2;
	_ =	strace s9  }
0x27: {  	s1 =	sld [smem:$0x3FAB]  }
0x28: {  	s2 =	sld [smem:$0x3FAC]  }
0x29: {  	s4 =	sld [smem:$0x3FAE]  }
0x2a: {  	p0 =	seq.s32 s5, $0x0;
	s5 =	sld [smem:$0x3FAF]  }
0x2b: {  	s6 =	sld [smem:$0x3FB0]  }
0x2c: {  	s7 =	sld [smem:$0x3FB1]  }
0x2d: {  	s3 =	simm.s32 $0x108;
	s8 =	sld [smem:$0x3FB2]  }
0x2e: {  	s3 =	simm.s32 @!p0 $0x1082;
	s9 =	sld [smem:$0x3FB3]  }
0x2f: {  	lr =	sadd.s32 s0, s3;
	s0 =	sld [smem:$0x3FAA]  }
0x30: {  	s3 =	sld [smem:$0x3FAD]  }
0x31: {  	[smem:$0x3FB6] =	sst s10  }
0x32: {  	s10 =	sld [smem:$0x3FB4];
	_ =	sdelay $0x3  }
0x33: {  	p0 =	seq.s32 s10, $0x1;
	s10 =	sld [smem:$0x3FB6];
	_ =	sdelay $0x3  }
0x34: {  	[smem:$0x3FB6] =	sst s10  }
0x35: {  	s10 =	sld [smem:$0x3FB5];
	_ =	sdelay $0x3  }
0x36: {  	p1 =	seq.s32 s10, $0x1;
	s10 =	sld [smem:$0x3FB6];
	_ =	sdelay $0x3  }
0x37: {  	[smem:$0x3FB6] =	sst s10  }
0x38: {  	s10 =	sld [smem:$0x3FB7]  }
0x39: {  	_ = 	snop;
	(pc) =	sbr.ind lr, $3  }
0x3a: {  	_ = 	snop  }
0x3b: {  	_ = 	snop  }
0x3c: {  	p2 =	seq.s32 s10, $0x1;
	s10 =	sld [smem:$0x3FB6]  }
0x3d: {  	_ =	shalt  }
0x3e: {  	_ =	shalt  }
0x3f: {  	_ =	shalt  }
0x40: {  	_ =	shalt  }
0x41: {  	_ =	shalt  }
0x42: {  	_ =	shalt  }
0x43: {  	_ =	shalt  }
0x44: {  	_ =	shalt  }
0x45: {  	_ =	shalt  }
0x46: {  	_ =	shalt  }
0x47: {  	_ =	shalt  }
0x48: {  	_ =	shalt  }
0x49: {  	_ =	shalt  }
0x4a: {  	_ =	shalt  }
0x4b: {  	_ =	shalt  }
0x4c: {  	_ =	shalt  }
0x4d: {  	_ =	shalt  }
0x4e: {  	_ =	shalt  }
0x4f: {  	_ =	shalt  }
0x50: {  	_ =	shalt  }
0x51: {  	_ =	shalt  }
0x52: {  	_ =	shalt  }
0x53: {  	_ =	shalt  }
0x54: {  	_ =	shalt  }
0x55: {  	_ =	shalt  }
0x56: {  	_ =	shalt  }
0x57: {  	_ =	shalt  }
0x58: {  	_ =	shalt  }
0x59: {  	_ =	shalt  }
0x5a: {  	_ =	shalt  }
0x5b: {  	_ =	shalt  }
0x5c: {  	_ =	shalt  }
0x5d: {  	_ =	shalt  }
0x5e: {  	_ =	shalt  }
0x5f: {  	_ =	shalt  }
0x60: {  	_ =	shalt  }
0x61: {  	_ =	shalt  }
0x62: {  	_ =	shalt  }
0x63: {  	_ =	shalt  }
0x64: {  	_ =	shalt  }
0x65: {  	_ =	shalt  }
0x66: {  	_ =	shalt  }
0x67: {  	_ =	shalt  }
0x68: {  	_ =	shalt  }
0x69: {  	_ =	shalt  }
0x6a: {  	_ =	shalt  }
0x6b: {  	_ =	shalt  }
0x6c: {  	_ =	shalt  }
0x6d: {  	_ =	shalt  }
0x6e: {  	_ =	shalt  }
0x6f: {  	_ =	shalt  }
0x70: {  	_ =	shalt  }
0x71: {  	_ =	shalt  }
0x72: {  	_ =	shalt  }
0x73: {  	_ =	shalt  }
0x74: {  	_ =	shalt  }
0x75: {  	_ =	shalt  }
0x76: {  	_ =	shalt  }
0x77: {  	_ =	shalt  }
0x78: {  	_ =	shalt  }
0x79: {  	_ =	shalt  }
0x7a: {  	_ =	shalt  }
0x7b: {  	_ =	shalt  }
0x7c: {  	_ =	shalt  }
0x7d: {  	_ =	shalt  }
0x7e: {  	_ =	shalt  }
0x7f: {  	_ =	shalt  }
0x80: {  	_ =	shalt  }
0x81: {  	_ =	shalt  }
0x82: {  	_ =	shalt  }
0x83: {  	_ =	shalt  }
0x84: {  	_ =	shalt  }
0x85: {  	_ =	shalt  }
0x86: {  	_ =	shalt  }
0x87: {  	_ =	shalt  }
.Lfunc_end0:
.L_simem_size_0:
called_computation.1_lowered:
.L_overlay_start_0:
0x88: {  	s2 =	sld [smem:$0x3FD9]  }
0x89: {  	s3 =	sld [smem:$0x3FFE];
	_ =	sdelay $0x1  }
0x8a: {  	s1 =	srdreg.scid  }
0x8b: {  	s0 =	sand.u32 $0x1, s1  }
0x8c: {  	s17 =	sshll.u32 s0, $0xA;
	s2 =	sadd.s32 s3, s2  }
0x8d: {  	s2 =	sadd.s32 s2, s17  }
0x8e: {  	[smem:$0x3FC2] =	sst s2  }
0x8f: {  	_ = 	snop  }
0x90: {  	s2 =	sld [smem:$0x3FD0];
	(tm) =	ssettm $0x1  }
0x91: {  	s18 =	sld [smem:$0x3FFB];
	_ =	sdelay $0x3  }
0x92: {  	_ =	strace s18  }
0x93: {  	s3 =	sld [smem:$0x3FFC];
	_ =	sdelay $0x3  }
0x94: {  	_ =	strace s3  }
0x95: {  	s3 =	sld [smem:$0x3FFD];
	_ =	sdelay $0x3  }
0x96: {  	_ =	strace s3  }
0x97: {  	_ =	strace $0x8FFFFFFF  }
0x98: {  	s19 =	sld [smem:$0x3FDB];
	_ =	sdelay $0x1  }
0x99: {  	s4 =	simm.s32 $_scs_section_size  }
0x9a: {  	s5 =	simm.s32 $_size__tile_overlayer_lowered;
	s6 =	simm.s32 $_tile_overlayer_lowered  }
0x9b: {  	s22 =	simm.s32 $0x1BFF;
	s21 =	sshll.u32 s6, $0x1;
	s3 =	sadd.s32 s4, s19  }
0x9c: {  	s7 =	simm.s32 $0x0;
	s20 =	sshll.u32 s5, $0x1;
	s5 =	sadd.s32 s21, s3  }
0x9d: {  	[timem:s7], [sflag:s22] =	dma.local [hbm:s5], s20  }
0x9e: {  	_ =	swait.ge [sflag:s22], s20  }
0x9f: {  	s4 =	ssub.s32 $0x0, s20;
	[sflag:s22] =	ssyncset.done $0x0  }
0xa0: {  	[sflag:s22] =	ssyncadd.s32 s4;
	_ =	sdelay $0x1  }
0xa1: {  	s23 =	simm.s32 $0x1B8B  }
0xa2: {  	_ =	swait.ge [sflag:s23], $0x1  }
0xa3: {  	[sflag:s23] =	ssyncset.done $0x0  }
0xa4: {  	s25 =	simm.s32 $0x1B8E;
	s24 =	sld [smem:$0x3FFE];
	[sflag:s23] =	ssyncadd.s32 $0xFFFFFFFF  }
0xa5: {  	s26 =	simm.s32 $execute0_lowered;
	[smem:$0x3FD2] =	sst s25  }
0xa6: {  	s5 =	sshll.u32 s26, $0x1;
	_ =	strace $0x80000049;
	[dreg:$0x1] =	wrdreg $0xFFFFFFFF  }
0xa7: {  	s28 =	simm.s32 $_size_execute0_lowered;
	s3 =	sadd.s32 s3, s5;
	[dreg:$0x0] =	wrdreg $0x0  }
0xa8: {  	s5 =	sshll.u32 s28, $0x1;
	[dreg:$0x2] =	wrdreg s3  }
0xa9: {  	[dreg:$0x3] =	wrdreg s5  }
0xaa: {  	[dreg:$0x4] =	wrdreg $0xC0  }
0xab: {  	_ =	task [dreg:s7], $0x5FFFF  }
0xac: {  	[dreg:$0x1] =	wrdreg $0xFFFFFFFF  }
0xad: {  	[dreg:$0x0] =	wrdreg $0x60  }
0xae: {  	[dreg:$0x2] =	wrdreg s2  }
0xaf: {  	[dreg:$0x3] =	wrdreg s24  }
0xb0: {  	[dreg:$0x4] =	wrdreg $0x84000  }
0xb1: {  	[dreg:$0x5] =	wrdreg $0x9  }
0xb2: {  	_ =	task.clear_ibuf [dreg:s7], $0x6FFFF;
	_ =	strace $0x90000049  }
0xb3: {  	s29 =	simm.s32 $0x9;
	_ =	strace $0x8000004B  }
0xb4: {  	_ =	swait.ge [sflag:s29], $0x1  }
0xb5: {  	[sflag:s29] =	ssyncadd.s32 $0xFFFFFFFF  }
0xb6: {  	_ =	strace $0x9000004B  }
0xb7: {  	_ =	sfence  }
0xb8: {  	s30 =	sld [smem:$0x0];
	_ =	sdelay $0x2  }
0xb9: {  	s31 =	sshll.u32 s1, $0xD;
	s1 =	sshrl.u32 s1, $0x2  }
0xba: {  	s3 =	sand.u32 $0x4000, s31;
	s1 =	sadd.s32 s1, s30  }
0xbb: {  	s0 =	sor.u32 s3, s0;
	s1 =	sshll.u32 s1, $0x11  }
0xbc: {  	s0 =	sor.u32 s1, s0  }
0xbd: {  	s0 =	sadd.s32 $0x8F2B, s0  }
0xbe: {  	[sflag:s0] =	ssyncadd.remote.s32 $0x1  }
0xbf: {  	_ =	sfence.sel $0xFFFF  }
0xc0: {  	[dreg:$0x0] =	wrdreg $0xFFFFFFFF;
	(pc) =	sbr.abs _section_cstart, $3  }
0xc1: {  	[dreg:$0x1] =	wrdreg $0xFFFFFFFF  }
0xc2: {  	_ =	task.clear_ibuf [dreg:s7], $0x2FFFF;
	_ =	strace $0x9FFFFFFF  }
0xc3: {  	(tm) =	ssettm $0x7FFFFFFF  }
tec
execute0_lowered:
.L_overlay_start_1:
0x0: {  	(tag) =	ssettag $0x1  }
0x1: {  	s1 =	rddreg [dreg:$0x0]  }
0x2: {  	s0 =	rddreg [dreg:$0x1]  }
0x3: {  	s2 =	rddreg [dreg:$0x2];
	s3 =	srdreg.scid  }
0x4: {  	s4 =	simm.s32 $0x0;
	s11 =	stileid.u32;
	s28 =	simm.s32 $0x6  }
0x5: {  	s29 =	simm.s32 $0x4400;
	s30 =	simm.s32 $0x1;
	s6 =	smul.u32 $0x13C00, s11  }
0x6: {  	s31 =	simm.s32 $0x2;
	s3 =	sand.u32 $0x1, s3;
	s7 =	smul.u32 $0x4F000, s11  }
0x7: {  	[smem:$0x7FF] =	sst s4;
	s8 =	sadd.s32 $0xC200, s0;
	s5 =	smul.u32 $0x13C000, s3  }
0x8: {  	_ =	strace $0x8000004A;
	s15 =	sshll.u32 s3, $0x4;
	s9 =	ssub.s32 $0x2, s3  }
0x9: {  	s3 =	smul.u32 $0x50000, s3;
	s10 =	sshrl.u32 s9, $0x1;
	s16 =	sshrl.u32 s7, $0x2  }
0xa: {  	s5 =	sadd.s32 s6, s5;
	s6 =	sor.u32 s11, s15;
	s11 =	smul.u32 $0x5000, s11  }
0xb: {  	s9 =	ssub.s32 s9, s10;
	s10 =	simm.s32 $0x4;
	s5 =	sshrl.u32 s5, $0x3  }
0xc: {  	s6 =	smul.u32 $0x5000, s6;
	s21 =	smax.u32 s9, $0x1;
	s9 =	simm.s32 $0x380  }
0xd: {  	s0 =	sadd.s32 s5, s0;
	s5 =	sadd.s32 s16, s2;
	s3 =	sadd.s32 s11, s3  }
0xe: {  	[dreg:$0xa] =	wrdreg s21;
	s21 =	simm.s32 $0x9;
	s11 =	simm.s32 $0x0  }
0xf: {  	s6 =	sshrl.u32 s6, $0x3;
	s17 =	sadd.s32 $0x10000, s5;
	s0 =	sadd.s32 $0x20200, s0  }
0x10: {  	s20 =	sor.u32 $0x700, s3;
	s22 =	sadd.s32 $0x4000, s5;
	[dreg:$0x4] =	wrdreg s17  }
0x11: {  	s23 =	sadd.s32 $0x8000, s5;
	s24 =	sadd.s32 $0xC000, s5;
	[dreg:$0x9] =	wrdreg s0  }
0x12: {  	s25 =	sor.u32 $0x600, s3;
	s26 =	sor.u32 $0x500, s3;
	[dreg:$0xb] =	wrdreg s22  }
0x13: {  	s3 =	sor.u32 $0x400, s3;
	s6 =	sadd.s32 s8, s6;
	[dreg:$0xc] =	wrdreg s23  }
0x14: {  	s0 =	sshrl.u32 s20, $0x3;
	[dreg:$0xd] =	wrdreg s24;
	s3 =	sshrl.u32 s3, $0x3  }
0x15: {  	s20 =	simm.s32 $0x400;
	s22 =	simm.s32 $0x100;
	s23 =	simm.s32 $0x200  }
0x16: {  	s24 =	simm.s32 $0x300;
	s18 =	sadd.s32 $0x20, s6;
	[dreg:$0x5] =	wrdreg s6  }
0x17: {  	s19 =	sadd.s32 $0x40, s6;
	s6 =	sadd.s32 $0x60, s6;
	[dreg:$0x6] =	wrdreg s18  }
.Ltmp0:
0x18: {  	s16 =	sadd.s32 s0, s8;
	[dreg:$0x7] =	wrdreg s19;
	(pc) =	sbr.rel .LBB2_1-.Ltmp0, $4  }
0x19: {  	s0 =	sshrl.u32 s25, $0x3;
	s25 =	simm.s32 $0x5;
	[dreg:$0x8] =	wrdreg s6  }
0x1a: {  	s6 =	sshrl.u32 s26, $0x3;
	s17 =	sadd.s32 s0, s8;
	s19 =	sadd.s32 s3, s8  }
0x1b: {  	s26 =	simm.s32 $0x80;
	s0 =	simm.s32 $0x180;
	s3 =	simm.s32 $0x7  }
0x1c: {  	v0 =	vimm.f32 $0.0e+00;
	s18 =	sadd.s32 s6, s8;
	s6 =	simm.s32 $0x3;
	s8 =	simm.s32 $0x280  }
.LBB2_6:
0x1d: {  	_ =	swait.ge [sflag:s6], $0x4000  }
0x1e: {  	[sflag:s6] =	ssyncset.done $0x0  }
0x1f: {  	[sflag:s6] =	ssyncadd.s32 $0xFFFFC000  }
0x20: {  	_ =	swait.ge [sflag:s10], $0x4000  }
0x21: {  	[sflag:s10] =	ssyncset.done $0x0  }
0x22: {  	s7 =	stileid.u32;
	[sflag:s10] =	ssyncadd.s32 $0xFFFFC000  }
0x23: {  	s7 =	sshll.u32 s7, $0x6;
	[bflag:$0x0] =	sbarrier.arrive $0xFFFF  }
0x24: {  	s12 =	sshrl.u32 s5, $0x3;
	s7 =	sor.u32 $0x1C09, s7;
	s13 =	rddreg [dreg:$0x9]  }
0x25: {  	[hbm:s13], [sflag:s7] =	dma.local [spmem:s12], $0x2780  }
0x26: {  	_ =	swait.ge [sflag:s21], $0x2780  }
0x27: {  	s11 =	sadd.s32 $0x1, s11;
	s15 =	rddreg [dreg:$0xa]  }
0x28: {  	p0 =	sne.s32 s11, s15  }
.Ltmp1:
0x29: {  	_ = 	snop;
	(pc) =	sbr.rel @!p0 .LBB2_7-.Ltmp1, $3  }
0x2a: {  	_ =	sdelay $0x1  }
0x2b: {  	[sflag:s21] =	ssyncset.done $0x0  }
0x2c: {  	[sflag:s21] =	ssyncadd.s32 $0xFFFFD880  }
.LBB2_1:
0x2d: {  	s12 =	sand.u32 $0xFE00, s4  }
0x2e: {  	s13 =	sand.u32 $0x70, s4;
	s14 =	sshrl.u32 s12, $0x2  }
0x2f: {  	s12 =	simm.s32 $0x40;
	s14 =	sor.u32 s13, s14;
	s13 =	simm.s32 $0x0  }
.LBB2_2:
0x30: {  	p0 =	sne.s32 s12, $0xFFC0  }
0x31: {  	[tilespmem:s14+$0x400] =	vst v0;
	s13 =	sadd.s32 $0x10, s13;
	s14 =	smov.u32 s12;
	s12 =	sadd.s32 $0x40, s12  }
.Ltmp2:
0x32: {  	(pc) =	sbr.rel @p0 .LBB2_2-.Ltmp2, $4  }
0x33: {  	_ = 	snop  }
0x34: {  	s14 =	sand.u32 $0xFE00, s14  }
0x35: {  	s15 =	sand.u32 $0x70, s13;
	s14 =	sshrl.u32 s14, $0x2  }
0x36: {  	s14 =	sor.u32 s15, s14  }
0x37: {  	[tilespmem:s14+$0x400] =	vst v0  }
0x38: {  	[spmem:s5] =	stream.linear.scatter [tilespmem:s20], [sflag:$0x9], $0x4000, $0x38;
	[tilespmem:$0x1C000] =	vst v63  }
0x39: {  	_ =	swait.ge [sflag:s21], $0x4000  }
0x3a: {  	[sflag:s21] =	ssyncset.done $0x0  }
0x3b: {  	s7 =	rddreg [dreg:$0xb];
	[sflag:s21] =	ssyncadd.s32 $0xFFFFC000  }
0x3c: {  	[spmem:s7] =	stream.linear.scatter [tilespmem:s20], [sflag:$0x9], $0x4000, $0x38;
	[tilespmem:$0x1C000] =	vst v63  }
0x3d: {  	_ =	swait.ge [sflag:s21], $0x4000  }
0x3e: {  	[sflag:s21] =	ssyncset.done $0x0  }
0x3f: {  	s12 =	rddreg [dreg:$0xc];
	[sflag:s21] =	ssyncadd.s32 $0xFFFFC000  }
0x40: {  	[spmem:s12] =	stream.linear.scatter [tilespmem:s20], [sflag:$0x9], $0x4000, $0x38;
	[tilespmem:$0x1C000] =	vst v63  }
0x41: {  	_ =	swait.ge [sflag:s21], $0x4000  }
0x42: {  	[sflag:s21] =	ssyncset.done $0x0  }
0x43: {  	s13 =	rddreg [dreg:$0xd];
	[sflag:s21] =	ssyncadd.s32 $0xFFFFC000  }
0x44: {  	[spmem:s13] =	stream.linear.scatter [tilespmem:s20], [sflag:$0x9], $0x4000, $0x38;
	[tilespmem:$0x1C000] =	vst v63  }
0x45: {  	_ =	swait.ge [sflag:s21], $0x4000  }
0x46: {  	[sflag:s21] =	ssyncset.done $0x0  }
0x47: {  	s14 =	rddreg [dreg:$0x4];
	[sflag:s21] =	ssyncadd.s32 $0xFFFFC000  }
0x48: {  	[spmem:s14] =	stream.linear.scatter [tilespmem:s20], [sflag:$0x9], $0x3C00, $0x38;
	[tilespmem:$0x1C000] =	vst v63  }
0x49: {  	_ =	swait.ge [sflag:s21], $0x3C00  }
0x4a: {  	[sflag:s21] =	ssyncset.done $0x0  }
0x4b: {  	[sflag:s21] =	ssyncadd.s32 $0xFFFFC400  }
0x4c: {  	[bflag:$0x0] =	sbarrier.arrive $0xFFFF  }
0x4d: {  	s12 =	simm.s32 $0x0;
	s15 =	rddreg [dreg:$0x5]  }
0x4e: {  	[tilespmem:s12], [sflag:$0x5] =	stream.linear.gather [hbm4b:s15+s12], $0x100, $0x38;
	[tilespmem:$0x1C000] =	vst v63  }
0x4f: {  	s13 =	rddreg [dreg:$0x6]  }
0x50: {  	[tilespmem:s22], [sflag:$0x6] =	stream.linear.gather [hbm4b:s13+s12], $0x100, $0x38;
	[tilespmem:$0x1C000] =	vst v63  }
0x51: {  	s14 =	rddreg [dreg:$0x7]  }
0x52: {  	[tilespmem:s23], [sflag:$0x7] =	stream.linear.gather [hbm4b:s14+s12], $0x100, $0x38;
	[tilespmem:$0x1C000] =	vst v63  }
0x53: {  	s15 =	rddreg [dreg:$0x8]  }
0x54: {  	[tilespmem:s24], [sflag:$0x8] =	stream.linear.gather [hbm4b:s15+s12], $0x100, $0x38;
	[tilespmem:$0x1C000] =	vst v63  }
0x55: {  	_ =	swait.ge [sflag:s25], $0x100  }
0x56: {  	[sflag:s25] =	ssyncset.done $0x0  }
0x57: {  	[sflag:s25] =	ssyncadd.s32 $0xFFFFFF00  }
0x58: {  	[tilespmem:s20], [sflag:$0x1] =	stream.indirect.gather [hbm4b:s1+s26], $0x80, s12, s26, $0xb8;
	[tilespmem:$0x1C000] =	vst v63  }
0x59: {  	_ =	swait.ge [sflag:s28], $0x100  }
0x5a: {  	[sflag:s28] =	ssyncset.done $0x0  }
0x5b: {  	[sflag:s28] =	ssyncadd.s32 $0xFFFFFF00  }
0x5c: {  	[tilespmem:s29], [sflag:$0x2] =	stream.indirect.gather [hbm4b:s1+s26], $0x80, s22, s26, $0xb8;
	[tilespmem:$0x1C000] =	vst v63  }
.LBB2_4:
0x5d: {  	_ =	swait.ge [sflag:s30], $0x4000  }
0x5e: {  	[sflag:s30] =	ssyncset.done $0x0  }
0x5f: {  	[sflag:s30] =	ssyncadd.s32 $0xFFFFC000  }
0x60: {  	[spmem:s2] =	stream.indirect.scatter.add.f32 [tilespmem:s20], [sflag:$0x3], $0x80, s26, s26, $0xb8;
	[tilespmem:$0x1C000] =	vst v63  }
0x61: {  	_ =	swait.ge [sflag:s31], $0x4000  }
0x62: {  	[sflag:s31] =	ssyncset.done $0x0  }
0x63: {  	[sflag:s31] =	ssyncadd.s32 $0xFFFFC000  }
0x64: {  	[spmem:s2] =	stream.indirect.scatter.add.f32 [tilespmem:s29], [sflag:$0x4], $0x80, s0, s26, $0xb8;
	[tilespmem:$0x1C000] =	vst v63  }
0x65: {  	_ =	swait.ge [sflag:s3], $0x100  }
0x66: {  	[sflag:s3] =	ssyncset.done $0x0  }
0x67: {  	[sflag:s3] =	ssyncadd.s32 $0xFFFFFF00  }
0x68: {  	_ =	swait.ge [sflag:s6], $0x4000  }
0x69: {  	p0 =	seq.s32 s12, $0x980;
	[sflag:s6] =	ssyncset.done $0x0  }
0x6a: {  	s13 =	simm.s32 @p0 $0x8;
	[sflag:s6] =	ssyncadd.s32 $0xFFFFC000  }
0x6b: {  	[tilespmem:s20], [sflag:$0x1] =	stream.indirect.gather [hbm4b:s1+s26], $0x80, s23, s26, $0xb8;
	[tilespmem:$0x1C000] =	vst v63  }
0x6c: {  	_ =	swait.ge @p0 [sflag:s13], $0x100  }
0x6d: {  	[sflag:s13] =	ssyncset.done @p0 $0x0  }
0x6e: {  	[sflag:s13] =	ssyncadd.s32 @p0 $0xFFFFFF00;
	s13 =	simm.s32 @p0 $0x4  }
0x6f: {  	_ =	swait.ge @p0 [sflag:s13], $0x4000  }
0x70: {  	s14 =	simm.s32 @p0 $0x300;
	[sflag:s13] =	ssyncset.done @p0 $0x0  }
0x71: {  	s15 =	simm.s32 @p0 $0x4400;
	[sflag:s13] =	ssyncadd.s32 @p0 $0xFFFFC000;
	s13 =	simm.s32 @p0 $0x80  }
0x72: {  	[tilespmem:s15], [sflag:$0x2] =	stream.indirect.gather @p0 [hbm4b:s1+s13], $0x80, s14, s13, $0xb8;
	[tilespmem:$0x1C000] =	vst v63  }
0x73: {  	s13 =	sadd.s32 @!p0 s12, s19;
	s14 =	simm.s32 @!p0 $0x0  }
0x74: {  	[tilespmem:s14], [sflag:$0x5] =	stream.linear.gather @!p0 [hbm4b:s13+s14], $0x100, $0x38;
	[tilespmem:$0x1C000] =	vst v63  }
0x75: {  	s13 =	simm.s32 @!p0 $0x8  }
0x76: {  	_ =	swait.ge @!p0 [sflag:s13], $0x100  }
0x77: {  	[sflag:s13] =	ssyncset.done @!p0 $0x0  }
0x78: {  	[sflag:s13] =	ssyncadd.s32 @!p0 $0xFFFFFF00;
	s13 =	simm.s32 @!p0 $0x4  }
0x79: {  	_ =	swait.ge @!p0 [sflag:s13], $0x4000  }
0x7a: {  	s7 =	simm.s32 @!p0 $0x4400;
	[sflag:s13] =	ssyncset.done @!p0 $0x0  }
0x7b: {  	s15 =	simm.s32 @!p0 $0x300;
	[sflag:s13] =	ssyncadd.s32 @!p0 $0xFFFFC000;
	s13 =	simm.s32 @!p0 $0x80  }
0x7c: {  	[tilespmem:s7], [sflag:$0x2] =	stream.indirect.gather @!p0 [hbm4b:s1+s13], $0x80, s15, s13, $0xb8;
	[tilespmem:$0x1C000] =	vst v63  }
0x7d: {  	s7 =	sadd.s32 @!p0 s12, s18;
	s13 =	simm.s32 @!p0 $0x100  }
0x7e: {  	[tilespmem:s13], [sflag:$0x6] =	stream.linear.gather @!p0 [hbm4b:s7+s14], $0x100, $0x38;
	[tilespmem:$0x1C000] =	vst v63  }
0x7f: {  	_ =	swait.ge [sflag:s30], $0x4000  }
0x80: {  	[sflag:s30] =	ssyncset.done $0x0  }
0x81: {  	[sflag:s30] =	ssyncadd.s32 $0xFFFFC000  }
0x82: {  	[spmem:s2] =	stream.indirect.scatter.add.f32 [tilespmem:s20], [sflag:$0x3], $0x80, s8, s26, $0xb8;
	[tilespmem:$0x1C000] =	vst v63  }
.Ltmp3:
0x83: {  	_ = 	snop;
	(pc) =	sbr.rel @p0 .LBB2_6-.Ltmp3, $4  }
0x84: {  	_ =	swait.ge [sflag:s31], $0x4000  }
0x85: {  	[sflag:s31] =	ssyncset.done $0x0  }
0x86: {  	[sflag:s31] =	ssyncadd.s32 $0xFFFFC000  }
0x87: {  	[spmem:s2] =	stream.indirect.scatter.add.f32 [tilespmem:s29], [sflag:$0x4], $0x80, s9, s26, $0xb8;
	[tilespmem:$0x1C000] =	vst v63  }
0x88: {  	_ =	swait.ge [sflag:s25], $0x100  }
0x89: {  	[sflag:s25] =	ssyncset.done $0x0  }
0x8a: {  	[sflag:s25] =	ssyncadd.s32 $0xFFFFFF00  }
0x8b: {  	_ =	swait.ge [sflag:s6], $0x4000  }
0x8c: {  	[sflag:s6] =	ssyncset.done $0x0  }
0x8d: {  	[sflag:s6] =	ssyncadd.s32 $0xFFFFC000  }
0x8e: {  	[tilespmem:s20], [sflag:$0x1] =	stream.indirect.gather [hbm4b:s1+s26], $0x80, s4, s26, $0xb8;
	[tilespmem:$0x1C000] =	vst v63  }
0x8f: {  	s7 =	sadd.s32 s12, s17  }
0x90: {  	[tilespmem:s23], [sflag:$0x7] =	stream.linear.gather [hbm4b:s7+s4], $0x100, $0x38;
	[tilespmem:$0x1C000] =	vst v63  }
0x91: {  	_ =	swait.ge [sflag:s28], $0x100  }
0x92: {  	[sflag:s28] =	ssyncset.done $0x0  }
0x93: {  	[sflag:s28] =	ssyncadd.s32 $0xFFFFFF00  }
0x94: {  	_ =	swait.ge [sflag:s10], $0x4000  }
.Ltmp4:
0x95: {  	[sflag:s10] =	ssyncset.done $0x0;
	(pc) =	sbr.rel .LBB2_4-.Ltmp4, $4  }
0x96: {  	[sflag:s10] =	ssyncadd.s32 $0xFFFFC000  }
0x97: {  	[tilespmem:s29], [sflag:$0x2] =	stream.indirect.gather [hbm4b:s1+s26], $0x80, s22, s26, $0xb8;
	[tilespmem:$0x1C000] =	vst v63  }
0x98: {  	s15 =	sadd.s32 s12, s16;
	s12 =	sadd.s32 $0x80, s12  }
0x99: {  	[tilespmem:s24], [sflag:$0x8] =	stream.linear.gather [hbm4b:s15+s4], $0x100, $0x38;
	[tilespmem:$0x1C000] =	vst v63  }
.LBB2_7:
0x9a: {  	_ =	sfence.sel $0x180000  }
0x9b: {  	[bflag:$0x0] =	sbarrier.arrive $0xFFFF  }
0x9c: {  	_ =	strace $0x9000004A  }
0x9d: {  	s0 =	stileid.u32;
	[bflag:$0x2] =	sbarrier.arrive $0xFFFF  }
0x9e: {  	p0 =	sne.s32 s0, $0x0;
	s0 =	rddreg [dreg:$0x3]  }
0x9f: {  	s0 =	sadd.s32 @!p0 $0x100000, s0  }
0xa0: {  	[sflag:s0] =	ssyncadd.tile.s32 @!p0 $0x1;
	_ =	shalt  }
.Lfunc_end2:
_tile_overlayer_lowered:
.L_overlay_start_2:
0xa1: {  	(tag) =	ssettag $0x2  }
0xa2: {  	s0 =	rddreg [dreg:$0x0];
	s2 =	stileid.u32  }
0xa3: {  	s1 =	rddreg [dreg:$0x1];
	p0 =	sne.s32 s2, $0x0  }
0xa4: {  	s3 =	rddreg [dreg:$0x2];
	[bflag:$0x3] =	sbarrier.arrive $0xFFFF;
	s2 =	simm.s32 @!p0 $0x1C09  }
0xa5: {  	[timem:s3], [sflag:s2] =	dma.local @!p0 [hbm:s0], s1  }
0xa6: {  	s0 =	simm.s32 @!p0 $0x9  }
0xa7: {  	_ =	swait.ge @!p0 [sflag:s0], s1  }
0xa8: {  	s1 =	ssub.s32 @!p0 $0x0, s1;
	[sflag:s0] =	ssyncset.done @!p0 $0x0  }
0xa9: {  	[sflag:s0] =	ssyncadd.s32 @!p0 s1  }
0xaa: {  	[bflag:$0x3] =	sbarrier.arrive $0xFFFF  }
0xab: {  	_ =	shalt  }

// kernel: kernel.15.cloned.1.call-start
scs
__scs_entry_jumppad:
0x0: {  	(pc) =	sbr.rel $0x88, $3  }
0x1: {  	(tag) =	ssettag $0x0;
	lr =	simm.s32 $0x1  }
0x2: {  	[smem:$0x3F9B] =	sst lr;
	_ =	strace $0xD0000000  }
0x3: {  	_ = 	snop  }
0x4: {  	_ = 	snop  }
0x5: {  	_ = 	snop  }
0x6: {  	_ = 	snop  }
0x7: {  	_ = 	snop  }
__scs_overlays_trampoline_lowered:
0x8: {  	[smem:$0x3FAA] =	sst s0  }
0x9: {  	[smem:$0x3FAB] =	sst s1  }
0xa: {  	[smem:$0x3FAC] =	sst s2  }
0xb: {  	[smem:$0x3FAD] =	sst s3  }
0xc: {  	[smem:$0x3FAE] =	sst s4  }
0xd: {  	[smem:$0x3FAF] =	sst s5  }
0xe: {  	[smem:$0x3FB0] =	sst s6  }
0xf: {  	[smem:$0x3FB1] =	sst s7  }
0x10: {  	[smem:$0x3FB2] =	sst s8  }
0x11: {  	[smem:$0x3FB3] =	sst s9;
	s0 =	simm.s32 @!p0 $0x0  }
0x12: {  	s1 =	sld [smem:$0x3F99];
	s0 =	simm.s32 @p0 $0x1  }
0x13: {  	[smem:$0x3FB4] =	sst s0;
	s0 =	simm.s32 @!p1 $0x0  }
0x14: {  	s2 =	sld [smem:$0x3F98];
	s0 =	simm.s32 @p1 $0x1  }
0x15: {  	[smem:$0x3FB5] =	sst s0;
	s0 =	simm.s32 @!p2 $0x0  }
0x16: {  	s3 =	sld [smem:$0x3FDB];
	s0 =	simm.s32 @p2 $0x1  }
0x17: {  	s4 =	simm.s32 $0x1BF5;
	[smem:$0x3FB7] =	sst s0  }
0x18: {  	s0 =	sld [smem:$0x3F9A];
	_ =	swait.ge [sflag:s4], $0x0  }
0x19: {  	s7 =	sld [smem:$0x3F9B]  }
0x1a: {  	s8 =	sadd.s32 $0xFFFFE003, lr  }
0x1b: {  	s9 =	sadd.s32 $0xFFFFFEF7, lr;
	s5 =	simm.s32 $0xFFFFFFFF;
	p2 =	slt.u32 s8, $0xFFFFF086  }
0x1c: {  	p1 =	slt.u32 s9, $0xF7A;
	s5 =	simm.s32 @!p2 $0x0  }
0x1d: {  	s5 =	simm.s32 @p1 $0x1;
	p0 =	seq.s32 s7, s2  }
0x1e: {  	s7 =	smul.u32 @!p0 $0xF7A, s2;
	p2 =	seq.s32 @!p0 s5, $0x0  }
0x1f: {  	s9 =	smul.u32 $0xF7A, s1;
	s8 =	simm.s32 @!p0 $0x1BF5;
	p2 =	por !p2, p0  }
0x20: {  	[sflag:s8] =	ssyncset.s32 @!p0 $0xFFFFF086;
	s6 =	sadd.s32 @!p0 s3, s7;
	s7 =	simm.s32 @!p0 $0x108  }
0x21: {  	s3 =	sadd.s32 s3, s9;
	s6 =	sadd.s32 @!p0 $0x88, s6;
	s7 =	simm.s32 @p2 $0x1082  }
0x22: {  	[simem:s7], [sflag:s8] =	dma.local @!p0 [hbm:s6], $0xF7A  }
0x23: {  	s9 =	sor.u32 $0xD0000000, s2;
	s6 =	simm.s32 $0x108;
	_ =	swait.ge @!p0 [sflag:s8], $0x0  }
0x24: {  	s3 =	sadd.s32 $0x88, s3;
	s6 =	simm.s32 @!p1 $0x1082;
	[sflag:s4] =	ssyncset.s32 $0xFFFFF086  }
0x25: {  	[simem:s6], [sflag:s4] =	dma.local [hbm:s3], $0xF7A  }
0x26: {  	[smem:$0x3F9B] =	sst s1;
	(tag) =	ssettag s2;
	_ =	strace s9  }
0x27: {  	s1 =	sld [smem:$0x3FAB]  }
0x28: {  	s2 =	sld [smem:$0x3FAC]  }
0x29: {  	s4 =	sld [smem:$0x3FAE]  }
0x2a: {  	p0 =	seq.s32 s5, $0x0;
	s5 =	sld [smem:$0x3FAF]  }
0x2b: {  	s6 =	sld [smem:$0x3FB0]  }
0x2c: {  	s7 =	sld [smem:$0x3FB1]  }
0x2d: {  	s3 =	simm.s32 $0x108;
	s8 =	sld [smem:$0x3FB2]  }
0x2e: {  	s3 =	simm.s32 @!p0 $0x1082;
	s9 =	sld [smem:$0x3FB3]  }
0x2f: {  	lr =	sadd.s32 s0, s3;
	s0 =	sld [smem:$0x3FAA]  }
0x30: {  	s3 =	sld [smem:$0x3FAD]  }
0x31: {  	[smem:$0x3FB6] =	sst s10  }
0x32: {  	s10 =	sld [smem:$0x3FB4];
	_ =	sdelay $0x3  }
0x33: {  	p0 =	seq.s32 s10, $0x1;
	s10 =	sld [smem:$0x3FB6];
	_ =	sdelay $0x3  }
0x34: {  	[smem:$0x3FB6] =	sst s10  }
0x35: {  	s10 =	sld [smem:$0x3FB5];
	_ =	sdelay $0x3  }
0x36: {  	p1 =	seq.s32 s10, $0x1;
	s10 =	sld [smem:$0x3FB6];
	_ =	sdelay $0x3  }
0x37: {  	[smem:$0x3FB6] =	sst s10  }
0x38: {  	s10 =	sld [smem:$0x3FB7]  }
0x39: {  	_ = 	snop;
	(pc) =	sbr.ind lr, $3  }
0x3a: {  	_ = 	snop  }
0x3b: {  	_ = 	snop  }
0x3c: {  	p2 =	seq.s32 s10, $0x1;
	s10 =	sld [smem:$0x3FB6]  }
0x3d: {  	_ =	shalt  }
0x3e: {  	_ =	shalt  }
0x3f: {  	_ =	shalt  }
0x40: {  	_ =	shalt  }
0x41: {  	_ =	shalt  }
0x42: {  	_ =	shalt  }
0x43: {  	_ =	shalt  }
0x44: {  	_ =	shalt  }
0x45: {  	_ =	shalt  }
0x46: {  	_ =	shalt  }
0x47: {  	_ =	shalt  }
0x48: {  	_ =	shalt  }
0x49: {  	_ =	shalt  }
0x4a: {  	_ =	shalt  }
0x4b: {  	_ =	shalt  }
0x4c: {  	_ =	shalt  }
0x4d: {  	_ =	shalt  }
0x4e: {  	_ =	shalt  }
0x4f: {  	_ =	shalt  }
0x50: {  	_ =	shalt  }
0x51: {  	_ =	shalt  }
0x52: {  	_ =	shalt  }
0x53: {  	_ =	shalt  }
0x54: {  	_ =	shalt  }
0x55: {  	_ =	shalt  }
0x56: {  	_ =	shalt  }
0x57: {  	_ =	shalt  }
0x58: {  	_ =	shalt  }
0x59: {  	_ =	shalt  }
0x5a: {  	_ =	shalt  }
0x5b: {  	_ =	shalt  }
0x5c: {  	_ =	shalt  }
0x5d: {  	_ =	shalt  }
0x5e: {  	_ =	shalt  }
0x5f: {  	_ =	shalt  }
0x60: {  	_ =	shalt  }
0x61: {  	_ =	shalt  }
0x62: {  	_ =	shalt  }
0x63: {  	_ =	shalt  }
0x64: {  	_ =	shalt  }
0x65: {  	_ =	shalt  }
0x66: {  	_ =	shalt  }
0x67: {  	_ =	shalt  }
0x68: {  	_ =	shalt  }
0x69: {  	_ =	shalt  }
0x6a: {  	_ =	shalt  }
0x6b: {  	_ =	shalt  }
0x6c: {  	_ =	shalt  }
0x6d: {  	_ =	shalt  }
0x6e: {  	_ =	shalt  }
0x6f: {  	_ =	shalt  }
0x70: {  	_ =	shalt  }
0x71: {  	_ =	shalt  }
0x72: {  	_ =	shalt  }
0x73: {  	_ =	shalt  }
0x74: {  	_ =	shalt  }
0x75: {  	_ =	shalt  }
0x76: {  	_ =	shalt  }
0x77: {  	_ =	shalt  }
0x78: {  	_ =	shalt  }
0x79: {  	_ =	shalt  }
0x7a: {  	_ =	shalt  }
0x7b: {  	_ =	shalt  }
0x7c: {  	_ =	shalt  }
0x7d: {  	_ =	shalt  }
0x7e: {  	_ =	shalt  }
0x7f: {  	_ =	shalt  }
0x80: {  	_ =	shalt  }
0x81: {  	_ =	shalt  }
0x82: {  	_ =	shalt  }
0x83: {  	_ =	shalt  }
0x84: {  	_ =	shalt  }
0x85: {  	_ =	shalt  }
0x86: {  	_ =	shalt  }
0x87: {  	_ =	shalt  }
.Lfunc_end0:
.L_simem_size_0:
called_computation.2_lowered:
.L_overlay_start_0:
0x88: {  	s2 =	sld [smem:$0x3FD9]  }
0x89: {  	s3 =	sld [smem:$0x3FFE];
	_ =	sdelay $0x1  }
0x8a: {  	s1 =	srdreg.scid  }
0x8b: {  	s0 =	sand.u32 $0x1, s1  }
0x8c: {  	s17 =	sshll.u32 s0, $0xA;
	s2 =	sadd.s32 s3, s2  }
0x8d: {  	s2 =	sadd.s32 s2, s17  }
0x8e: {  	[smem:$0x3FC2] =	sst s2  }
0x8f: {  	_ = 	snop  }
0x90: {  	s2 =	sld [smem:$0x3FD0];
	(tm) =	ssettm $0x1  }
0x91: {  	s18 =	sld [smem:$0x3FFB];
	_ =	sdelay $0x3  }
0x92: {  	_ =	strace s18  }
0x93: {  	s3 =	sld [smem:$0x3FFC];
	_ =	sdelay $0x3  }
0x94: {  	_ =	strace s3  }
0x95: {  	s3 =	sld [smem:$0x3FFD];
	_ =	sdelay $0x3  }
0x96: {  	_ =	strace s3  }
0x97: {  	_ =	strace $0x8FFFFFFF  }
0x98: {  	s19 =	sld [smem:$0x3FDB];
	_ =	sdelay $0x1  }
0x99: {  	s4 =	simm.s32 $_scs_section_size  }
0x9a: {  	s5 =	simm.s32 $_size__tile_overlayer_lowered;
	s6 =	simm.s32 $_tile_overlayer_lowered  }
0x9b: {  	s22 =	simm.s32 $0x1BFF;
	s21 =	sshll.u32 s6, $0x1;
	s3 =	sadd.s32 s4, s19  }
0x9c: {  	s7 =	simm.s32 $0x0;
	s20 =	sshll.u32 s5, $0x1;
	s5 =	sadd.s32 s21, s3  }
0x9d: {  	[timem:s7], [sflag:s22] =	dma.local [hbm:s5], s20  }
0x9e: {  	_ =	swait.ge [sflag:s22], s20  }
0x9f: {  	s4 =	ssub.s32 $0x0, s20;
	[sflag:s22] =	ssyncset.done $0x0  }
0xa0: {  	[sflag:s22] =	ssyncadd.s32 s4;
	_ =	sdelay $0x1  }
0xa1: {  	s23 =	simm.s32 $0x1B8B  }
0xa2: {  	_ =	swait.ge [sflag:s23], $0x1  }
0xa3: {  	[sflag:s23] =	ssyncset.done $0x0  }
0xa4: {  	s25 =	simm.s32 $0x1B8E;
	s24 =	sld [smem:$0x3FFE];
	[sflag:s23] =	ssyncadd.s32 $0xFFFFFFFF  }
0xa5: {  	s26 =	simm.s32 $execute0_lowered;
	[smem:$0x3FD2] =	sst s25  }
0xa6: {  	s5 =	sshll.u32 s26, $0x1;
	_ =	strace $0x8000004C;
	[dreg:$0x1] =	wrdreg $0xFFFFFFFF  }
0xa7: {  	s28 =	simm.s32 $_size_execute0_lowered;
	s3 =	sadd.s32 s3, s5;
	[dreg:$0x0] =	wrdreg $0x0  }
0xa8: {  	s5 =	sshll.u32 s28, $0x1;
	[dreg:$0x2] =	wrdreg s3  }
0xa9: {  	[dreg:$0x3] =	wrdreg s5  }
0xaa: {  	[dreg:$0x4] =	wrdreg $0xC0  }
0xab: {  	_ =	task [dreg:s7], $0x5FFFF  }
0xac: {  	[dreg:$0x1] =	wrdreg $0xFFFFFFFF  }
0xad: {  	[dreg:$0x0] =	wrdreg $0x60  }
0xae: {  	[dreg:$0x2] =	wrdreg s2  }
0xaf: {  	[dreg:$0x3] =	wrdreg s24  }
0xb0: {  	[dreg:$0x4] =	wrdreg $0x84000  }
0xb1: {  	[dreg:$0x5] =	wrdreg $0x9  }
0xb2: {  	_ =	task.clear_ibuf [dreg:s7], $0x6FFFF;
	_ =	strace $0x9000004C  }
0xb3: {  	s29 =	simm.s32 $0x9;
	_ =	strace $0x8000004E  }
0xb4: {  	_ =	swait.ge [sflag:s29], $0x1  }
0xb5: {  	[sflag:s29] =	ssyncadd.s32 $0xFFFFFFFF  }
0xb6: {  	_ =	strace $0x9000004E  }
0xb7: {  	_ =	sfence  }
0xb8: {  	s30 =	sld [smem:$0x0];
	_ =	sdelay $0x2  }
0xb9: {  	s31 =	sshll.u32 s1, $0xD;
	s1 =	sshrl.u32 s1, $0x2  }
0xba: {  	s3 =	sand.u32 $0x4000, s31;
	s1 =	sadd.s32 s1, s30  }
0xbb: {  	s0 =	sor.u32 s3, s0;
	s1 =	sshll.u32 s1, $0x11  }
0xbc: {  	s0 =	sor.u32 s1, s0  }
0xbd: {  	s0 =	sadd.s32 $0x8F2B, s0  }
0xbe: {  	[sflag:s0] =	ssyncadd.remote.s32 $0x1  }
0xbf: {  	_ =	sfence.sel $0xFFFF  }
0xc0: {  	[dreg:$0x0] =	wrdreg $0xFFFFFFFF;
	(pc) =	sbr.abs _section_cstart, $3  }
0xc1: {  	[dreg:$0x1] =	wrdreg $0xFFFFFFFF  }
0xc2: {  	_ =	task.clear_ibuf [dreg:s7], $0x2FFFF;
	_ =	strace $0x9FFFFFFF  }
0xc3: {  	(tm) =	ssettm $0x7FFFFFFF  }
tec
execute0_lowered:
.L_overlay_start_1:
0x0: {  	(tag) =	ssettag $0x1  }
0x1: {  	s1 =	rddreg [dreg:$0x0]  }
0x2: {  	s0 =	rddreg [dreg:$0x1]  }
0x3: {  	s2 =	rddreg [dreg:$0x2];
	s3 =	srdreg.scid  }
0x4: {  	s4 =	simm.s32 $0x0;
	s11 =	stileid.u32;
	s28 =	simm.s32 $0x6  }
0x5: {  	s29 =	simm.s32 $0x4400;
	s30 =	simm.s32 $0x1;
	s6 =	smul.u32 $0x13C00, s11  }
0x6: {  	s31 =	simm.s32 $0x2;
	s3 =	sand.u32 $0x1, s3;
	s7 =	smul.u32 $0x4F000, s11  }
0x7: {  	[smem:$0x7FF] =	sst s4;
	s8 =	sadd.s32 $0xC200, s0;
	s5 =	smul.u32 $0x13C000, s3  }
0x8: {  	_ =	strace $0x8000004D;
	s15 =	sshll.u32 s3, $0x4;
	s9 =	ssub.s32 $0x2, s3  }
0x9: {  	s3 =	smul.u32 $0x50000, s3;
	s10 =	sshrl.u32 s9, $0x1;
	s16 =	sshrl.u32 s7, $0x2  }
0xa: {  	s5 =	sadd.s32 s6, s5;
	s6 =	sor.u32 s11, s15;
	s11 =	smul.u32 $0x5000, s11  }
0xb: {  	s9 =	ssub.s32 s9, s10;
	s10 =	simm.s32 $0x4;
	s5 =	sshrl.u32 s5, $0x3  }
0xc: {  	s6 =	smul.u32 $0x5000, s6;
	s21 =	smax.u32 s9, $0x1;
	s9 =	simm.s32 $0x380  }
0xd: {  	s0 =	sadd.s32 s5, s0;
	s5 =	sadd.s32 s16, s2;
	s3 =	sadd.s32 s11, s3  }
0xe: {  	[dreg:$0xa] =	wrdreg s21;
	s21 =	simm.s32 $0x9;
	s11 =	simm.s32 $0x0  }
0xf: {  	s6 =	sshrl.u32 s6, $0x3;
	s17 =	sadd.s32 $0x10000, s5;
	s0 =	sadd.s32 $0x20200, s0  }
0x10: {  	s20 =	sor.u32 $0x700, s3;
	s22 =	sadd.s32 $0x4000, s5;
	[dreg:$0x4] =	wrdreg s17  }
0x11: {  	s23 =	sadd.s32 $0x8000, s5;
	s24 =	sadd.s32 $0xC000, s5;
	[dreg:$0x9] =	wrdreg s0  }
0x12: {  	s25 =	sor.u32 $0x600, s3;
	s26 =	sor.u32 $0x500, s3;
	[dreg:$0xb] =	wrdreg s22  }
0x13: {  	s3 =	sor.u32 $0x400, s3;
	s6 =	sadd.s32 s8, s6;
	[dreg:$0xc] =	wrdreg s23  }
0x14: {  	s0 =	sshrl.u32 s20, $0x3;
	[dreg:$0xd] =	wrdreg s24;
	s3 =	sshrl.u32 s3, $0x3  }
0x15: {  	s20 =	simm.s32 $0x400;
	s22 =	simm.s32 $0x100;
	s23 =	simm.s32 $0x200  }
0x16: {  	s24 =	simm.s32 $0x300;
	s18 =	sadd.s32 $0x20, s6;
	[dreg:$0x5] =	wrdreg s6  }
0x17: {  	s19 =	sadd.s32 $0x40, s6;
	s6 =	sadd.s32 $0x60, s6;
	[dreg:$0x6] =	wrdreg s18  }
.Ltmp0:
0x18: {  	s16 =	sadd.s32 s0, s8;
	[dreg:$0x7] =	wrdreg s19;
	(pc) =	sbr.rel .LBB2_1-.Ltmp0, $4  }
0x19: {  	s0 =	sshrl.u32 s25, $0x3;
	s25 =	simm.s32 $0x5;
	[dreg:$0x8] =	wrdreg s6  }
0x1a: {  	s6 =	sshrl.u32 s26, $0x3;
	s17 =	sadd.s32 s0, s8;
	s19 =	sadd.s32 s3, s8  }
0x1b: {  	s26 =	simm.s32 $0x80;
	s0 =	simm.s32 $0x180;
	s3 =	simm.s32 $0x7  }
0x1c: {  	v0 =	vimm.f32 $0.0e+00;
	s18 =	sadd.s32 s6, s8;
	s6 =	simm.s32 $0x3;
	s8 =	simm.s32 $0x280  }
.LBB2_6:
0x1d: {  	_ =	swait.ge [sflag:s6], $0x4000  }
0x1e: {  	[sflag:s6] =	ssyncset.done $0x0  }
0x1f: {  	[sflag:s6] =	ssyncadd.s32 $0xFFFFC000  }
0x20: {  	_ =	swait.ge [sflag:s10], $0x4000  }
0x21: {  	[sflag:s10] =	ssyncset.done $0x0  }
0x22: {  	s7 =	stileid.u32;
	[sflag:s10] =	ssyncadd.s32 $0xFFFFC000  }
0x23: {  	s7 =	sshll.u32 s7, $0x6;
	[bflag:$0x0] =	sbarrier.arrive $0xFFFF  }
0x24: {  	s12 =	sshrl.u32 s5, $0x3;
	s7 =	sor.u32 $0x1C09, s7;
	s13 =	rddreg [dreg:$0x9]  }
0x25: {  	[hbm:s13], [sflag:s7] =	dma.local [spmem:s12], $0x2780  }
0x26: {  	_ =	swait.ge [sflag:s21], $0x2780  }
0x27: {  	s11 =	sadd.s32 $0x1, s11;
	s15 =	rddreg [dreg:$0xa]  }
0x28: {  	p0 =	sne.s32 s11, s15  }
.Ltmp1:
0x29: {  	_ = 	snop;
	(pc) =	sbr.rel @!p0 .LBB2_7-.Ltmp1, $3  }
0x2a: {  	_ =	sdelay $0x1  }
0x2b: {  	[sflag:s21] =	ssyncset.done $0x0  }
0x2c: {  	[sflag:s21] =	ssyncadd.s32 $0xFFFFD880  }
.LBB2_1:
0x2d: {  	s12 =	sand.u32 $0xFE00, s4  }
0x2e: {  	s13 =	sand.u32 $0x70, s4;
	s14 =	sshrl.u32 s12, $0x2  }
0x2f: {  	s12 =	simm.s32 $0x40;
	s14 =	sor.u32 s13, s14;
	s13 =	simm.s32 $0x0  }
.LBB2_2:
0x30: {  	p0 =	sne.s32 s12, $0xFFC0  }
0x31: {  	[tilespmem:s14+$0x400] =	vst v0;
	s13 =	sadd.s32 $0x10, s13;
	s14 =	smov.u32 s12;
	s12 =	sadd.s32 $0x40, s12  }
.Ltmp2:
0x32: {  	(pc) =	sbr.rel @p0 .LBB2_2-.Ltmp2, $4  }
0x33: {  	_ = 	snop  }
0x34: {  	s14 =	sand.u32 $0xFE00, s14  }
0x35: {  	s15 =	sand.u32 $0x70, s13;
	s14 =	sshrl.u32 s14, $0x2  }
0x36: {  	s14 =	sor.u32 s15, s14  }
0x37: {  	[tilespmem:s14+$0x400] =	vst v0  }
0x38: {  	[spmem:s5] =	stream.linear.scatter [tilespmem:s20], [sflag:$0x9], $0x4000, $0x38;
	[tilespmem:$0x1C000] =	vst v63  }
0x39: {  	_ =	swait.ge [sflag:s21], $0x4000  }
0x3a: {  	[sflag:s21] =	ssyncset.done $0x0  }
0x3b: {  	s7 =	rddreg [dreg:$0xb];
	[sflag:s21] =	ssyncadd.s32 $0xFFFFC000  }
0x3c: {  	[spmem:s7] =	stream.linear.scatter [tilespmem:s20], [sflag:$0x9], $0x4000, $0x38;
	[tilespmem:$0x1C000] =	vst v63  }
0x3d: {  	_ =	swait.ge [sflag:s21], $0x4000  }
0x3e: {  	[sflag:s21] =	ssyncset.done $0x0  }
0x3f: {  	s12 =	rddreg [dreg:$0xc];
	[sflag:s21] =	ssyncadd.s32 $0xFFFFC000  }
0x40: {  	[spmem:s12] =	stream.linear.scatter [tilespmem:s20], [sflag:$0x9], $0x4000, $0x38;
	[tilespmem:$0x1C000] =	vst v63  }
0x41: {  	_ =	swait.ge [sflag:s21], $0x4000  }
0x42: {  	[sflag:s21] =	ssyncset.done $0x0  }
0x43: {  	s13 =	rddreg [dreg:$0xd];
	[sflag:s21] =	ssyncadd.s32 $0xFFFFC000  }
0x44: {  	[spmem:s13] =	stream.linear.scatter [tilespmem:s20], [sflag:$0x9], $0x4000, $0x38;
	[tilespmem:$0x1C000] =	vst v63  }
0x45: {  	_ =	swait.ge [sflag:s21], $0x4000  }
0x46: {  	[sflag:s21] =	ssyncset.done $0x0  }
0x47: {  	s14 =	rddreg [dreg:$0x4];
	[sflag:s21] =	ssyncadd.s32 $0xFFFFC000  }
0x48: {  	[spmem:s14] =	stream.linear.scatter [tilespmem:s20], [sflag:$0x9], $0x3C00, $0x38;
	[tilespmem:$0x1C000] =	vst v63  }
0x49: {  	_ =	swait.ge [sflag:s21], $0x3C00  }
0x4a: {  	[sflag:s21] =	ssyncset.done $0x0  }
0x4b: {  	[sflag:s21] =	ssyncadd.s32 $0xFFFFC400  }
0x4c: {  	[bflag:$0x0] =	sbarrier.arrive $0xFFFF  }
0x4d: {  	s12 =	simm.s32 $0x0;
	s15 =	rddreg [dreg:$0x5]  }
0x4e: {  	[tilespmem:s12], [sflag:$0x5] =	stream.linear.gather [hbm4b:s15+s12], $0x100, $0x38;
	[tilespmem:$0x1C000] =	vst v63  }
0x4f: {  	s13 =	rddreg [dreg:$0x6]  }
0x50: {  	[tilespmem:s22], [sflag:$0x6] =	stream.linear.gather [hbm4b:s13+s12], $0x100, $0x38;
	[tilespmem:$0x1C000] =	vst v63  }
0x51: {  	s14 =	rddreg [dreg:$0x7]  }
0x52: {  	[tilespmem:s23], [sflag:$0x7] =	stream.linear.gather [hbm4b:s14+s12], $0x100, $0x38;
	[tilespmem:$0x1C000] =	vst v63  }
0x53: {  	s15 =	rddreg [dreg:$0x8]  }
0x54: {  	[tilespmem:s24], [sflag:$0x8] =	stream.linear.gather [hbm4b:s15+s12], $0x100, $0x38;
	[tilespmem:$0x1C000] =	vst v63  }
0x55: {  	_ =	swait.ge [sflag:s25], $0x100  }
0x56: {  	[sflag:s25] =	ssyncset.done $0x0  }
0x57: {  	[sflag:s25] =	ssyncadd.s32 $0xFFFFFF00  }
0x58: {  	[tilespmem:s20], [sflag:$0x1] =	stream.indirect.gather [hbm4b:s1+s26], $0x80, s12, s26, $0xb8;
	[tilespmem:$0x1C000] =	vst v63  }
0x59: {  	_ =	swait.ge [sflag:s28], $0x100  }
0x5a: {  	[sflag:s28] =	ssyncset.done $0x0  }
0x5b: {  	[sflag:s28] =	ssyncadd.s32 $0xFFFFFF00  }
0x5c: {  	[tilespmem:s29], [sflag:$0x2] =	stream.indirect.gather [hbm4b:s1+s26], $0x80, s22, s26, $0xb8;
	[tilespmem:$0x1C000] =	vst v63  }
.LBB2_4:
0x5d: {  	_ =	swait.ge [sflag:s30], $0x4000  }
0x5e: {  	[sflag:s30] =	ssyncset.done $0x0  }
0x5f: {  	[sflag:s30] =	ssyncadd.s32 $0xFFFFC000  }
0x60: {  	[spmem:s2] =	stream.indirect.scatter.add.f32 [tilespmem:s20], [sflag:$0x3], $0x80, s26, s26, $0xb8;
	[tilespmem:$0x1C000] =	vst v63  }
0x61: {  	_ =	swait.ge [sflag:s31], $0x4000  }
0x62: {  	[sflag:s31] =	ssyncset.done $0x0  }
0x63: {  	[sflag:s31] =	ssyncadd.s32 $0xFFFFC000  }
0x64: {  	[spmem:s2] =	stream.indirect.scatter.add.f32 [tilespmem:s29], [sflag:$0x4], $0x80, s0, s26, $0xb8;
	[tilespmem:$0x1C000] =	vst v63  }
0x65: {  	_ =	swait.ge [sflag:s3], $0x100  }
0x66: {  	[sflag:s3] =	ssyncset.done $0x0  }
0x67: {  	[sflag:s3] =	ssyncadd.s32 $0xFFFFFF00  }
0x68: {  	_ =	swait.ge [sflag:s6], $0x4000  }
0x69: {  	p0 =	seq.s32 s12, $0x980;
	[sflag:s6] =	ssyncset.done $0x0  }
0x6a: {  	s13 =	simm.s32 @p0 $0x8;
	[sflag:s6] =	ssyncadd.s32 $0xFFFFC000  }
0x6b: {  	[tilespmem:s20], [sflag:$0x1] =	stream.indirect.gather [hbm4b:s1+s26], $0x80, s23, s26, $0xb8;
	[tilespmem:$0x1C000] =	vst v63  }
0x6c: {  	_ =	swait.ge @p0 [sflag:s13], $0x100  }
0x6d: {  	[sflag:s13] =	ssyncset.done @p0 $0x0  }
0x6e: {  	[sflag:s13] =	ssyncadd.s32 @p0 $0xFFFFFF00;
	s13 =	simm.s32 @p0 $0x4  }
0x6f: {  	_ =	swait.ge @p0 [sflag:s13], $0x4000  }
0x70: {  	s14 =	simm.s32 @p0 $0x300;
	[sflag:s13] =	ssyncset.done @p0 $0x0  }
0x71: {  	s15 =	simm.s32 @p0 $0x4400;
	[sflag:s13] =	ssyncadd.s32 @p0 $0xFFFFC000;
	s13 =	simm.s32 @p0 $0x80  }
0x72: {  	[tilespmem:s15], [sflag:$0x2] =	stream.indirect.gather @p0 [hbm4b:s1+s13], $0x80, s14, s13, $0xb8;
	[tilespmem:$0x1C000] =	vst v63  }
0x73: {  	s13 =	sadd.s32 @!p0 s12, s19;
	s14 =	simm.s32 @!p0 $0x0  }
0x74: {  	[tilespmem:s14], [sflag:$0x5] =	stream.linear.gather @!p0 [hbm4b:s13+s14], $0x100, $0x38;
	[tilespmem:$0x1C000] =	vst v63  }
0x75: {  	s13 =	simm.s32 @!p0 $0x8  }
0x76: {  	_ =	swait.ge @!p0 [sflag:s13], $0x100  }
0x77: {  	[sflag:s13] =	ssyncset.done @!p0 $0x0  }
0x78: {  	[sflag:s13] =	ssyncadd.s32 @!p0 $0xFFFFFF00;
	s13 =	simm.s32 @!p0 $0x4  }
0x79: {  	_ =	swait.ge @!p0 [sflag:s13], $0x4000  }
0x7a: {  	s7 =	simm.s32 @!p0 $0x4400;
	[sflag:s13] =	ssyncset.done @!p0 $0x0  }
0x7b: {  	s15 =	simm.s32 @!p0 $0x300;
	[sflag:s13] =	ssyncadd.s32 @!p0 $0xFFFFC000;
	s13 =	simm.s32 @!p0 $0x80  }
0x7c: {  	[tilespmem:s7], [sflag:$0x2] =	stream.indirect.gather @!p0 [hbm4b:s1+s13], $0x80, s15, s13, $0xb8;
	[tilespmem:$0x1C000] =	vst v63  }
0x7d: {  	s7 =	sadd.s32 @!p0 s12, s18;
	s13 =	simm.s32 @!p0 $0x100  }
0x7e: {  	[tilespmem:s13], [sflag:$0x6] =	stream.linear.gather @!p0 [hbm4b:s7+s14], $0x100, $0x38;
	[tilespmem:$0x1C000] =	vst v63  }
0x7f: {  	_ =	swait.ge [sflag:s30], $0x4000  }
0x80: {  	[sflag:s30] =	ssyncset.done $0x0  }
0x81: {  	[sflag:s30] =	ssyncadd.s32 $0xFFFFC000  }
0x82: {  	[spmem:s2] =	stream.indirect.scatter.add.f32 [tilespmem:s20], [sflag:$0x3], $0x80, s8, s26, $0xb8;
	[tilespmem:$0x1C000] =	vst v63  }
.Ltmp3:
0x83: {  	_ = 	snop;
	(pc) =	sbr.rel @p0 .LBB2_6-.Ltmp3, $4  }
0x84: {  	_ =	swait.ge [sflag:s31], $0x4000  }
0x85: {  	[sflag:s31] =	ssyncset.done $0x0  }
0x86: {  	[sflag:s31] =	ssyncadd.s32 $0xFFFFC000  }
0x87: {  	[spmem:s2] =	stream.indirect.scatter.add.f32 [tilespmem:s29], [sflag:$0x4], $0x80, s9, s26, $0xb8;
	[tilespmem:$0x1C000] =	vst v63  }
0x88: {  	_ =	swait.ge [sflag:s25], $0x100  }
0x89: {  	[sflag:s25] =	ssyncset.done $0x0  }
0x8a: {  	[sflag:s25] =	ssyncadd.s32 $0xFFFFFF00  }
0x8b: {  	_ =	swait.ge [sflag:s6], $0x4000  }
0x8c: {  	[sflag:s6] =	ssyncset.done $0x0  }
0x8d: {  	[sflag:s6] =	ssyncadd.s32 $0xFFFFC000  }
0x8e: {  	[tilespmem:s20], [sflag:$0x1] =	stream.indirect.gather [hbm4b:s1+s26], $0x80, s4, s26, $0xb8;
	[tilespmem:$0x1C000] =	vst v63  }
0x8f: {  	s7 =	sadd.s32 s12, s17  }
0x90: {  	[tilespmem:s23], [sflag:$0x7] =	stream.linear.gather [hbm4b:s7+s4], $0x100, $0x38;
	[tilespmem:$0x1C000] =	vst v63  }
0x91: {  	_ =	swait.ge [sflag:s28], $0x100  }
0x92: {  	[sflag:s28] =	ssyncset.done $0x0  }
0x93: {  	[sflag:s28] =	ssyncadd.s32 $0xFFFFFF00  }
0x94: {  	_ =	swait.ge [sflag:s10], $0x4000  }
.Ltmp4:
0x95: {  	[sflag:s10] =	ssyncset.done $0x0;
	(pc) =	sbr.rel .LBB2_4-.Ltmp4, $4  }
0x96: {  	[sflag:s10] =	ssyncadd.s32 $0xFFFFC000  }
0x97: {  	[tilespmem:s29], [sflag:$0x2] =	stream.indirect.gather [hbm4b:s1+s26], $0x80, s22, s26, $0xb8;
	[tilespmem:$0x1C000] =	vst v63  }
0x98: {  	s15 =	sadd.s32 s12, s16;
	s12 =	sadd.s32 $0x80, s12  }
0x99: {  	[tilespmem:s24], [sflag:$0x8] =	stream.linear.gather [hbm4b:s15+s4], $0x100, $0x38;
	[tilespmem:$0x1C000] =	vst v63  }
.LBB2_7:
0x9a: {  	_ =	sfence.sel $0x180000  }
0x9b: {  	[bflag:$0x0] =	sbarrier.arrive $0xFFFF  }
0x9c: {  	_ =	strace $0x9000004D  }
0x9d: {  	s0 =	stileid.u32;
	[bflag:$0x2] =	sbarrier.arrive $0xFFFF  }
0x9e: {  	p0 =	sne.s32 s0, $0x0;
	s0 =	rddreg [dreg:$0x3]  }
0x9f: {  	s0 =	sadd.s32 @!p0 $0x100000, s0  }
0xa0: {  	[sflag:s0] =	ssyncadd.tile.s32 @!p0 $0x1;
	_ =	shalt  }
.Lfunc_end2:
_tile_overlayer_lowered:
.L_overlay_start_2:
0xa1: {  	(tag) =	ssettag $0x2  }
0xa2: {  	s0 =	rddreg [dreg:$0x0];
	s2 =	stileid.u32  }
0xa3: {  	s1 =	rddreg [dreg:$0x1];
	p0 =	sne.s32 s2, $0x0  }
0xa4: {  	s3 =	rddreg [dreg:$0x2];
	[bflag:$0x3] =	sbarrier.arrive $0xFFFF;
	s2 =	simm.s32 @!p0 $0x1C09  }
0xa5: {  	[timem:s3], [sflag:s2] =	dma.local @!p0 [hbm:s0], s1  }
0xa6: {  	s0 =	simm.s32 @!p0 $0x9  }
0xa7: {  	_ =	swait.ge @!p0 [sflag:s0], s1  }
0xa8: {  	s1 =	ssub.s32 @!p0 $0x0, s1;
	[sflag:s0] =	ssyncset.done @!p0 $0x0  }
0xa9: {  	[sflag:s0] =	ssyncadd.s32 @!p0 s1  }
0xaa: {  	[bflag:$0x3] =	sbarrier.arrive $0xFFFF  }
0xab: {  	_ =	shalt  }

// kernel: kernel.9.cloned.1.call-start
scs
__scs_entry_jumppad:
0x0: {  	(pc) =	sbr.rel $0x88, $3  }
0x1: {  	(tag) =	ssettag $0x0;
	lr =	simm.s32 $0x1  }
0x2: {  	[smem:$0x3F9B] =	sst lr;
	_ =	strace $0xD0000000  }
0x3: {  	_ = 	snop  }
0x4: {  	_ = 	snop  }
0x5: {  	_ = 	snop  }
0x6: {  	_ = 	snop  }
0x7: {  	_ = 	snop  }
__scs_overlays_trampoline_lowered:
0x8: {  	[smem:$0x3FAA] =	sst s0  }
0x9: {  	[smem:$0x3FAB] =	sst s1  }
0xa: {  	[smem:$0x3FAC] =	sst s2  }
0xb: {  	[smem:$0x3FAD] =	sst s3  }
0xc: {  	[smem:$0x3FAE] =	sst s4  }
0xd: {  	[smem:$0x3FAF] =	sst s5  }
0xe: {  	[smem:$0x3FB0] =	sst s6  }
0xf: {  	[smem:$0x3FB1] =	sst s7  }
0x10: {  	[smem:$0x3FB2] =	sst s8  }
0x11: {  	[smem:$0x3FB3] =	sst s9;
	s0 =	simm.s32 @!p0 $0x0  }
0x12: {  	s1 =	sld [smem:$0x3F99];
	s0 =	simm.s32 @p0 $0x1  }
0x13: {  	[smem:$0x3FB4] =	sst s0;
	s0 =	simm.s32 @!p1 $0x0  }
0x14: {  	s2 =	sld [smem:$0x3F98];
	s0 =	simm.s32 @p1 $0x1  }
0x15: {  	[smem:$0x3FB5] =	sst s0;
	s0 =	simm.s32 @!p2 $0x0  }
0x16: {  	s3 =	sld [smem:$0x3FDB];
	s0 =	simm.s32 @p2 $0x1  }
0x17: {  	s4 =	simm.s32 $0x1BF5;
	[smem:$0x3FB7] =	sst s0  }
0x18: {  	s0 =	sld [smem:$0x3F9A];
	_ =	swait.ge [sflag:s4], $0x0  }
0x19: {  	s7 =	sld [smem:$0x3F9B]  }
0x1a: {  	s8 =	sadd.s32 $0xFFFFE003, lr  }
0x1b: {  	s9 =	sadd.s32 $0xFFFFFEF7, lr;
	s5 =	simm.s32 $0xFFFFFFFF;
	p2 =	slt.u32 s8, $0xFFFFF086  }
0x1c: {  	p1 =	slt.u32 s9, $0xF7A;
	s5 =	simm.s32 @!p2 $0x0  }
0x1d: {  	s5 =	simm.s32 @p1 $0x1;
	p0 =	seq.s32 s7, s2  }
0x1e: {  	s7 =	smul.u32 @!p0 $0xF7A, s2;
	p2 =	seq.s32 @!p0 s5, $0x0  }
0x1f: {  	s9 =	smul.u32 $0xF7A, s1;
	s8 =	simm.s32 @!p0 $0x1BF5;
	p2 =	por !p2, p0  }
0x20: {  	[sflag:s8] =	ssyncset.s32 @!p0 $0xFFFFF086;
	s6 =	sadd.s32 @!p0 s3, s7;
	s7 =	simm.s32 @!p0 $0x108  }
0x21: {  	s3 =	sadd.s32 s3, s9;
	s6 =	sadd.s32 @!p0 $0x88, s6;
	s7 =	simm.s32 @p2 $0x1082  }
0x22: {  	[simem:s7], [sflag:s8] =	dma.local @!p0 [hbm:s6], $0xF7A  }
0x23: {  	s9 =	sor.u32 $0xD0000000, s2;
	s6 =	simm.s32 $0x108;
	_ =	swait.ge @!p0 [sflag:s8], $0x0  }
0x24: {  	s3 =	sadd.s32 $0x88, s3;
	s6 =	simm.s32 @!p1 $0x1082;
	[sflag:s4] =	ssyncset.s32 $0xFFFFF086  }
0x25: {  	[simem:s6], [sflag:s4] =	dma.local [hbm:s3], $0xF7A  }
0x26: {  	[smem:$0x3F9B] =	sst s1;
	(tag) =	ssettag s2;
	_ =	strace s9  }
0x27: {  	s1 =	sld [smem:$0x3FAB]  }
0x28: {  	s2 =	sld [smem:$0x3FAC]  }
0x29: {  	s4 =	sld [smem:$0x3FAE]  }
0x2a: {  	p0 =	seq.s32 s5, $0x0;
	s5 =	sld [smem:$0x3FAF]  }
0x2b: {  	s6 =	sld [smem:$0x3FB0]  }
0x2c: {  	s7 =	sld [smem:$0x3FB1]  }
0x2d: {  	s3 =	simm.s32 $0x108;
	s8 =	sld [smem:$0x3FB2]  }
0x2e: {  	s3 =	simm.s32 @!p0 $0x1082;
	s9 =	sld [smem:$0x3FB3]  }
0x2f: {  	lr =	sadd.s32 s0, s3;
	s0 =	sld [smem:$0x3FAA]  }
0x30: {  	s3 =	sld [smem:$0x3FAD]  }
0x31: {  	[smem:$0x3FB6] =	sst s10  }
0x32: {  	s10 =	sld [smem:$0x3FB4];
	_ =	sdelay $0x3  }
0x33: {  	p0 =	seq.s32 s10, $0x1;
	s10 =	sld [smem:$0x3FB6];
	_ =	sdelay $0x3  }
0x34: {  	[smem:$0x3FB6] =	sst s10  }
0x35: {  	s10 =	sld [smem:$0x3FB5];
	_ =	sdelay $0x3  }
0x36: {  	p1 =	seq.s32 s10, $0x1;
	s10 =	sld [smem:$0x3FB6];
	_ =	sdelay $0x3  }
0x37: {  	[smem:$0x3FB6] =	sst s10  }
0x38: {  	s10 =	sld [smem:$0x3FB7]  }
0x39: {  	_ = 	snop;
	(pc) =	sbr.ind lr, $3  }
0x3a: {  	_ = 	snop  }
0x3b: {  	_ = 	snop  }
0x3c: {  	p2 =	seq.s32 s10, $0x1;
	s10 =	sld [smem:$0x3FB6]  }
0x3d: {  	_ =	shalt  }
0x3e: {  	_ =	shalt  }
0x3f: {  	_ =	shalt  }
0x40: {  	_ =	shalt  }
0x41: {  	_ =	shalt  }
0x42: {  	_ =	shalt  }
0x43: {  	_ =	shalt  }
0x44: {  	_ =	shalt  }
0x45: {  	_ =	shalt  }
0x46: {  	_ =	shalt  }
0x47: {  	_ =	shalt  }
0x48: {  	_ =	shalt  }
0x49: {  	_ =	shalt  }
0x4a: {  	_ =	shalt  }
0x4b: {  	_ =	shalt  }
0x4c: {  	_ =	shalt  }
0x4d: {  	_ =	shalt  }
0x4e: {  	_ =	shalt  }
0x4f: {  	_ =	shalt  }
0x50: {  	_ =	shalt  }
0x51: {  	_ =	shalt  }
0x52: {  	_ =	shalt  }
0x53: {  	_ =	shalt  }
0x54: {  	_ =	shalt  }
0x55: {  	_ =	shalt  }
0x56: {  	_ =	shalt  }
0x57: {  	_ =	shalt  }
0x58: {  	_ =	shalt  }
0x59: {  	_ =	shalt  }
0x5a: {  	_ =	shalt  }
0x5b: {  	_ =	shalt  }
0x5c: {  	_ =	shalt  }
0x5d: {  	_ =	shalt  }
0x5e: {  	_ =	shalt  }
0x5f: {  	_ =	shalt  }
0x60: {  	_ =	shalt  }
0x61: {  	_ =	shalt  }
0x62: {  	_ =	shalt  }
0x63: {  	_ =	shalt  }
0x64: {  	_ =	shalt  }
0x65: {  	_ =	shalt  }
0x66: {  	_ =	shalt  }
0x67: {  	_ =	shalt  }
0x68: {  	_ =	shalt  }
0x69: {  	_ =	shalt  }
0x6a: {  	_ =	shalt  }
0x6b: {  	_ =	shalt  }
0x6c: {  	_ =	shalt  }
0x6d: {  	_ =	shalt  }
0x6e: {  	_ =	shalt  }
0x6f: {  	_ =	shalt  }
0x70: {  	_ =	shalt  }
0x71: {  	_ =	shalt  }
0x72: {  	_ =	shalt  }
0x73: {  	_ =	shalt  }
0x74: {  	_ =	shalt  }
0x75: {  	_ =	shalt  }
0x76: {  	_ =	shalt  }
0x77: {  	_ =	shalt  }
0x78: {  	_ =	shalt  }
0x79: {  	_ =	shalt  }
0x7a: {  	_ =	shalt  }
0x7b: {  	_ =	shalt  }
0x7c: {  	_ =	shalt  }
0x7d: {  	_ =	shalt  }
0x7e: {  	_ =	shalt  }
0x7f: {  	_ =	shalt  }
0x80: {  	_ =	shalt  }
0x81: {  	_ =	shalt  }
0x82: {  	_ =	shalt  }
0x83: {  	_ =	shalt  }
0x84: {  	_ =	shalt  }
0x85: {  	_ =	shalt  }
0x86: {  	_ =	shalt  }
0x87: {  	_ =	shalt  }
.Lfunc_end0:
.L_simem_size_0:
called_computation_lowered:
.L_overlay_start_0:
0x88: {  	s2 =	sld [smem:$0x3FD9]  }
0x89: {  	s3 =	sld [smem:$0x3FFE];
	_ =	sdelay $0x1  }
0x8a: {  	s1 =	srdreg.scid  }
0x8b: {  	s0 =	sand.u32 $0x1, s1  }
0x8c: {  	s17 =	sshll.u32 s0, $0xA;
	s2 =	sadd.s32 s3, s2  }
0x8d: {  	s2 =	sadd.s32 s2, s17  }
0x8e: {  	[smem:$0x3FC2] =	sst s2  }
0x8f: {  	_ = 	snop  }
0x90: {  	s2 =	sld [smem:$0x3FD0];
	(tm) =	ssettm $0x1  }
0x91: {  	s18 =	sld [smem:$0x3FFB];
	_ =	sdelay $0x3  }
0x92: {  	_ =	strace s18  }
0x93: {  	s3 =	sld [smem:$0x3FFC];
	_ =	sdelay $0x3  }
0x94: {  	_ =	strace s3  }
0x95: {  	s3 =	sld [smem:$0x3FFD];
	_ =	sdelay $0x3  }
0x96: {  	_ =	strace s3  }
0x97: {  	_ =	strace $0x8FFFFFFF  }
0x98: {  	s19 =	sld [smem:$0x3FDB];
	_ =	sdelay $0x1  }
0x99: {  	s4 =	simm.s32 $_scs_section_size  }
0x9a: {  	s5 =	simm.s32 $_size__tile_overlayer_lowered;
	s6 =	simm.s32 $_tile_overlayer_lowered  }
0x9b: {  	s22 =	simm.s32 $0x1BFF;
	s21 =	sshll.u32 s6, $0x1;
	s3 =	sadd.s32 s4, s19  }
0x9c: {  	s7 =	simm.s32 $0x0;
	s20 =	sshll.u32 s5, $0x1;
	s5 =	sadd.s32 s21, s3  }
0x9d: {  	[timem:s7], [sflag:s22] =	dma.local [hbm:s5], s20  }
0x9e: {  	_ =	swait.ge [sflag:s22], s20  }
0x9f: {  	s4 =	ssub.s32 $0x0, s20;
	[sflag:s22] =	ssyncset.done $0x0  }
0xa0: {  	[sflag:s22] =	ssyncadd.s32 s4;
	_ =	sdelay $0x1  }
0xa1: {  	s23 =	simm.s32 $0x1B8B  }
0xa2: {  	_ =	swait.ge [sflag:s23], $0x1  }
0xa3: {  	[sflag:s23] =	ssyncset.done $0x0  }
0xa4: {  	s25 =	simm.s32 $0x1B8E;
	s24 =	sld [smem:$0x3FFE];
	[sflag:s23] =	ssyncadd.s32 $0xFFFFFFFF  }
0xa5: {  	s26 =	simm.s32 $execute0_lowered;
	[smem:$0x3FD2] =	sst s25  }
0xa6: {  	s5 =	sshll.u32 s26, $0x1;
	_ =	strace $0x80000046;
	[dreg:$0x1] =	wrdreg $0xFFFFFFFF  }
0xa7: {  	s28 =	simm.s32 $_size_execute0_lowered;
	s3 =	sadd.s32 s3, s5;
	[dreg:$0x0] =	wrdreg $0x0  }
0xa8: {  	s5 =	sshll.u32 s28, $0x1;
	[dreg:$0x2] =	wrdreg s3  }
0xa9: {  	[dreg:$0x3] =	wrdreg s5  }
0xaa: {  	[dreg:$0x4] =	wrdreg $0xC0  }
0xab: {  	_ =	task [dreg:s7], $0x5FFFF  }
0xac: {  	[dreg:$0x1] =	wrdreg $0xFFFFFFFF  }
0xad: {  	[dreg:$0x0] =	wrdreg $0x60  }
0xae: {  	[dreg:$0x2] =	wrdreg s2  }
0xaf: {  	[dreg:$0x3] =	wrdreg s24  }
0xb0: {  	[dreg:$0x4] =	wrdreg $0x9  }
0xb1: {  	_ =	task.clear_ibuf [dreg:s7], $0x5FFFF;
	_ =	strace $0x90000046  }
0xb2: {  	s29 =	simm.s32 $0x9;
	_ =	strace $0x80000048  }
0xb3: {  	_ =	swait.ge [sflag:s29], $0x1  }
0xb4: {  	[sflag:s29] =	ssyncadd.s32 $0xFFFFFFFF  }
0xb5: {  	_ =	strace $0x90000048  }
0xb6: {  	_ =	sfence  }
0xb7: {  	s30 =	sld [smem:$0x0];
	_ =	sdelay $0x2  }
0xb8: {  	s31 =	sshll.u32 s1, $0xD;
	s1 =	sshrl.u32 s1, $0x2  }
0xb9: {  	s3 =	sand.u32 $0x4000, s31;
	s1 =	sadd.s32 s1, s30  }
0xba: {  	s0 =	sor.u32 s3, s0;
	s1 =	sshll.u32 s1, $0x11  }
0xbb: {  	s0 =	sor.u32 s1, s0  }
0xbc: {  	s0 =	sadd.s32 $0x8F2B, s0  }
0xbd: {  	[sflag:s0] =	ssyncadd.remote.s32 $0x1  }
0xbe: {  	_ =	sfence.sel $0xFFFF  }
0xbf: {  	[dreg:$0x0] =	wrdreg $0xFFFFFFFF;
	(pc) =	sbr.abs _section_cstart, $3  }
0xc0: {  	[dreg:$0x1] =	wrdreg $0xFFFFFFFF  }
0xc1: {  	_ =	task.clear_ibuf [dreg:s7], $0x2FFFF;
	_ =	strace $0x9FFFFFFF  }
0xc2: {  	(tm) =	ssettm $0x7FFFFFFF  }
0xc3: {  	_ =	shalt  }
tec
execute0_lowered:
.L_overlay_start_1:
0x0: {  	(tag) =	ssettag $0x1  }
0x1: {  	s0 =	srdreg.scid  }
0x2: {  	s3 =	sand.u32 $0x1, s0  }
0x3: {  	s4 =	rddreg [dreg:$0x0];
	s0 =	stileid.u32;
	s1 =	sshll.u32 s3, $0x4  }
0x4: {  	s6 =	rddreg [dreg:$0x1];
	s2 =	simm.s32 $0x0;
	s1 =	sor.u32 s0, s1  }
0x5: {  	s8 =	simm.s32 $0x2780;
	s9 =	simm.s32 $0x1;
	s1 =	sshrl.u32 s1, $0x3  }
0x6: {  	s10 =	simm.s32 $0x0;
	s30 =	sshll.u32 s0, $0x7;
	s5 =	smul.u32 $0x13C00, s1  }
0x7: {  	[smem:$0x7FF] =	sst s2;
	s3 =	ssub.s32 $0x2, s3;
	s7 =	sand.u32 $0x380, s30  }
0x8: {  	s31 =	sshrl.u32 s3, $0x1;
	s1 =	rddreg [dreg:$0x2];
	s5 =	sor.u32 s7, s5  }
0x9: {  	_ =	strace $0x80000047;
	s7 =	ssub.s32 s3, s31;
	s5 =	sshrl.u32 s5, $0x3  }
0xa: {  	s6 =	sadd.s32 s5, s6;
	s3 =	sadd.s32 s4, s5;
	s5 =	smax.u32 s7, $0x1  }
0xb: {  	v0 =	vimm.f32 $0.0e+00;
	v1 =	vimm.f32 $1.000000000e+00;
	s7 =	simm.s32 $0x400;
	s4 =	sadd.s32 $0x2400, s6;
	s6 =	simm.s32 $0x80  }
.LBB2_1:
0xc: {  	s11 =	simm.s32 $0x40;
	s12 =	simm.s32 $0x0  }
.LBB2_2:
0xd: {  	p0 =	sne.s32 s11, $0x9C00;
	[tilespmem:s12+$0x0] =	vst v0;
	s12 =	smov.u32 s11;
	s11 =	sadd.s32 $0x40, s11  }
.Ltmp0:
0xe: {  	(pc) =	sbr.rel @p0 .LBB2_2-.Ltmp0, $2  }
0xf: {  	_ =	sdelay $0x2  }
0x10: {  	s12 =	sshra.s32 s12, $0x2  }
0x11: {  	[tilespmem:s12+$0x0] =	vst v0  }
0x12: {  	[tilespmem:s8], [sflag:$0x1] =	stream.strided.gather [hbm4b:s3+s6], $0x2780, s7, s6, $0x38;
	[tilespmem:$0x4F00] =	vst v63  }
0x13: {  	_ =	swait.ge [sflag:s9], $0x2780  }
0x14: {  	[sflag:s9] =	ssyncset.done $0x0  }
0x15: {  	s12 =	simm.s32 $0x0;
	s11 =	simm.s32 $0x40;
	[sflag:s9] =	ssyncadd.s32 $0xFFFFD880  }
.LBB2_4:
0x16: {  	p0 =	sne.s32 s11, $0x9C00;
	v2 =	vld [tilespmem:s12+$0x2780];
	_ =	sdelay $0x3  }
.Ltmp1:
0x17: {  	(pc) =	sbr.rel @p0 .LBB2_4-.Ltmp1, $2  }
0x18: {  	_ =	sdelay $0x2  }
0x19: {  	s12 =	sshra.s32 s11, $0x2;
	s11 =	sadd.s32 $0x40, s11;
	[tilespmem:v2+s2+$0x0] =	vst.idx.add.f32.msk $0xffff, v1  }
0x1a: {  	v2 =	vld [tilespmem:s12+$0x2780];
	_ =	sdelay $0x5  }
0x1b: {  	s10 =	sadd.s32 $0x1, s10  }
0x1c: {  	p0 =	sne.s32 s10, s5  }
.Ltmp2:
0x1d: {  	[tilespmem:v2+s2+$0x0] =	vst.idx.add.f32.msk $0xffff, v1;
	(pc) =	sbr.rel @p0 .LBB2_1-.Ltmp2, $4  }
0x1e: {  	[hbm4b:s4+s6] =	stream.strided.scatter [tilespmem:s2], [sflag:$0x1], $0x2780, s7, s6, $0x38;
	[tilespmem:$0x4F00] =	vst v63  }
0x1f: {  	_ =	swait.ge [sflag:s9], $0x2780  }
0x20: {  	[sflag:s9] =	ssyncset.done $0x0  }
0x21: {  	[sflag:s9] =	ssyncadd.s32 $0xFFFFD880  }
0x22: {  	_ =	sfence.sel $0x180000  }
0x23: {  	[bflag:$0x0] =	sbarrier.arrive $0xFFFF  }
0x24: {  	p0 =	sne.s32 s0, $0x0;
	_ =	strace $0x90000047  }
0x25: {  	s0 =	sadd.s32 @!p0 $0x100000, s1;
	[bflag:$0x2] =	sbarrier.arrive $0xFFFF  }
0x26: {  	[sflag:s0] =	ssyncadd.tile.s32 @!p0 $0x1;
	_ =	shalt  }
.Lfunc_end2:
_tile_overlayer_lowered:
.L_overlay_start_2:
0x27: {  	(tag) =	ssettag $0x2  }
0x28: {  	s0 =	rddreg [dreg:$0x0];
	s2 =	stileid.u32  }
0x29: {  	s1 =	rddreg [dreg:$0x1];
	p0 =	sne.s32 s2, $0x0  }
0x2a: {  	s3 =	rddreg [dreg:$0x2];
	[bflag:$0x3] =	sbarrier.arrive $0xFFFF;
	s2 =	simm.s32 @!p0 $0x1C01  }
0x2b: {  	[timem:s3], [sflag:s2] =	dma.local @!p0 [hbm:s0], s1  }
0x2c: {  	s0 =	simm.s32 @!p0 $0x1  }
0x2d: {  	_ =	swait.ge @!p0 [sflag:s0], s1  }
0x2e: {  	s1 =	ssub.s32 @!p0 $0x0, s1;
	[sflag:s0] =	ssyncset.done @!p0 $0x0  }
0x2f: {  	[sflag:s0] =	ssyncadd.s32 @!p0 s1  }
0x30: {  	[bflag:$0x3] =	sbarrier.arrive $0xFFFF  }
0x31: {  	_ =	shalt  }

</sc_bundles>
